<compile_context>
chip_gen: v7x
topology: tpu7x:2x2x1
jax: 0.10.2.dev20260603
libtpu: 0.0.44.dev20260713+nightly
codegen_flags: <defaults>
</compile_context>

<pallas_src>
import jax
import jax.numpy as jnp
from jax import lax
from jax.experimental import pallas as pl
from jax.experimental.pallas import tpu as pltpu
from jax.experimental.pallas import tpu_sc as plsc

_B = 16384
_K = 100000
_D = 384

_NC = 2
_NS = 16
_NW = _NC * _NS
_BPW = _B // _NW
_C = 64
_NCHUNK = _BPW // _C
_NBUF = 5


def _schedule():
    units = []
    for lvl in range(3):
        sizes = [_C] * _NCHUNK
        if lvl == 0:
            sizes = [_C // 2, _C // 2] + [_C] * (_NCHUNK - 1)
        elif lvl == 2:
            sizes = [_C] * (_NCHUNK - 1) + [_C // 2, _C // 2]
        roff = 0
        for sz in sizes:
            units.append((lvl, lvl * _D, roff, sz))
            roff += sz
        assert roff == _BPW
    return units


_UNITS = _schedule()
_NUNIT = len(_UNITS)


def _gather_body(*refs):
    t0, t1, t2, cb0, cb1, cb2, out = refs[:7]
    rbufs = refs[7:7 + _NBUF]
    gsems = refs[7 + _NBUF:7 + 2 * _NBUF]
    osems = refs[7 + 2 * _NBUF:7 + 3 * _NBUF]
    ixs = refs[7 + 3 * _NBUF:]
    cbs = (cb0, cb1, cb2)

    wid = lax.axis_index("s") * _NC + lax.axis_index("c")
    base = wid * _BPW

    pltpu.sync_copy(t0.at[pl.ds(base, _BPW)], ixs[0])

    def fire_gather(j):
        lvl, _, roff, sz = _UNITS[j]
        pltpu.async_copy(cbs[lvl].at[ixs[lvl].at[pl.ds(roff, sz)]],
                         rbufs[j % _NBUF].at[pl.ds(0, sz), :],
                         gsems[j % _NBUF])

    def out_copy(j):
        _, col, roff, sz = _UNITS[j]
        return pltpu.make_async_copy(
            rbufs[j % _NBUF].at[pl.ds(0, sz), :],
            out.at[pl.ds(base + roff, sz), pl.ds(col, _D)],
            osems[j % _NBUF])

    for j in range(_NBUF):
        fire_gather(j)
    pltpu.sync_copy(t1.at[pl.ds(base, _BPW)], ixs[1])
    pltpu.sync_copy(t2.at[pl.ds(base, _BPW)], ixs[2])
    for j in range(_NUNIT):
        lvl, _, roff, sz = _UNITS[j]
        b = j % _NBUF
        pltpu.make_async_copy(cbs[lvl].at[ixs[lvl].at[pl.ds(roff, sz)]],
                              rbufs[b].at[pl.ds(0, sz), :], gsems[b]).wait()
        out_copy(j).start()
        if j + _NBUF < _NUNIT:
            out_copy(j).wait()
            fire_gather(j + _NBUF)
    for j in range(_NUNIT - _NBUF, _NUNIT):
        out_copy(j).wait()


def kernel(tokens, codebook0, codebook1, codebook2):
    t0 = tokens[:, 0]
    t1 = tokens[:, 1]
    t2 = tokens[:, 2]
    mesh = plsc.VectorSubcoreMesh(core_axis_name="c", subcore_axis_name="s")
    scratch = (
        [pltpu.VMEM((_C, _D), jnp.float32)] * _NBUF
        + [pltpu.SemaphoreType.DMA] * (2 * _NBUF)
        + [pltpu.VMEM((_BPW,), jnp.int32)] * 3
    )
    run = pl.kernel(
        _gather_body,
        out_type=jax.ShapeDtypeStruct((_B, 3 * _D), jnp.float32),
        mesh=mesh,
        scratch_types=scratch,
    )
    return run(t0, t1, t2, codebook0, codebook1, codebook2)

# --- scband reference (transcript-rebuilt; emitter-appended) ---
"""Pipeline reference for scband-hierarchical-feature-extractor-51110110823192 (READ-ONLY COPY).

The authoritative reference and input builder live on the scoring server;
editing this copy changes nothing except your own understanding.
"""

import jax, jax.numpy as jnp
import numpy as np

B = 16384
K = 100000
D = 384

def setup_inputs(seed: int = 0) -> dict:
    key = jax.random.key(seed)
    k1, k2, k3, k4 = jax.random.split(key, 4)
    tokens = jax.random.randint(k1, (B, 3), 0, K, dtype=jnp.int32)
    codebook0 = jax.random.normal(k2, (K, D), dtype=jnp.float32)
    codebook1 = jax.random.normal(k3, (K, D), dtype=jnp.float32)
    codebook2 = jax.random.normal(k4, (K, D), dtype=jnp.float32)
    return {"tokens": tokens, "codebook0": codebook0, "codebook1": codebook1, "codebook2": codebook2}

def reference(tokens, codebook0, codebook1, codebook2):
    # HRVQ hierarchical token lookup, 'concat' mode:
    # look up each level's index in its frozen codebook, concat -> [B, 3*D]
    e0 = jnp.take(codebook0, tokens[:, 0], axis=0)
    e1 = jnp.take(codebook1, tokens[:, 1], axis=0)
    e2 = jnp.take(codebook2, tokens[:, 2], axis=0)
    return jnp.concatenate([e0, e1, e2], axis=-1)

if __name__ == "__main__":
    import jax
    _d = setup_inputs()
    print(jax.jit(kernel)(*tuple(_d.values())))

</pallas_src>

<mosaic_0001>
#map = affine_map<(d0, d1) -> (0)>
#map1 = affine_map<(d0, d1) -> (0, 0)>
module attributes {stable_mosaic.version = 14 : i64} {
  func.func @_gather_body(%arg0: i32, %arg1: i32, %arg2: memref<16384xi32, #tpu.memory_space<hbm>>, %arg3: memref<16384xi32, #tpu.memory_space<hbm>>, %arg4: memref<16384xi32, #tpu.memory_space<hbm>>, %arg5: memref<100000x384xf32, #tpu.memory_space<hbm>>, %arg6: memref<100000x384xf32, #tpu.memory_space<hbm>>, %arg7: memref<100000x384xf32, #tpu.memory_space<hbm>>, %arg8: memref<16384x1152xf32, #tpu.memory_space<hbm>>, %arg9: memref<64x384xf32, #tpu.memory_space<vmem>>, %arg10: memref<64x384xf32, #tpu.memory_space<vmem>>, %arg11: memref<64x384xf32, #tpu.memory_space<vmem>>, %arg12: memref<64x384xf32, #tpu.memory_space<vmem>>, %arg13: memref<64x384xf32, #tpu.memory_space<vmem>>, %arg14: memref<!tpu.dma_semaphore, #tpu.memory_space<semaphore_mem>>, %arg15: memref<!tpu.dma_semaphore, #tpu.memory_space<semaphore_mem>>, %arg16: memref<!tpu.dma_semaphore, #tpu.memory_space<semaphore_mem>>, %arg17: memref<!tpu.dma_semaphore, #tpu.memory_space<semaphore_mem>>, %arg18: memref<!tpu.dma_semaphore, #tpu.memory_space<semaphore_mem>>, %arg19: memref<!tpu.dma_semaphore, #tpu.memory_space<semaphore_mem>>, %arg20: memref<!tpu.dma_semaphore, #tpu.memory_space<semaphore_mem>>, %arg21: memref<!tpu.dma_semaphore, #tpu.memory_space<semaphore_mem>>, %arg22: memref<!tpu.dma_semaphore, #tpu.memory_space<semaphore_mem>>, %arg23: memref<!tpu.dma_semaphore, #tpu.memory_space<semaphore_mem>>, %arg24: memref<512xi32, #tpu.memory_space<vmem>>, %arg25: memref<512xi32, #tpu.memory_space<vmem>>, %arg26: memref<512xi32, #tpu.memory_space<vmem>>) attributes {dimension_semantics = [#tpu.dimension_semantics<core_parallel>, #tpu.dimension_semantics<subcore_parallel>], iteration_bounds = array<i64: 2, 16>, scalar_prefetch = 0 : i64, scratch_operands = 18 : i64, tpu.core_type = #tpu.core_type<sc_vector_subcore>, window_params = [{transform_indices = #map}, {transform_indices = #map}, {transform_indices = #map}, {transform_indices = #map1}, {transform_indices = #map1}, {transform_indices = #map1}, {transform_indices = #map1}]} {
    %mul3A = arith.constant 2 : i32
    %mul3A_0 = arith.muli %arg1, %mul3A : i32
    %add3A = arith.addi %mul3A_0, %arg0 : i32
    %mul3A_1 = arith.constant 512 : i32
    %mul3A_2 = arith.muli %add3A, %mul3A_1 : i32
    "tpu.region"() ({
      %run_scoped3A = tpu.sem_alloc : memref<!tpu.dma_semaphore, #tpu.memory_space<semaphore_mem>>
      %dma_start3A_1041 = tpu.memref_slice %arg2[%mul3A_2] : memref<16384xi32, #tpu.memory_space<hbm>> -> memref<512xi32, #tpu.memory_space<hbm>>
      %dma_start3A_1042 = tpu.memref_slice %arg2[%mul3A_2] : memref<16384xi32, #tpu.memory_space<hbm>> -> memref<512xi32, #tpu.memory_space<hbm>>
      tpu.enqueue_dma source(%dma_start3A_1042 : memref<512xi32, #tpu.memory_space<hbm>>) target(%arg24 : memref<512xi32, #tpu.memory_space<vmem>>) target_semaphore(%run_scoped3A : memref<!tpu.dma_semaphore, #tpu.memory_space<semaphore_mem>>)
      %dma_wait3A_1043 = tpu.memref_slice %arg2[%mul3A_2] : memref<16384xi32, #tpu.memory_space<hbm>> -> memref<512xi32, #tpu.memory_space<hbm>>
      %dma_wait3A_1044 = tpu.memref_slice %arg2[%mul3A_2] : memref<16384xi32, #tpu.memory_space<hbm>> -> memref<512xi32, #tpu.memory_space<hbm>>
      tpu.wait_dma2 semaphore(%run_scoped3A : memref<!tpu.dma_semaphore, #tpu.memory_space<semaphore_mem>>) src(%dma_wait3A_1044 : memref<512xi32, #tpu.memory_space<hbm>>) dst(%arg24 : memref<512xi32, #tpu.memory_space<vmem>>)
      tpu.yield
    }) : () -> ()
    %dma_start3A = arith.constant 0 : i32
    %dma_start3A_3 = arith.constant 0 : i32
    %dma_start3A_4 = tpu.memref_slice %arg9[%dma_start3A, %dma_start3A_3] : memref<64x384xf32, #tpu.memory_space<vmem>> -> memref<32x384xf32, #tpu.memory_space<vmem>>
    %dma_start3A_5 = arith.constant 0 : i32
    %dma_start3A_6 = tpu.memref_slice %arg24[%dma_start3A_5] : memref<512xi32, #tpu.memory_space<vmem>> -> memref<32xi32, #tpu.memory_space<vmem>>
    %dma_start3A_7 = arith.constant 0 : i32
    %dma_start3A_8 = arith.constant 0 : i32
    %dma_start3A_9 = tpu.memref_slice %arg5[%dma_start3A_7, %dma_start3A_8] : memref<100000x384xf32, #tpu.memory_space<hbm>> -> memref<100000x384xf32, #tpu.memory_space<hbm>>
    tpu.enqueue_indirect_dma source(%dma_start3A_9 : memref<100000x384xf32, #tpu.memory_space<hbm>>) target(%dma_start3A_4 : memref<32x384xf32, #tpu.memory_space<vmem>>) offsets(%dma_start3A_6 : memref<32xi32, #tpu.memory_space<vmem>>) semaphore(%arg14 : memref<!tpu.dma_semaphore, #tpu.memory_space<semaphore_mem>>)
    %dma_start3A_10 = arith.constant 0 : i32
    %dma_start3A_11 = arith.constant 0 : i32
    %dma_start3A_12 = tpu.memref_slice %arg10[%dma_start3A_10, %dma_start3A_11] : memref<64x384xf32, #tpu.memory_space<vmem>> -> memref<32x384xf32, #tpu.memory_space<vmem>>
    %dma_start3A_13 = arith.constant 32 : i32
    %dma_start3A_14 = tpu.memref_slice %arg24[%dma_start3A_13] : memref<512xi32, #tpu.memory_space<vmem>> -> memref<32xi32, #tpu.memory_space<vmem>>
    %dma_start3A_15 = arith.constant 0 : i32
    %dma_start3A_16 = arith.constant 0 : i32
    %dma_start3A_17 = tpu.memref_slice %arg5[%dma_start3A_15, %dma_start3A_16] : memref<100000x384xf32, #tpu.memory_space<hbm>> -> memref<100000x384xf32, #tpu.memory_space<hbm>>
    tpu.enqueue_indirect_dma source(%dma_start3A_17 : memref<100000x384xf32, #tpu.memory_space<hbm>>) target(%dma_start3A_12 : memref<32x384xf32, #tpu.memory_space<vmem>>) offsets(%dma_start3A_14 : memref<32xi32, #tpu.memory_space<vmem>>) semaphore(%arg15 : memref<!tpu.dma_semaphore, #tpu.memory_space<semaphore_mem>>)
    %dma_start3A_18 = arith.constant 0 : i32
    %dma_start3A_19 = arith.constant 0 : i32
    %dma_start3A_20 = tpu.memref_slice %arg11[%dma_start3A_18, %dma_start3A_19] : memref<64x384xf32, #tpu.memory_space<vmem>> -> memref<64x384xf32, #tpu.memory_space<vmem>>
    %dma_start3A_21 = arith.constant 64 : i32
    %dma_start3A_22 = tpu.memref_slice %arg24[%dma_start3A_21] : memref<512xi32, #tpu.memory_space<vmem>> -> memref<64xi32, #tpu.memory_space<vmem>>
    %dma_start3A_23 = arith.constant 0 : i32
    %dma_start3A_24 = arith.constant 0 : i32
    %dma_start3A_25 = tpu.memref_slice %arg5[%dma_start3A_23, %dma_start3A_24] : memref<100000x384xf32, #tpu.memory_space<hbm>> -> memref<100000x384xf32, #tpu.memory_space<hbm>>
    tpu.enqueue_indirect_dma source(%dma_start3A_25 : memref<100000x384xf32, #tpu.memory_space<hbm>>) target(%dma_start3A_20 : memref<64x384xf32, #tpu.memory_space<vmem>>) offsets(%dma_start3A_22 : memref<64xi32, #tpu.memory_space<vmem>>) semaphore(%arg16 : memref<!tpu.dma_semaphore, #tpu.memory_space<semaphore_mem>>)
    %dma_start3A_26 = arith.constant 0 : i32
    %dma_start3A_27 = arith.constant 0 : i32
    %dma_start3A_28 = tpu.memref_slice %arg12[%dma_start3A_26, %dma_start3A_27] : memref<64x384xf32, #tpu.memory_space<vmem>> -> memref<64x384xf32, #tpu.memory_space<vmem>>
    %dma_start3A_29 = arith.constant 128 : i32
    %dma_start3A_30 = tpu.memref_slice %arg24[%dma_start3A_29] : memref<512xi32, #tpu.memory_space<vmem>> -> memref<64xi32, #tpu.memory_space<vmem>>
    %dma_start3A_31 = arith.constant 0 : i32
    %dma_start3A_32 = arith.constant 0 : i32
    %dma_start3A_33 = tpu.memref_slice %arg5[%dma_start3A_31, %dma_start3A_32] : memref<100000x384xf32, #tpu.memory_space<hbm>> -> memref<100000x384xf32, #tpu.memory_space<hbm>>
    tpu.enqueue_indirect_dma source(%dma_start3A_33 : memref<100000x384xf32, #tpu.memory_space<hbm>>) target(%dma_start3A_28 : memref<64x384xf32, #tpu.memory_space<vmem>>) offsets(%dma_start3A_30 : memref<64xi32, #tpu.memory_space<vmem>>) semaphore(%arg17 : memref<!tpu.dma_semaphore, #tpu.memory_space<semaphore_mem>>)
    %dma_start3A_34 = arith.constant 0 : i32
    %dma_start3A_35 = arith.constant 0 : i32
    %dma_start3A_36 = tpu.memref_slice %arg13[%dma_start3A_34, %dma_start3A_35] : memref<64x384xf32, #tpu.memory_space<vmem>> -> memref<64x384xf32, #tpu.memory_space<vmem>>
    %dma_start3A_37 = arith.constant 192 : i32
    %dma_start3A_38 = tpu.memref_slice %arg24[%dma_start3A_37] : memref<512xi32, #tpu.memory_space<vmem>> -> memref<64xi32, #tpu.memory_space<vmem>>
    %dma_start3A_39 = arith.constant 0 : i32
    %dma_start3A_40 = arith.constant 0 : i32
    %dma_start3A_41 = tpu.memref_slice %arg5[%dma_start3A_39, %dma_start3A_40] : memref<100000x384xf32, #tpu.memory_space<hbm>> -> memref<100000x384xf32, #tpu.memory_space<hbm>>
    tpu.enqueue_indirect_dma source(%dma_start3A_41 : memref<100000x384xf32, #tpu.memory_space<hbm>>) target(%dma_start3A_36 : memref<64x384xf32, #tpu.memory_space<vmem>>) offsets(%dma_start3A_38 : memref<64xi32, #tpu.memory_space<vmem>>) semaphore(%arg18 : memref<!tpu.dma_semaphore, #tpu.memory_space<semaphore_mem>>)
    "tpu.region"() ({
      %run_scoped3A = tpu.sem_alloc : memref<!tpu.dma_semaphore, #tpu.memory_space<semaphore_mem>>
      %dma_start3A_1041 = tpu.memref_slice %arg3[%mul3A_2] : memref<16384xi32, #tpu.memory_space<hbm>> -> memref<512xi32, #tpu.memory_space<hbm>>
      %dma_start3A_1042 = tpu.memref_slice %arg3[%mul3A_2] : memref<16384xi32, #tpu.memory_space<hbm>> -> memref<512xi32, #tpu.memory_space<hbm>>
      tpu.enqueue_dma source(%dma_start3A_1042 : memref<512xi32, #tpu.memory_space<hbm>>) target(%arg25 : memref<512xi32, #tpu.memory_space<vmem>>) target_semaphore(%run_scoped3A : memref<!tpu.dma_semaphore, #tpu.memory_space<semaphore_mem>>)
      %dma_wait3A_1043 = tpu.memref_slice %arg3[%mul3A_2] : memref<16384xi32, #tpu.memory_space<hbm>> -> memref<512xi32, #tpu.memory_space<hbm>>
      %dma_wait3A_1044 = tpu.memref_slice %arg3[%mul3A_2] : memref<16384xi32, #tpu.memory_space<hbm>> -> memref<512xi32, #tpu.memory_space<hbm>>
      tpu.wait_dma2 semaphore(%run_scoped3A : memref<!tpu.dma_semaphore, #tpu.memory_space<semaphore_mem>>) src(%dma_wait3A_1044 : memref<512xi32, #tpu.memory_space<hbm>>) dst(%arg25 : memref<512xi32, #tpu.memory_space<vmem>>)
      tpu.yield
    }) : () -> ()
    "tpu.region"() ({
      %run_scoped3A = tpu.sem_alloc : memref<!tpu.dma_semaphore, #tpu.memory_space<semaphore_mem>>
      %dma_start3A_1041 = tpu.memref_slice %arg4[%mul3A_2] : memref<16384xi32, #tpu.memory_space<hbm>> -> memref<512xi32, #tpu.memory_space<hbm>>
      %dma_start3A_1042 = tpu.memref_slice %arg4[%mul3A_2] : memref<16384xi32, #tpu.memory_space<hbm>> -> memref<512xi32, #tpu.memory_space<hbm>>
      tpu.enqueue_dma source(%dma_start3A_1042 : memref<512xi32, #tpu.memory_space<hbm>>) target(%arg26 : memref<512xi32, #tpu.memory_space<vmem>>) target_semaphore(%run_scoped3A : memref<!tpu.dma_semaphore, #tpu.memory_space<semaphore_mem>>)
      %dma_wait3A_1043 = tpu.memref_slice %arg4[%mul3A_2] : memref<16384xi32, #tpu.memory_space<hbm>> -> memref<512xi32, #tpu.memory_space<hbm>>
      %dma_wait3A_1044 = tpu.memref_slice %arg4[%mul3A_2] : memref<16384xi32, #tpu.memory_space<hbm>> -> memref<512xi32, #tpu.memory_space<hbm>>
      tpu.wait_dma2 semaphore(%run_scoped3A : memref<!tpu.dma_semaphore, #tpu.memory_space<semaphore_mem>>) src(%dma_wait3A_1044 : memref<512xi32, #tpu.memory_space<hbm>>) dst(%arg26 : memref<512xi32, #tpu.memory_space<vmem>>)
      tpu.yield
    }) : () -> ()
    %dma_wait3A = arith.constant 0 : i32
    %dma_wait3A_42 = arith.constant 0 : i32
    %dma_wait3A_43 = tpu.memref_slice %arg9[%dma_wait3A, %dma_wait3A_42] : memref<64x384xf32, #tpu.memory_space<vmem>> -> memref<32x384xf32, #tpu.memory_space<vmem>>
    %dma_wait3A_44 = arith.constant 0 : i32
    %dma_wait3A_45 = tpu.memref_slice %arg24[%dma_wait3A_44] : memref<512xi32, #tpu.memory_space<vmem>> -> memref<32xi32, #tpu.memory_space<vmem>>
    %dma_wait3A_46 = arith.constant 0 : i32
    %dma_wait3A_47 = arith.constant 0 : i32
    %dma_wait3A_48 = tpu.memref_slice %arg5[%dma_wait3A_46, %dma_wait3A_47] : memref<100000x384xf32, #tpu.memory_space<hbm>> -> memref<100000x384xf32, #tpu.memory_space<hbm>>
    tpu.wait_indirect_dma semaphore(%arg14 : memref<!tpu.dma_semaphore, #tpu.memory_space<semaphore_mem>>) src(%dma_wait3A_48 : memref<100000x384xf32, #tpu.memory_space<hbm>>) dst(%dma_wait3A_43 : memref<32x384xf32, #tpu.memory_space<vmem>>)
    %add3A_49 = arith.constant 0 : i32
    %add3A_50 = arith.addi %mul3A_2, %add3A_49 : i32
    %dma_start3A_51 = arith.constant 0 : i32
    %dma_start3A_52 = arith.constant 0 : i32
    %dma_start3A_53 = tpu.memref_slice %arg9[%dma_start3A_51, %dma_start3A_52] : memref<64x384xf32, #tpu.memory_space<vmem>> -> memref<32x384xf32, #tpu.memory_space<vmem>>
    %dma_start3A_54 = arith.constant 0 : i32
    %dma_start3A_55 = tpu.memref_slice %arg8[%add3A_50, %dma_start3A_54] : memref<16384x1152xf32, #tpu.memory_space<hbm>> -> memref<32x384xf32, #tpu.memory_space<hbm>>
    %dma_start3A_56 = arith.constant 0 : i32
    %dma_start3A_57 = tpu.memref_slice %arg8[%add3A_50, %dma_start3A_56] : memref<16384x1152xf32, #tpu.memory_space<hbm>> -> memref<32x384xf32, #tpu.memory_space<hbm>>
    %dma_start3A_58 = arith.constant 0 : i32
    %dma_start3A_59 = arith.constant 0 : i32
    %dma_start3A_60 = tpu.memref_slice %arg9[%dma_start3A_58, %dma_start3A_59] : memref<64x384xf32, #tpu.memory_space<vmem>> -> memref<32x384xf32, #tpu.memory_space<vmem>>
    tpu.enqueue_dma source(%dma_start3A_60 : memref<32x384xf32, #tpu.memory_space<vmem>>) target(%dma_start3A_57 : memref<32x384xf32, #tpu.memory_space<hbm>>) target_semaphore(%arg19 : memref<!tpu.dma_semaphore, #tpu.memory_space<semaphore_mem>>)
    %add3A_61 = arith.constant 0 : i32
    %add3A_62 = arith.addi %mul3A_2, %add3A_61 : i32
    %dma_wait3A_63 = arith.constant 0 : i32
    %dma_wait3A_64 = arith.constant 0 : i32
    %dma_wait3A_65 = tpu.memref_slice %arg9[%dma_wait3A_63, %dma_wait3A_64] : memref<64x384xf32, #tpu.memory_space<vmem>> -> memref<32x384xf32, #tpu.memory_space<vmem>>
    %dma_wait3A_66 = arith.constant 0 : i32
    %dma_wait3A_67 = tpu.memref_slice %arg8[%add3A_62, %dma_wait3A_66] : memref<16384x1152xf32, #tpu.memory_space<hbm>> -> memref<32x384xf32, #tpu.memory_space<hbm>>
    %dma_wait3A_68 = arith.constant 0 : i32
    %dma_wait3A_69 = tpu.memref_slice %arg8[%add3A_62, %dma_wait3A_68] : memref<16384x1152xf32, #tpu.memory_space<hbm>> -> memref<32x384xf32, #tpu.memory_space<hbm>>
    %dma_wait3A_70 = arith.constant 0 : i32
    %dma_wait3A_71 = arith.constant 0 : i32
    %dma_wait3A_72 = tpu.memref_slice %arg9[%dma_wait3A_70, %dma_wait3A_71] : memref<64x384xf32, #tpu.memory_space<vmem>> -> memref<32x384xf32, #tpu.memory_space<vmem>>
    tpu.wait_dma2 semaphore(%arg19 : memref<!tpu.dma_semaphore, #tpu.memory_space<semaphore_mem>>) src(%dma_wait3A_72 : memref<32x384xf32, #tpu.memory_space<vmem>>) dst(%dma_wait3A_69 : memref<32x384xf32, #tpu.memory_space<hbm>>)
    %dma_start3A_73 = arith.constant 0 : i32
    %dma_start3A_74 = arith.constant 0 : i32
    %dma_start3A_75 = tpu.memref_slice %arg9[%dma_start3A_73, %dma_start3A_74] : memref<64x384xf32, #tpu.memory_space<vmem>> -> memref<64x384xf32, #tpu.memory_space<vmem>>
    %dma_start3A_76 = arith.constant 256 : i32
    %dma_start3A_77 = tpu.memref_slice %arg24[%dma_start3A_76] : memref<512xi32, #tpu.memory_space<vmem>> -> memref<64xi32, #tpu.memory_space<vmem>>
    %dma_start3A_78 = arith.constant 0 : i32
    %dma_start3A_79 = arith.constant 0 : i32
    %dma_start3A_80 = tpu.memref_slice %arg5[%dma_start3A_78, %dma_start3A_79] : memref<100000x384xf32, #tpu.memory_space<hbm>> -> memref<100000x384xf32, #tpu.memory_space<hbm>>
    tpu.enqueue_indirect_dma source(%dma_start3A_80 : memref<100000x384xf32, #tpu.memory_space<hbm>>) target(%dma_start3A_75 : memref<64x384xf32, #tpu.memory_space<vmem>>) offsets(%dma_start3A_77 : memref<64xi32, #tpu.memory_space<vmem>>) semaphore(%arg14 : memref<!tpu.dma_semaphore, #tpu.memory_space<semaphore_mem>>)
    %dma_wait3A_81 = arith.constant 0 : i32
    %dma_wait3A_82 = arith.constant 0 : i32
    %dma_wait3A_83 = tpu.memref_slice %arg10[%dma_wait3A_81, %dma_wait3A_82] : memref<64x384xf32, #tpu.memory_space<vmem>> -> memref<32x384xf32, #tpu.memory_space<vmem>>
    %dma_wait3A_84 = arith.constant 32 : i32
    %dma_wait3A_85 = tpu.memref_slice %arg24[%dma_wait3A_84] : memref<512xi32, #tpu.memory_space<vmem>> -> memref<32xi32, #tpu.memory_space<vmem>>
    %dma_wait3A_86 = arith.constant 0 : i32
    %dma_wait3A_87 = arith.constant 0 : i32
    %dma_wait3A_88 = tpu.memref_slice %arg5[%dma_wait3A_86, %dma_wait3A_87] : memref<100000x384xf32, #tpu.memory_space<hbm>> -> memref<100000x384xf32, #tpu.memory_space<hbm>>
    tpu.wait_indirect_dma semaphore(%arg15 : memref<!tpu.dma_semaphore, #tpu.memory_space<semaphore_mem>>) src(%dma_wait3A_88 : memref<100000x384xf32, #tpu.memory_space<hbm>>) dst(%dma_wait3A_83 : memref<32x384xf32, #tpu.memory_space<vmem>>)
    %add3A_89 = arith.constant 32 : i32
    %add3A_90 = arith.addi %mul3A_2, %add3A_89 : i32
    %dma_start3A_91 = arith.constant 0 : i32
    %dma_start3A_92 = arith.constant 0 : i32
    %dma_start3A_93 = tpu.memref_slice %arg10[%dma_start3A_91, %dma_start3A_92] : memref<64x384xf32, #tpu.memory_space<vmem>> -> memref<32x384xf32, #tpu.memory_space<vmem>>
    %dma_start3A_94 = arith.constant 0 : i32
    %dma_start3A_95 = tpu.memref_slice %arg8[%add3A_90, %dma_start3A_94] : memref<16384x1152xf32, #tpu.memory_space<hbm>> -> memref<32x384xf32, #tpu.memory_space<hbm>>
    %dma_start3A_96 = arith.constant 0 : i32
    %dma_start3A_97 = tpu.memref_slice %arg8[%add3A_90, %dma_start3A_96] : memref<16384x1152xf32, #tpu.memory_space<hbm>> -> memref<32x384xf32, #tpu.memory_space<hbm>>
    %dma_start3A_98 = arith.constant 0 : i32
    %dma_start3A_99 = arith.constant 0 : i32
    %dma_start3A_100 = tpu.memref_slice %arg10[%dma_start3A_98, %dma_start3A_99] : memref<64x384xf32, #tpu.memory_space<vmem>> -> memref<32x384xf32, #tpu.memory_space<vmem>>
    tpu.enqueue_dma source(%dma_start3A_100 : memref<32x384xf32, #tpu.memory_space<vmem>>) target(%dma_start3A_97 : memref<32x384xf32, #tpu.memory_space<hbm>>) target_semaphore(%arg20 : memref<!tpu.dma_semaphore, #tpu.memory_space<semaphore_mem>>)
    %add3A_101 = arith.constant 32 : i32
    %add3A_102 = arith.addi %mul3A_2, %add3A_101 : i32
    %dma_wait3A_103 = arith.constant 0 : i32
    %dma_wait3A_104 = arith.constant 0 : i32
    %dma_wait3A_105 = tpu.memref_slice %arg10[%dma_wait3A_103, %dma_wait3A_104] : memref<64x384xf32, #tpu.memory_space<vmem>> -> memref<32x384xf32, #tpu.memory_space<vmem>>
    %dma_wait3A_106 = arith.constant 0 : i32
    %dma_wait3A_107 = tpu.memref_slice %arg8[%add3A_102, %dma_wait3A_106] : memref<16384x1152xf32, #tpu.memory_space<hbm>> -> memref<32x384xf32, #tpu.memory_space<hbm>>
    %dma_wait3A_108 = arith.constant 0 : i32
    %dma_wait3A_109 = tpu.memref_slice %arg8[%add3A_102, %dma_wait3A_108] : memref<16384x1152xf32, #tpu.memory_space<hbm>> -> memref<32x384xf32, #tpu.memory_space<hbm>>
    %dma_wait3A_110 = arith.constant 0 : i32
    %dma_wait3A_111 = arith.constant 0 : i32
    %dma_wait3A_112 = tpu.memref_slice %arg10[%dma_wait3A_110, %dma_wait3A_111] : memref<64x384xf32, #tpu.memory_space<vmem>> -> memref<32x384xf32, #tpu.memory_space<vmem>>
    tpu.wait_dma2 semaphore(%arg20 : memref<!tpu.dma_semaphore, #tpu.memory_space<semaphore_mem>>) src(%dma_wait3A_112 : memref<32x384xf32, #tpu.memory_space<vmem>>) dst(%dma_wait3A_109 : memref<32x384xf32, #tpu.memory_space<hbm>>)
    %dma_start3A_113 = arith.constant 0 : i32
    %dma_start3A_114 = arith.constant 0 : i32
    %dma_start3A_115 = tpu.memref_slice %arg10[%dma_start3A_113, %dma_start3A_114] : memref<64x384xf32, #tpu.memory_space<vmem>> -> memref<64x384xf32, #tpu.memory_space<vmem>>
    %dma_start3A_116 = arith.constant 320 : i32
    %dma_start3A_117 = tpu.memref_slice %arg24[%dma_start3A_116] : memref<512xi32, #tpu.memory_space<vmem>> -> memref<64xi32, #tpu.memory_space<vmem>>
    %dma_start3A_118 = arith.constant 0 : i32
    %dma_start3A_119 = arith.constant 0 : i32
    %dma_start3A_120 = tpu.memref_slice %arg5[%dma_start3A_118, %dma_start3A_119] : memref<100000x384xf32, #tpu.memory_space<hbm>> -> memref<100000x384xf32, #tpu.memory_space<hbm>>
    tpu.enqueue_indirect_dma source(%dma_start3A_120 : memref<100000x384xf32, #tpu.memory_space<hbm>>) target(%dma_start3A_115 : memref<64x384xf32, #tpu.memory_space<vmem>>) offsets(%dma_start3A_117 : memref<64xi32, #tpu.memory_space<vmem>>) semaphore(%arg15 : memref<!tpu.dma_semaphore, #tpu.memory_space<semaphore_mem>>)
    %dma_wait3A_121 = arith.constant 0 : i32
    %dma_wait3A_122 = arith.constant 0 : i32
    %dma_wait3A_123 = tpu.memref_slice %arg11[%dma_wait3A_121, %dma_wait3A_122] : memref<64x384xf32, #tpu.memory_space<vmem>> -> memref<64x384xf32, #tpu.memory_space<vmem>>
    %dma_wait3A_124 = arith.constant 64 : i32
    %dma_wait3A_125 = tpu.memref_slice %arg24[%dma_wait3A_124] : memref<512xi32, #tpu.memory_space<vmem>> -> memref<64xi32, #tpu.memory_space<vmem>>
    %dma_wait3A_126 = arith.constant 0 : i32
    %dma_wait3A_127 = arith.constant 0 : i32
    %dma_wait3A_128 = tpu.memref_slice %arg5[%dma_wait3A_126, %dma_wait3A_127] : memref<100000x384xf32, #tpu.memory_space<hbm>> -> memref<100000x384xf32, #tpu.memory_space<hbm>>
    tpu.wait_indirect_dma semaphore(%arg16 : memref<!tpu.dma_semaphore, #tpu.memory_space<semaphore_mem>>) src(%dma_wait3A_128 : memref<100000x384xf32, #tpu.memory_space<hbm>>) dst(%dma_wait3A_123 : memref<64x384xf32, #tpu.memory_space<vmem>>)
    %add3A_129 = arith.constant 64 : i32
    %add3A_130 = arith.addi %mul3A_2, %add3A_129 : i32
    %dma_start3A_131 = arith.constant 0 : i32
    %dma_start3A_132 = arith.constant 0 : i32
    %dma_start3A_133 = tpu.memref_slice %arg11[%dma_start3A_131, %dma_start3A_132] : memref<64x384xf32, #tpu.memory_space<vmem>> -> memref<64x384xf32, #tpu.memory_space<vmem>>
    %dma_start3A_134 = arith.constant 0 : i32
    %dma_start3A_135 = tpu.memref_slice %arg8[%add3A_130, %dma_start3A_134] : memref<16384x1152xf32, #tpu.memory_space<hbm>> -> memref<64x384xf32, #tpu.memory_space<hbm>>
    %dma_start3A_136 = arith.constant 0 : i32
    %dma_start3A_137 = tpu.memref_slice %arg8[%add3A_130, %dma_start3A_136] : memref<16384x1152xf32, #tpu.memory_space<hbm>> -> memref<64x384xf32, #tpu.memory_space<hbm>>
    %dma_start3A_138 = arith.constant 0 : i32
    %dma_start3A_139 = arith.constant 0 : i32
    %dma_start3A_140 = tpu.memref_slice %arg11[%dma_start3A_138, %dma_start3A_139] : memref<64x384xf32, #tpu.memory_space<vmem>> -> memref<64x384xf32, #tpu.memory_space<vmem>>
    tpu.enqueue_dma source(%dma_start3A_140 : memref<64x384xf32, #tpu.memory_space<vmem>>) target(%dma_start3A_137 : memref<64x384xf32, #tpu.memory_space<hbm>>) target_semaphore(%arg21 : memref<!tpu.dma_semaphore, #tpu.memory_space<semaphore_mem>>)
    %add3A_141 = arith.constant 64 : i32
    %add3A_142 = arith.addi %mul3A_2, %add3A_141 : i32
    %dma_wait3A_143 = arith.constant 0 : i32
    %dma_wait3A_144 = arith.constant 0 : i32
    %dma_wait3A_145 = tpu.memref_slice %arg11[%dma_wait3A_143, %dma_wait3A_144] : memref<64x384xf32, #tpu.memory_space<vmem>> -> memref<64x384xf32, #tpu.memory_space<vmem>>
    %dma_wait3A_146 = arith.constant 0 : i32
    %dma_wait3A_147 = tpu.memref_slice %arg8[%add3A_142, %dma_wait3A_146] : memref<16384x1152xf32, #tpu.memory_space<hbm>> -> memref<64x384xf32, #tpu.memory_space<hbm>>
    %dma_wait3A_148 = arith.constant 0 : i32
    %dma_wait3A_149 = tpu.memref_slice %arg8[%add3A_142, %dma_wait3A_148] : memref<16384x1152xf32, #tpu.memory_space<hbm>> -> memref<64x384xf32, #tpu.memory_space<hbm>>
    %dma_wait3A_150 = arith.constant 0 : i32
    %dma_wait3A_151 = arith.constant 0 : i32
    %dma_wait3A_152 = tpu.memref_slice %arg11[%dma_wait3A_150, %dma_wait3A_151] : memref<64x384xf32, #tpu.memory_space<vmem>> -> memref<64x384xf32, #tpu.memory_space<vmem>>
    tpu.wait_dma2 semaphore(%arg21 : memref<!tpu.dma_semaphore, #tpu.memory_space<semaphore_mem>>) src(%dma_wait3A_152 : memref<64x384xf32, #tpu.memory_space<vmem>>) dst(%dma_wait3A_149 : memref<64x384xf32, #tpu.memory_space<hbm>>)
    %dma_start3A_153 = arith.constant 0 : i32
    %dma_start3A_154 = arith.constant 0 : i32
    %dma_start3A_155 = tpu.memref_slice %arg11[%dma_start3A_153, %dma_start3A_154] : memref<64x384xf32, #tpu.memory_space<vmem>> -> memref<64x384xf32, #tpu.memory_space<vmem>>
    %dma_start3A_156 = arith.constant 384 : i32
    %dma_start3A_157 = tpu.memref_slice %arg24[%dma_start3A_156] : memref<512xi32, #tpu.memory_space<vmem>> -> memref<64xi32, #tpu.memory_space<vmem>>
    %dma_start3A_158 = arith.constant 0 : i32
    %dma_start3A_159 = arith.constant 0 : i32
    %dma_start3A_160 = tpu.memref_slice %arg5[%dma_start3A_158, %dma_start3A_159] : memref<100000x384xf32, #tpu.memory_space<hbm>> -> memref<100000x384xf32, #tpu.memory_space<hbm>>
    tpu.enqueue_indirect_dma source(%dma_start3A_160 : memref<100000x384xf32, #tpu.memory_space<hbm>>) target(%dma_start3A_155 : memref<64x384xf32, #tpu.memory_space<vmem>>) offsets(%dma_start3A_157 : memref<64xi32, #tpu.memory_space<vmem>>) semaphore(%arg16 : memref<!tpu.dma_semaphore, #tpu.memory_space<semaphore_mem>>)
    %dma_wait3A_161 = arith.constant 0 : i32
    %dma_wait3A_162 = arith.constant 0 : i32
    %dma_wait3A_163 = tpu.memref_slice %arg12[%dma_wait3A_161, %dma_wait3A_162] : memref<64x384xf32, #tpu.memory_space<vmem>> -> memref<64x384xf32, #tpu.memory_space<vmem>>
    %dma_wait3A_164 = arith.constant 128 : i32
    %dma_wait3A_165 = tpu.memref_slice %arg24[%dma_wait3A_164] : memref<512xi32, #tpu.memory_space<vmem>> -> memref<64xi32, #tpu.memory_space<vmem>>
    %dma_wait3A_166 = arith.constant 0 : i32
    %dma_wait3A_167 = arith.constant 0 : i32
    %dma_wait3A_168 = tpu.memref_slice %arg5[%dma_wait3A_166, %dma_wait3A_167] : memref<100000x384xf32, #tpu.memory_space<hbm>> -> memref<100000x384xf32, #tpu.memory_space<hbm>>
    tpu.wait_indirect_dma semaphore(%arg17 : memref<!tpu.dma_semaphore, #tpu.memory_space<semaphore_mem>>) src(%dma_wait3A_168 : memref<100000x384xf32, #tpu.memory_space<hbm>>) dst(%dma_wait3A_163 : memref<64x384xf32, #tpu.memory_space<vmem>>)
    %add3A_169 = arith.constant 128 : i32
    %add3A_170 = arith.addi %mul3A_2, %add3A_169 : i32
    %dma_start3A_171 = arith.constant 0 : i32
    %dma_start3A_172 = arith.constant 0 : i32
    %dma_start3A_173 = tpu.memref_slice %arg12[%dma_start3A_171, %dma_start3A_172] : memref<64x384xf32, #tpu.memory_space<vmem>> -> memref<64x384xf32, #tpu.memory_space<vmem>>
    %dma_start3A_174 = arith.constant 0 : i32
    %dma_start3A_175 = tpu.memref_slice %arg8[%add3A_170, %dma_start3A_174] : memref<16384x1152xf32, #tpu.memory_space<hbm>> -> memref<64x384xf32, #tpu.memory_space<hbm>>
    %dma_start3A_176 = arith.constant 0 : i32
    %dma_start3A_177 = tpu.memref_slice %arg8[%add3A_170, %dma_start3A_176] : memref<16384x1152xf32, #tpu.memory_space<hbm>> -> memref<64x384xf32, #tpu.memory_space<hbm>>
    %dma_start3A_178 = arith.constant 0 : i32
    %dma_start3A_179 = arith.constant 0 : i32
    %dma_start3A_180 = tpu.memref_slice %arg12[%dma_start3A_178, %dma_start3A_179] : memref<64x384xf32, #tpu.memory_space<vmem>> -> memref<64x384xf32, #tpu.memory_space<vmem>>
    tpu.enqueue_dma source(%dma_start3A_180 : memref<64x384xf32, #tpu.memory_space<vmem>>) target(%dma_start3A_177 : memref<64x384xf32, #tpu.memory_space<hbm>>) target_semaphore(%arg22 : memref<!tpu.dma_semaphore, #tpu.memory_space<semaphore_mem>>)
    %add3A_181 = arith.constant 128 : i32
    %add3A_182 = arith.addi %mul3A_2, %add3A_181 : i32
    %dma_wait3A_183 = arith.constant 0 : i32
    %dma_wait3A_184 = arith.constant 0 : i32
    %dma_wait3A_185 = tpu.memref_slice %arg12[%dma_wait3A_183, %dma_wait3A_184] : memref<64x384xf32, #tpu.memory_space<vmem>> -> memref<64x384xf32, #tpu.memory_space<vmem>>
    %dma_wait3A_186 = arith.constant 0 : i32
    %dma_wait3A_187 = tpu.memref_slice %arg8[%add3A_182, %dma_wait3A_186] : memref<16384x1152xf32, #tpu.memory_space<hbm>> -> memref<64x384xf32, #tpu.memory_space<hbm>>
    %dma_wait3A_188 = arith.constant 0 : i32
    %dma_wait3A_189 = tpu.memref_slice %arg8[%add3A_182, %dma_wait3A_188] : memref<16384x1152xf32, #tpu.memory_space<hbm>> -> memref<64x384xf32, #tpu.memory_space<hbm>>
    %dma_wait3A_190 = arith.constant 0 : i32
    %dma_wait3A_191 = arith.constant 0 : i32
    %dma_wait3A_192 = tpu.memref_slice %arg12[%dma_wait3A_190, %dma_wait3A_191] : memref<64x384xf32, #tpu.memory_space<vmem>> -> memref<64x384xf32, #tpu.memory_space<vmem>>
    tpu.wait_dma2 semaphore(%arg22 : memref<!tpu.dma_semaphore, #tpu.memory_space<semaphore_mem>>) src(%dma_wait3A_192 : memref<64x384xf32, #tpu.memory_space<vmem>>) dst(%dma_wait3A_189 : memref<64x384xf32, #tpu.memory_space<hbm>>)
    %dma_start3A_193 = arith.constant 0 : i32
    %dma_start3A_194 = arith.constant 0 : i32
    %dma_start3A_195 = tpu.memref_slice %arg12[%dma_start3A_193, %dma_start3A_194] : memref<64x384xf32, #tpu.memory_space<vmem>> -> memref<64x384xf32, #tpu.memory_space<vmem>>
    %dma_start3A_196 = arith.constant 448 : i32
    %dma_start3A_197 = tpu.memref_slice %arg24[%dma_start3A_196] : memref<512xi32, #tpu.memory_space<vmem>> -> memref<64xi32, #tpu.memory_space<vmem>>
    %dma_start3A_198 = arith.constant 0 : i32
    %dma_start3A_199 = arith.constant 0 : i32
    %dma_start3A_200 = tpu.memref_slice %arg5[%dma_start3A_198, %dma_start3A_199] : memref<100000x384xf32, #tpu.memory_space<hbm>> -> memref<100000x384xf32, #tpu.memory_space<hbm>>
    tpu.enqueue_indirect_dma source(%dma_start3A_200 : memref<100000x384xf32, #tpu.memory_space<hbm>>) target(%dma_start3A_195 : memref<64x384xf32, #tpu.memory_space<vmem>>) offsets(%dma_start3A_197 : memref<64xi32, #tpu.memory_space<vmem>>) semaphore(%arg17 : memref<!tpu.dma_semaphore, #tpu.memory_space<semaphore_mem>>)
    %dma_wait3A_201 = arith.constant 0 : i32
    %dma_wait3A_202 = arith.constant 0 : i32
    %dma_wait3A_203 = tpu.memref_slice %arg13[%dma_wait3A_201, %dma_wait3A_202] : memref<64x384xf32, #tpu.memory_space<vmem>> -> memref<64x384xf32, #tpu.memory_space<vmem>>
    %dma_wait3A_204 = arith.constant 192 : i32
    %dma_wait3A_205 = tpu.memref_slice %arg24[%dma_wait3A_204] : memref<512xi32, #tpu.memory_space<vmem>> -> memref<64xi32, #tpu.memory_space<vmem>>
    %dma_wait3A_206 = arith.constant 0 : i32
    %dma_wait3A_207 = arith.constant 0 : i32
    %dma_wait3A_208 = tpu.memref_slice %arg5[%dma_wait3A_206, %dma_wait3A_207] : memref<100000x384xf32, #tpu.memory_space<hbm>> -> memref<100000x384xf32, #tpu.memory_space<hbm>>
    tpu.wait_indirect_dma semaphore(%arg18 : memref<!tpu.dma_semaphore, #tpu.memory_space<semaphore_mem>>) src(%dma_wait3A_208 : memref<100000x384xf32, #tpu.memory_space<hbm>>) dst(%dma_wait3A_203 : memref<64x384xf32, #tpu.memory_space<vmem>>)
    %add3A_209 = arith.constant 192 : i32
    %add3A_210 = arith.addi %mul3A_2, %add3A_209 : i32
    %dma_start3A_211 = arith.constant 0 : i32
    %dma_start3A_212 = arith.constant 0 : i32
    %dma_start3A_213 = tpu.memref_slice %arg13[%dma_start3A_211, %dma_start3A_212] : memref<64x384xf32, #tpu.memory_space<vmem>> -> memref<64x384xf32, #tpu.memory_space<vmem>>
    %dma_start3A_214 = arith.constant 0 : i32
    %dma_start3A_215 = tpu.memref_slice %arg8[%add3A_210, %dma_start3A_214] : memref<16384x1152xf32, #tpu.memory_space<hbm>> -> memref<64x384xf32, #tpu.memory_space<hbm>>
    %dma_start3A_216 = arith.constant 0 : i32
    %dma_start3A_217 = tpu.memref_slice %arg8[%add3A_210, %dma_start3A_216] : memref<16384x1152xf32, #tpu.memory_space<hbm>> -> memref<64x384xf32, #tpu.memory_space<hbm>>
    %dma_start3A_218 = arith.constant 0 : i32
    %dma_start3A_219 = arith.constant 0 : i32
    %dma_start3A_220 = tpu.memref_slice %arg13[%dma_start3A_218, %dma_start3A_219] : memref<64x384xf32, #tpu.memory_space<vmem>> -> memref<64x384xf32, #tpu.memory_space<vmem>>
    tpu.enqueue_dma source(%dma_start3A_220 : memref<64x384xf32, #tpu.memory_space<vmem>>) target(%dma_start3A_217 : memref<64x384xf32, #tpu.memory_space<hbm>>) target_semaphore(%arg23 : memref<!tpu.dma_semaphore, #tpu.memory_space<semaphore_mem>>)
    %add3A_221 = arith.constant 192 : i32
    %add3A_222 = arith.addi %mul3A_2, %add3A_221 : i32
    %dma_wait3A_223 = arith.constant 0 : i32
    %dma_wait3A_224 = arith.constant 0 : i32
    %dma_wait3A_225 = tpu.memref_slice %arg13[%dma_wait3A_223, %dma_wait3A_224] : memref<64x384xf32, #tpu.memory_space<vmem>> -> memref<64x384xf32, #tpu.memory_space<vmem>>
    %dma_wait3A_226 = arith.constant 0 : i32
    %dma_wait3A_227 = tpu.memref_slice %arg8[%add3A_222, %dma_wait3A_226] : memref<16384x1152xf32, #tpu.memory_space<hbm>> -> memref<64x384xf32, #tpu.memory_space<hbm>>
    %dma_wait3A_228 = arith.constant 0 : i32
    %dma_wait3A_229 = tpu.memref_slice %arg8[%add3A_222, %dma_wait3A_228] : memref<16384x1152xf32, #tpu.memory_space<hbm>> -> memref<64x384xf32, #tpu.memory_space<hbm>>
    %dma_wait3A_230 = arith.constant 0 : i32
    %dma_wait3A_231 = arith.constant 0 : i32
    %dma_wait3A_232 = tpu.memref_slice %arg13[%dma_wait3A_230, %dma_wait3A_231] : memref<64x384xf32, #tpu.memory_space<vmem>> -> memref<64x384xf32, #tpu.memory_space<vmem>>
    tpu.wait_dma2 semaphore(%arg23 : memref<!tpu.dma_semaphore, #tpu.memory_space<semaphore_mem>>) src(%dma_wait3A_232 : memref<64x384xf32, #tpu.memory_space<vmem>>) dst(%dma_wait3A_229 : memref<64x384xf32, #tpu.memory_space<hbm>>)
    %dma_start3A_233 = arith.constant 0 : i32
    %dma_start3A_234 = arith.constant 0 : i32
    %dma_start3A_235 = tpu.memref_slice %arg13[%dma_start3A_233, %dma_start3A_234] : memref<64x384xf32, #tpu.memory_space<vmem>> -> memref<64x384xf32, #tpu.memory_space<vmem>>
    %dma_start3A_236 = arith.constant 0 : i32
    %dma_start3A_237 = tpu.memref_slice %arg25[%dma_start3A_236] : memref<512xi32, #tpu.memory_space<vmem>> -> memref<64xi32, #tpu.memory_space<vmem>>
    %dma_start3A_238 = arith.constant 0 : i32
    %dma_start3A_239 = arith.constant 0 : i32
    %dma_start3A_240 = tpu.memref_slice %arg6[%dma_start3A_238, %dma_start3A_239] : memref<100000x384xf32, #tpu.memory_space<hbm>> -> memref<100000x384xf32, #tpu.memory_space<hbm>>
    tpu.enqueue_indirect_dma source(%dma_start3A_240 : memref<100000x384xf32, #tpu.memory_space<hbm>>) target(%dma_start3A_235 : memref<64x384xf32, #tpu.memory_space<vmem>>) offsets(%dma_start3A_237 : memref<64xi32, #tpu.memory_space<vmem>>) semaphore(%arg18 : memref<!tpu.dma_semaphore, #tpu.memory_space<semaphore_mem>>)
    %dma_wait3A_241 = arith.constant 0 : i32
    %dma_wait3A_242 = arith.constant 0 : i32
    %dma_wait3A_243 = tpu.memref_slice %arg9[%dma_wait3A_241, %dma_wait3A_242] : memref<64x384xf32, #tpu.memory_space<vmem>> -> memref<64x384xf32, #tpu.memory_space<vmem>>
    %dma_wait3A_244 = arith.constant 256 : i32
    %dma_wait3A_245 = tpu.memref_slice %arg24[%dma_wait3A_244] : memref<512xi32, #tpu.memory_space<vmem>> -> memref<64xi32, #tpu.memory_space<vmem>>
    %dma_wait3A_246 = arith.constant 0 : i32
    %dma_wait3A_247 = arith.constant 0 : i32
    %dma_wait3A_248 = tpu.memref_slice %arg5[%dma_wait3A_246, %dma_wait3A_247] : memref<100000x384xf32, #tpu.memory_space<hbm>> -> memref<100000x384xf32, #tpu.memory_space<hbm>>
    tpu.wait_indirect_dma semaphore(%arg14 : memref<!tpu.dma_semaphore, #tpu.memory_space<semaphore_mem>>) src(%dma_wait3A_248 : memref<100000x384xf32, #tpu.memory_space<hbm>>) dst(%dma_wait3A_243 : memref<64x384xf32, #tpu.memory_space<vmem>>)
    %add3A_249 = arith.constant 256 : i32
    %add3A_250 = arith.addi %mul3A_2, %add3A_249 : i32
    %dma_start3A_251 = arith.constant 0 : i32
    %dma_start3A_252 = arith.constant 0 : i32
    %dma_start3A_253 = tpu.memref_slice %arg9[%dma_start3A_251, %dma_start3A_252] : memref<64x384xf32, #tpu.memory_space<vmem>> -> memref<64x384xf32, #tpu.memory_space<vmem>>
    %dma_start3A_254 = arith.constant 0 : i32
    %dma_start3A_255 = tpu.memref_slice %arg8[%add3A_250, %dma_start3A_254] : memref<16384x1152xf32, #tpu.memory_space<hbm>> -> memref<64x384xf32, #tpu.memory_space<hbm>>
    %dma_start3A_256 = arith.constant 0 : i32
    %dma_start3A_257 = tpu.memref_slice %arg8[%add3A_250, %dma_start3A_256] : memref<16384x1152xf32, #tpu.memory_space<hbm>> -> memref<64x384xf32, #tpu.memory_space<hbm>>
    %dma_start3A_258 = arith.constant 0 : i32
    %dma_start3A_259 = arith.constant 0 : i32
    %dma_start3A_260 = tpu.memref_slice %arg9[%dma_start3A_258, %dma_start3A_259] : memref<64x384xf32, #tpu.memory_space<vmem>> -> memref<64x384xf32, #tpu.memory_space<vmem>>
    tpu.enqueue_dma source(%dma_start3A_260 : memref<64x384xf32, #tpu.memory_space<vmem>>) target(%dma_start3A_257 : memref<64x384xf32, #tpu.memory_space<hbm>>) target_semaphore(%arg19 : memref<!tpu.dma_semaphore, #tpu.memory_space<semaphore_mem>>)
    %add3A_261 = arith.constant 256 : i32
    %add3A_262 = arith.addi %mul3A_2, %add3A_261 : i32
    %dma_wait3A_263 = arith.constant 0 : i32
    %dma_wait3A_264 = arith.constant 0 : i32
    %dma_wait3A_265 = tpu.memref_slice %arg9[%dma_wait3A_263, %dma_wait3A_264] : memref<64x384xf32, #tpu.memory_space<vmem>> -> memref<64x384xf32, #tpu.memory_space<vmem>>
    %dma_wait3A_266 = arith.constant 0 : i32
    %dma_wait3A_267 = tpu.memref_slice %arg8[%add3A_262, %dma_wait3A_266] : memref<16384x1152xf32, #tpu.memory_space<hbm>> -> memref<64x384xf32, #tpu.memory_space<hbm>>
    %dma_wait3A_268 = arith.constant 0 : i32
    %dma_wait3A_269 = tpu.memref_slice %arg8[%add3A_262, %dma_wait3A_268] : memref<16384x1152xf32, #tpu.memory_space<hbm>> -> memref<64x384xf32, #tpu.memory_space<hbm>>
    %dma_wait3A_270 = arith.constant 0 : i32
    %dma_wait3A_271 = arith.constant 0 : i32
    %dma_wait3A_272 = tpu.memref_slice %arg9[%dma_wait3A_270, %dma_wait3A_271] : memref<64x384xf32, #tpu.memory_space<vmem>> -> memref<64x384xf32, #tpu.memory_space<vmem>>
    tpu.wait_dma2 semaphore(%arg19 : memref<!tpu.dma_semaphore, #tpu.memory_space<semaphore_mem>>) src(%dma_wait3A_272 : memref<64x384xf32, #tpu.memory_space<vmem>>) dst(%dma_wait3A_269 : memref<64x384xf32, #tpu.memory_space<hbm>>)
    %dma_start3A_273 = arith.constant 0 : i32
    %dma_start3A_274 = arith.constant 0 : i32
    %dma_start3A_275 = tpu.memref_slice %arg9[%dma_start3A_273, %dma_start3A_274] : memref<64x384xf32, #tpu.memory_space<vmem>> -> memref<64x384xf32, #tpu.memory_space<vmem>>
    %dma_start3A_276 = arith.constant 64 : i32
    %dma_start3A_277 = tpu.memref_slice %arg25[%dma_start3A_276] : memref<512xi32, #tpu.memory_space<vmem>> -> memref<64xi32, #tpu.memory_space<vmem>>
    %dma_start3A_278 = arith.constant 0 : i32
    %dma_start3A_279 = arith.constant 0 : i32
    %dma_start3A_280 = tpu.memref_slice %arg6[%dma_start3A_278, %dma_start3A_279] : memref<100000x384xf32, #tpu.memory_space<hbm>> -> memref<100000x384xf32, #tpu.memory_space<hbm>>
    tpu.enqueue_indirect_dma source(%dma_start3A_280 : memref<100000x384xf32, #tpu.memory_space<hbm>>) target(%dma_start3A_275 : memref<64x384xf32, #tpu.memory_space<vmem>>) offsets(%dma_start3A_277 : memref<64xi32, #tpu.memory_space<vmem>>) semaphore(%arg14 : memref<!tpu.dma_semaphore, #tpu.memory_space<semaphore_mem>>)
    %dma_wait3A_281 = arith.constant 0 : i32
    %dma_wait3A_282 = arith.constant 0 : i32
    %dma_wait3A_283 = tpu.memref_slice %arg10[%dma_wait3A_281, %dma_wait3A_282] : memref<64x384xf32, #tpu.memory_space<vmem>> -> memref<64x384xf32, #tpu.memory_space<vmem>>
    %dma_wait3A_284 = arith.constant 320 : i32
    %dma_wait3A_285 = tpu.memref_slice %arg24[%dma_wait3A_284] : memref<512xi32, #tpu.memory_space<vmem>> -> memref<64xi32, #tpu.memory_space<vmem>>
    %dma_wait3A_286 = arith.constant 0 : i32
    %dma_wait3A_287 = arith.constant 0 : i32
    %dma_wait3A_288 = tpu.memref_slice %arg5[%dma_wait3A_286, %dma_wait3A_287] : memref<100000x384xf32, #tpu.memory_space<hbm>> -> memref<100000x384xf32, #tpu.memory_space<hbm>>
    tpu.wait_indirect_dma semaphore(%arg15 : memref<!tpu.dma_semaphore, #tpu.memory_space<semaphore_mem>>) src(%dma_wait3A_288 : memref<100000x384xf32, #tpu.memory_space<hbm>>) dst(%dma_wait3A_283 : memref<64x384xf32, #tpu.memory_space<vmem>>)
    %add3A_289 = arith.constant 320 : i32
    %add3A_290 = arith.addi %mul3A_2, %add3A_289 : i32
    %dma_start3A_291 = arith.constant 0 : i32
    %dma_start3A_292 = arith.constant 0 : i32
    %dma_start3A_293 = tpu.memref_slice %arg10[%dma_start3A_291, %dma_start3A_292] : memref<64x384xf32, #tpu.memory_space<vmem>> -> memref<64x384xf32, #tpu.memory_space<vmem>>
    %dma_start3A_294 = arith.constant 0 : i32
    %dma_start3A_295 = tpu.memref_slice %arg8[%add3A_290, %dma_start3A_294] : memref<16384x1152xf32, #tpu.memory_space<hbm>> -> memref<64x384xf32, #tpu.memory_space<hbm>>
    %dma_start3A_296 = arith.constant 0 : i32
    %dma_start3A_297 = tpu.memref_slice %arg8[%add3A_290, %dma_start3A_296] : memref<16384x1152xf32, #tpu.memory_space<hbm>> -> memref<64x384xf32, #tpu.memory_space<hbm>>
    %dma_start3A_298 = arith.constant 0 : i32
    %dma_start3A_299 = arith.constant 0 : i32
    %dma_start3A_300 = tpu.memref_slice %arg10[%dma_start3A_298, %dma_start3A_299] : memref<64x384xf32, #tpu.memory_space<vmem>> -> memref<64x384xf32, #tpu.memory_space<vmem>>
    tpu.enqueue_dma source(%dma_start3A_300 : memref<64x384xf32, #tpu.memory_space<vmem>>) target(%dma_start3A_297 : memref<64x384xf32, #tpu.memory_space<hbm>>) target_semaphore(%arg20 : memref<!tpu.dma_semaphore, #tpu.memory_space<semaphore_mem>>)
    %add3A_301 = arith.constant 320 : i32
    %add3A_302 = arith.addi %mul3A_2, %add3A_301 : i32
    %dma_wait3A_303 = arith.constant 0 : i32
    %dma_wait3A_304 = arith.constant 0 : i32
    %dma_wait3A_305 = tpu.memref_slice %arg10[%dma_wait3A_303, %dma_wait3A_304] : memref<64x384xf32, #tpu.memory_space<vmem>> -> memref<64x384xf32, #tpu.memory_space<vmem>>
    %dma_wait3A_306 = arith.constant 0 : i32
    %dma_wait3A_307 = tpu.memref_slice %arg8[%add3A_302, %dma_wait3A_306] : memref<16384x1152xf32, #tpu.memory_space<hbm>> -> memref<64x384xf32, #tpu.memory_space<hbm>>
    %dma_wait3A_308 = arith.constant 0 : i32
    %dma_wait3A_309 = tpu.memref_slice %arg8[%add3A_302, %dma_wait3A_308] : memref<16384x1152xf32, #tpu.memory_space<hbm>> -> memref<64x384xf32, #tpu.memory_space<hbm>>
    %dma_wait3A_310 = arith.constant 0 : i32
    %dma_wait3A_311 = arith.constant 0 : i32
    %dma_wait3A_312 = tpu.memref_slice %arg10[%dma_wait3A_310, %dma_wait3A_311] : memref<64x384xf32, #tpu.memory_space<vmem>> -> memref<64x384xf32, #tpu.memory_space<vmem>>
    tpu.wait_dma2 semaphore(%arg20 : memref<!tpu.dma_semaphore, #tpu.memory_space<semaphore_mem>>) src(%dma_wait3A_312 : memref<64x384xf32, #tpu.memory_space<vmem>>) dst(%dma_wait3A_309 : memref<64x384xf32, #tpu.memory_space<hbm>>)
    %dma_start3A_313 = arith.constant 0 : i32
    %dma_start3A_314 = arith.constant 0 : i32
    %dma_start3A_315 = tpu.memref_slice %arg10[%dma_start3A_313, %dma_start3A_314] : memref<64x384xf32, #tpu.memory_space<vmem>> -> memref<64x384xf32, #tpu.memory_space<vmem>>
    %dma_start3A_316 = arith.constant 128 : i32
    %dma_start3A_317 = tpu.memref_slice %arg25[%dma_start3A_316] : memref<512xi32, #tpu.memory_space<vmem>> -> memref<64xi32, #tpu.memory_space<vmem>>
    %dma_start3A_318 = arith.constant 0 : i32
    %dma_start3A_319 = arith.constant 0 : i32
    %dma_start3A_320 = tpu.memref_slice %arg6[%dma_start3A_318, %dma_start3A_319] : memref<100000x384xf32, #tpu.memory_space<hbm>> -> memref<100000x384xf32, #tpu.memory_space<hbm>>
    tpu.enqueue_indirect_dma source(%dma_start3A_320 : memref<100000x384xf32, #tpu.memory_space<hbm>>) target(%dma_start3A_315 : memref<64x384xf32, #tpu.memory_space<vmem>>) offsets(%dma_start3A_317 : memref<64xi32, #tpu.memory_space<vmem>>) semaphore(%arg15 : memref<!tpu.dma_semaphore, #tpu.memory_space<semaphore_mem>>)
    %dma_wait3A_321 = arith.constant 0 : i32
    %dma_wait3A_322 = arith.constant 0 : i32
    %dma_wait3A_323 = tpu.memref_slice %arg11[%dma_wait3A_321, %dma_wait3A_322] : memref<64x384xf32, #tpu.memory_space<vmem>> -> memref<64x384xf32, #tpu.memory_space<vmem>>
    %dma_wait3A_324 = arith.constant 384 : i32
    %dma_wait3A_325 = tpu.memref_slice %arg24[%dma_wait3A_324] : memref<512xi32, #tpu.memory_space<vmem>> -> memref<64xi32, #tpu.memory_space<vmem>>
    %dma_wait3A_326 = arith.constant 0 : i32
    %dma_wait3A_327 = arith.constant 0 : i32
    %dma_wait3A_328 = tpu.memref_slice %arg5[%dma_wait3A_326, %dma_wait3A_327] : memref<100000x384xf32, #tpu.memory_space<hbm>> -> memref<100000x384xf32, #tpu.memory_space<hbm>>
    tpu.wait_indirect_dma semaphore(%arg16 : memref<!tpu.dma_semaphore, #tpu.memory_space<semaphore_mem>>) src(%dma_wait3A_328 : memref<100000x384xf32, #tpu.memory_space<hbm>>) dst(%dma_wait3A_323 : memref<64x384xf32, #tpu.memory_space<vmem>>)
    %add3A_329 = arith.constant 384 : i32
    %add3A_330 = arith.addi %mul3A_2, %add3A_329 : i32
    %dma_start3A_331 = arith.constant 0 : i32
    %dma_start3A_332 = arith.constant 0 : i32
    %dma_start3A_333 = tpu.memref_slice %arg11[%dma_start3A_331, %dma_start3A_332] : memref<64x384xf32, #tpu.memory_space<vmem>> -> memref<64x384xf32, #tpu.memory_space<vmem>>
    %dma_start3A_334 = arith.constant 0 : i32
    %dma_start3A_335 = tpu.memref_slice %arg8[%add3A_330, %dma_start3A_334] : memref<16384x1152xf32, #tpu.memory_space<hbm>> -> memref<64x384xf32, #tpu.memory_space<hbm>>
    %dma_start3A_336 = arith.constant 0 : i32
    %dma_start3A_337 = tpu.memref_slice %arg8[%add3A_330, %dma_start3A_336] : memref<16384x1152xf32, #tpu.memory_space<hbm>> -> memref<64x384xf32, #tpu.memory_space<hbm>>
    %dma_start3A_338 = arith.constant 0 : i32
    %dma_start3A_339 = arith.constant 0 : i32
    %dma_start3A_340 = tpu.memref_slice %arg11[%dma_start3A_338, %dma_start3A_339] : memref<64x384xf32, #tpu.memory_space<vmem>> -> memref<64x384xf32, #tpu.memory_space<vmem>>
    tpu.enqueue_dma source(%dma_start3A_340 : memref<64x384xf32, #tpu.memory_space<vmem>>) target(%dma_start3A_337 : memref<64x384xf32, #tpu.memory_space<hbm>>) target_semaphore(%arg21 : memref<!tpu.dma_semaphore, #tpu.memory_space<semaphore_mem>>)
    %add3A_341 = arith.constant 384 : i32
    %add3A_342 = arith.addi %mul3A_2, %add3A_341 : i32
    %dma_wait3A_343 = arith.constant 0 : i32
    %dma_wait3A_344 = arith.constant 0 : i32
    %dma_wait3A_345 = tpu.memref_slice %arg11[%dma_wait3A_343, %dma_wait3A_344] : memref<64x384xf32, #tpu.memory_space<vmem>> -> memref<64x384xf32, #tpu.memory_space<vmem>>
    %dma_wait3A_346 = arith.constant 0 : i32
    %dma_wait3A_347 = tpu.memref_slice %arg8[%add3A_342, %dma_wait3A_346] : memref<16384x1152xf32, #tpu.memory_space<hbm>> -> memref<64x384xf32, #tpu.memory_space<hbm>>
    %dma_wait3A_348 = arith.constant 0 : i32
    %dma_wait3A_349 = tpu.memref_slice %arg8[%add3A_342, %dma_wait3A_348] : memref<16384x1152xf32, #tpu.memory_space<hbm>> -> memref<64x384xf32, #tpu.memory_space<hbm>>
    %dma_wait3A_350 = arith.constant 0 : i32
    %dma_wait3A_351 = arith.constant 0 : i32
    %dma_wait3A_352 = tpu.memref_slice %arg11[%dma_wait3A_350, %dma_wait3A_351] : memref<64x384xf32, #tpu.memory_space<vmem>> -> memref<64x384xf32, #tpu.memory_space<vmem>>
    tpu.wait_dma2 semaphore(%arg21 : memref<!tpu.dma_semaphore, #tpu.memory_space<semaphore_mem>>) src(%dma_wait3A_352 : memref<64x384xf32, #tpu.memory_space<vmem>>) dst(%dma_wait3A_349 : memref<64x384xf32, #tpu.memory_space<hbm>>)
    %dma_start3A_353 = arith.constant 0 : i32
    %dma_start3A_354 = arith.constant 0 : i32
    %dma_start3A_355 = tpu.memref_slice %arg11[%dma_start3A_353, %dma_start3A_354] : memref<64x384xf32, #tpu.memory_space<vmem>> -> memref<64x384xf32, #tpu.memory_space<vmem>>
    %dma_start3A_356 = arith.constant 192 : i32
    %dma_start3A_357 = tpu.memref_slice %arg25[%dma_start3A_356] : memref<512xi32, #tpu.memory_space<vmem>> -> memref<64xi32, #tpu.memory_space<vmem>>
    %dma_start3A_358 = arith.constant 0 : i32
    %dma_start3A_359 = arith.constant 0 : i32
    %dma_start3A_360 = tpu.memref_slice %arg6[%dma_start3A_358, %dma_start3A_359] : memref<100000x384xf32, #tpu.memory_space<hbm>> -> memref<100000x384xf32, #tpu.memory_space<hbm>>
    tpu.enqueue_indirect_dma source(%dma_start3A_360 : memref<100000x384xf32, #tpu.memory_space<hbm>>) target(%dma_start3A_355 : memref<64x384xf32, #tpu.memory_space<vmem>>) offsets(%dma_start3A_357 : memref<64xi32, #tpu.memory_space<vmem>>) semaphore(%arg16 : memref<!tpu.dma_semaphore, #tpu.memory_space<semaphore_mem>>)
    %dma_wait3A_361 = arith.constant 0 : i32
    %dma_wait3A_362 = arith.constant 0 : i32
    %dma_wait3A_363 = tpu.memref_slice %arg12[%dma_wait3A_361, %dma_wait3A_362] : memref<64x384xf32, #tpu.memory_space<vmem>> -> memref<64x384xf32, #tpu.memory_space<vmem>>
    %dma_wait3A_364 = arith.constant 448 : i32
    %dma_wait3A_365 = tpu.memref_slice %arg24[%dma_wait3A_364] : memref<512xi32, #tpu.memory_space<vmem>> -> memref<64xi32, #tpu.memory_space<vmem>>
    %dma_wait3A_366 = arith.constant 0 : i32
    %dma_wait3A_367 = arith.constant 0 : i32
    %dma_wait3A_368 = tpu.memref_slice %arg5[%dma_wait3A_366, %dma_wait3A_367] : memref<100000x384xf32, #tpu.memory_space<hbm>> -> memref<100000x384xf32, #tpu.memory_space<hbm>>
    tpu.wait_indirect_dma semaphore(%arg17 : memref<!tpu.dma_semaphore, #tpu.memory_space<semaphore_mem>>) src(%dma_wait3A_368 : memref<100000x384xf32, #tpu.memory_space<hbm>>) dst(%dma_wait3A_363 : memref<64x384xf32, #tpu.memory_space<vmem>>)
    %add3A_369 = arith.constant 448 : i32
    %add3A_370 = arith.addi %mul3A_2, %add3A_369 : i32
    %dma_start3A_371 = arith.constant 0 : i32
    %dma_start3A_372 = arith.constant 0 : i32
    %dma_start3A_373 = tpu.memref_slice %arg12[%dma_start3A_371, %dma_start3A_372] : memref<64x384xf32, #tpu.memory_space<vmem>> -> memref<64x384xf32, #tpu.memory_space<vmem>>
    %dma_start3A_374 = arith.constant 0 : i32
    %dma_start3A_375 = tpu.memref_slice %arg8[%add3A_370, %dma_start3A_374] : memref<16384x1152xf32, #tpu.memory_space<hbm>> -> memref<64x384xf32, #tpu.memory_space<hbm>>
    %dma_start3A_376 = arith.constant 0 : i32
    %dma_start3A_377 = tpu.memref_slice %arg8[%add3A_370, %dma_start3A_376] : memref<16384x1152xf32, #tpu.memory_space<hbm>> -> memref<64x384xf32, #tpu.memory_space<hbm>>
    %dma_start3A_378 = arith.constant 0 : i32
    %dma_start3A_379 = arith.constant 0 : i32
    %dma_start3A_380 = tpu.memref_slice %arg12[%dma_start3A_378, %dma_start3A_379] : memref<64x384xf32, #tpu.memory_space<vmem>> -> memref<64x384xf32, #tpu.memory_space<vmem>>
    tpu.enqueue_dma source(%dma_start3A_380 : memref<64x384xf32, #tpu.memory_space<vmem>>) target(%dma_start3A_377 : memref<64x384xf32, #tpu.memory_space<hbm>>) target_semaphore(%arg22 : memref<!tpu.dma_semaphore, #tpu.memory_space<semaphore_mem>>)
    %add3A_381 = arith.constant 448 : i32
    %add3A_382 = arith.addi %mul3A_2, %add3A_381 : i32
    %dma_wait3A_383 = arith.constant 0 : i32
    %dma_wait3A_384 = arith.constant 0 : i32
    %dma_wait3A_385 = tpu.memref_slice %arg12[%dma_wait3A_383, %dma_wait3A_384] : memref<64x384xf32, #tpu.memory_space<vmem>> -> memref<64x384xf32, #tpu.memory_space<vmem>>
    %dma_wait3A_386 = arith.constant 0 : i32
    %dma_wait3A_387 = tpu.memref_slice %arg8[%add3A_382, %dma_wait3A_386] : memref<16384x1152xf32, #tpu.memory_space<hbm>> -> memref<64x384xf32, #tpu.memory_space<hbm>>
    %dma_wait3A_388 = arith.constant 0 : i32
    %dma_wait3A_389 = tpu.memref_slice %arg8[%add3A_382, %dma_wait3A_388] : memref<16384x1152xf32, #tpu.memory_space<hbm>> -> memref<64x384xf32, #tpu.memory_space<hbm>>
    %dma_wait3A_390 = arith.constant 0 : i32
    %dma_wait3A_391 = arith.constant 0 : i32
    %dma_wait3A_392 = tpu.memref_slice %arg12[%dma_wait3A_390, %dma_wait3A_391] : memref<64x384xf32, #tpu.memory_space<vmem>> -> memref<64x384xf32, #tpu.memory_space<vmem>>
    tpu.wait_dma2 semaphore(%arg22 : memref<!tpu.dma_semaphore, #tpu.memory_space<semaphore_mem>>) src(%dma_wait3A_392 : memref<64x384xf32, #tpu.memory_space<vmem>>) dst(%dma_wait3A_389 : memref<64x384xf32, #tpu.memory_space<hbm>>)
    %dma_start3A_393 = arith.constant 0 : i32
    %dma_start3A_394 = arith.constant 0 : i32
    %dma_start3A_395 = tpu.memref_slice %arg12[%dma_start3A_393, %dma_start3A_394] : memref<64x384xf32, #tpu.memory_space<vmem>> -> memref<64x384xf32, #tpu.memory_space<vmem>>
    %dma_start3A_396 = arith.constant 256 : i32
    %dma_start3A_397 = tpu.memref_slice %arg25[%dma_start3A_396] : memref<512xi32, #tpu.memory_space<vmem>> -> memref<64xi32, #tpu.memory_space<vmem>>
    %dma_start3A_398 = arith.constant 0 : i32
    %dma_start3A_399 = arith.constant 0 : i32
    %dma_start3A_400 = tpu.memref_slice %arg6[%dma_start3A_398, %dma_start3A_399] : memref<100000x384xf32, #tpu.memory_space<hbm>> -> memref<100000x384xf32, #tpu.memory_space<hbm>>
    tpu.enqueue_indirect_dma source(%dma_start3A_400 : memref<100000x384xf32, #tpu.memory_space<hbm>>) target(%dma_start3A_395 : memref<64x384xf32, #tpu.memory_space<vmem>>) offsets(%dma_start3A_397 : memref<64xi32, #tpu.memory_space<vmem>>) semaphore(%arg17 : memref<!tpu.dma_semaphore, #tpu.memory_space<semaphore_mem>>)
    %dma_wait3A_401 = arith.constant 0 : i32
    %dma_wait3A_402 = arith.constant 0 : i32
    %dma_wait3A_403 = tpu.memref_slice %arg13[%dma_wait3A_401, %dma_wait3A_402] : memref<64x384xf32, #tpu.memory_space<vmem>> -> memref<64x384xf32, #tpu.memory_space<vmem>>
    %dma_wait3A_404 = arith.constant 0 : i32
    %dma_wait3A_405 = tpu.memref_slice %arg25[%dma_wait3A_404] : memref<512xi32, #tpu.memory_space<vmem>> -> memref<64xi32, #tpu.memory_space<vmem>>
    %dma_wait3A_406 = arith.constant 0 : i32
    %dma_wait3A_407 = arith.constant 0 : i32
    %dma_wait3A_408 = tpu.memref_slice %arg6[%dma_wait3A_406, %dma_wait3A_407] : memref<100000x384xf32, #tpu.memory_space<hbm>> -> memref<100000x384xf32, #tpu.memory_space<hbm>>
    tpu.wait_indirect_dma semaphore(%arg18 : memref<!tpu.dma_semaphore, #tpu.memory_space<semaphore_mem>>) src(%dma_wait3A_408 : memref<100000x384xf32, #tpu.memory_space<hbm>>) dst(%dma_wait3A_403 : memref<64x384xf32, #tpu.memory_space<vmem>>)
    %add3A_409 = arith.constant 0 : i32
    %add3A_410 = arith.addi %mul3A_2, %add3A_409 : i32
    %dma_start3A_411 = arith.constant 0 : i32
    %dma_start3A_412 = arith.constant 0 : i32
    %dma_start3A_413 = tpu.memref_slice %arg13[%dma_start3A_411, %dma_start3A_412] : memref<64x384xf32, #tpu.memory_space<vmem>> -> memref<64x384xf32, #tpu.memory_space<vmem>>
    %dma_start3A_414 = arith.constant 384 : i32
    %dma_start3A_415 = tpu.memref_slice %arg8[%add3A_410, %dma_start3A_414] : memref<16384x1152xf32, #tpu.memory_space<hbm>> -> memref<64x384xf32, #tpu.memory_space<hbm>>
    %dma_start3A_416 = arith.constant 384 : i32
    %dma_start3A_417 = tpu.memref_slice %arg8[%add3A_410, %dma_start3A_416] : memref<16384x1152xf32, #tpu.memory_space<hbm>> -> memref<64x384xf32, #tpu.memory_space<hbm>>
    %dma_start3A_418 = arith.constant 0 : i32
    %dma_start3A_419 = arith.constant 0 : i32
    %dma_start3A_420 = tpu.memref_slice %arg13[%dma_start3A_418, %dma_start3A_419] : memref<64x384xf32, #tpu.memory_space<vmem>> -> memref<64x384xf32, #tpu.memory_space<vmem>>
    tpu.enqueue_dma source(%dma_start3A_420 : memref<64x384xf32, #tpu.memory_space<vmem>>) target(%dma_start3A_417 : memref<64x384xf32, #tpu.memory_space<hbm>>) target_semaphore(%arg23 : memref<!tpu.dma_semaphore, #tpu.memory_space<semaphore_mem>>)
    %add3A_421 = arith.constant 0 : i32
    %add3A_422 = arith.addi %mul3A_2, %add3A_421 : i32
    %dma_wait3A_423 = arith.constant 0 : i32
    %dma_wait3A_424 = arith.constant 0 : i32
    %dma_wait3A_425 = tpu.memref_slice %arg13[%dma_wait3A_423, %dma_wait3A_424] : memref<64x384xf32, #tpu.memory_space<vmem>> -> memref<64x384xf32, #tpu.memory_space<vmem>>
    %dma_wait3A_426 = arith.constant 384 : i32
    %dma_wait3A_427 = tpu.memref_slice %arg8[%add3A_422, %dma_wait3A_426] : memref<16384x1152xf32, #tpu.memory_space<hbm>> -> memref<64x384xf32, #tpu.memory_space<hbm>>
    %dma_wait3A_428 = arith.constant 384 : i32
    %dma_wait3A_429 = tpu.memref_slice %arg8[%add3A_422, %dma_wait3A_428] : memref<16384x1152xf32, #tpu.memory_space<hbm>> -> memref<64x384xf32, #tpu.memory_space<hbm>>
    %dma_wait3A_430 = arith.constant 0 : i32
    %dma_wait3A_431 = arith.constant 0 : i32
    %dma_wait3A_432 = tpu.memref_slice %arg13[%dma_wait3A_430, %dma_wait3A_431] : memref<64x384xf32, #tpu.memory_space<vmem>> -> memref<64x384xf32, #tpu.memory_space<vmem>>
    tpu.wait_dma2 semaphore(%arg23 : memref<!tpu.dma_semaphore, #tpu.memory_space<semaphore_mem>>) src(%dma_wait3A_432 : memref<64x384xf32, #tpu.memory_space<vmem>>) dst(%dma_wait3A_429 : memref<64x384xf32, #tpu.memory_space<hbm>>)
    %dma_start3A_433 = arith.constant 0 : i32
    %dma_start3A_434 = arith.constant 0 : i32
    %dma_start3A_435 = tpu.memref_slice %arg13[%dma_start3A_433, %dma_start3A_434] : memref<64x384xf32, #tpu.memory_space<vmem>> -> memref<64x384xf32, #tpu.memory_space<vmem>>
    %dma_start3A_436 = arith.constant 320 : i32
    %dma_start3A_437 = tpu.memref_slice %arg25[%dma_start3A_436] : memref<512xi32, #tpu.memory_space<vmem>> -> memref<64xi32, #tpu.memory_space<vmem>>
    %dma_start3A_438 = arith.constant 0 : i32
    %dma_start3A_439 = arith.constant 0 : i32
    %dma_start3A_440 = tpu.memref_slice %arg6[%dma_start3A_438, %dma_start3A_439] : memref<100000x384xf32, #tpu.memory_space<hbm>> -> memref<100000x384xf32, #tpu.memory_space<hbm>>
    tpu.enqueue_indirect_dma source(%dma_start3A_440 : memref<100000x384xf32, #tpu.memory_space<hbm>>) target(%dma_start3A_435 : memref<64x384xf32, #tpu.memory_space<vmem>>) offsets(%dma_start3A_437 : memref<64xi32, #tpu.memory_space<vmem>>) semaphore(%arg18 : memref<!tpu.dma_semaphore, #tpu.memory_space<semaphore_mem>>)
    %dma_wait3A_441 = arith.constant 0 : i32
    %dma_wait3A_442 = arith.constant 0 : i32
    %dma_wait3A_443 = tpu.memref_slice %arg9[%dma_wait3A_441, %dma_wait3A_442] : memref<64x384xf32, #tpu.memory_space<vmem>> -> memref<64x384xf32, #tpu.memory_space<vmem>>
    %dma_wait3A_444 = arith.constant 64 : i32
    %dma_wait3A_445 = tpu.memref_slice %arg25[%dma_wait3A_444] : memref<512xi32, #tpu.memory_space<vmem>> -> memref<64xi32, #tpu.memory_space<vmem>>
    %dma_wait3A_446 = arith.constant 0 : i32
    %dma_wait3A_447 = arith.constant 0 : i32
    %dma_wait3A_448 = tpu.memref_slice %arg6[%dma_wait3A_446, %dma_wait3A_447] : memref<100000x384xf32, #tpu.memory_space<hbm>> -> memref<100000x384xf32, #tpu.memory_space<hbm>>
    tpu.wait_indirect_dma semaphore(%arg14 : memref<!tpu.dma_semaphore, #tpu.memory_space<semaphore_mem>>) src(%dma_wait3A_448 : memref<100000x384xf32, #tpu.memory_space<hbm>>) dst(%dma_wait3A_443 : memref<64x384xf32, #tpu.memory_space<vmem>>)
    %add3A_449 = arith.constant 64 : i32
    %add3A_450 = arith.addi %mul3A_2, %add3A_449 : i32
    %dma_start3A_451 = arith.constant 0 : i32
    %dma_start3A_452 = arith.constant 0 : i32
    %dma_start3A_453 = tpu.memref_slice %arg9[%dma_start3A_451, %dma_start3A_452] : memref<64x384xf32, #tpu.memory_space<vmem>> -> memref<64x384xf32, #tpu.memory_space<vmem>>
    %dma_start3A_454 = arith.constant 384 : i32
    %dma_start3A_455 = tpu.memref_slice %arg8[%add3A_450, %dma_start3A_454] : memref<16384x1152xf32, #tpu.memory_space<hbm>> -> memref<64x384xf32, #tpu.memory_space<hbm>>
    %dma_start3A_456 = arith.constant 384 : i32
    %dma_start3A_457 = tpu.memref_slice %arg8[%add3A_450, %dma_start3A_456] : memref<16384x1152xf32, #tpu.memory_space<hbm>> -> memref<64x384xf32, #tpu.memory_space<hbm>>
    %dma_start3A_458 = arith.constant 0 : i32
    %dma_start3A_459 = arith.constant 0 : i32
    %dma_start3A_460 = tpu.memref_slice %arg9[%dma_start3A_458, %dma_start3A_459] : memref<64x384xf32, #tpu.memory_space<vmem>> -> memref<64x384xf32, #tpu.memory_space<vmem>>
    tpu.enqueue_dma source(%dma_start3A_460 : memref<64x384xf32, #tpu.memory_space<vmem>>) target(%dma_start3A_457 : memref<64x384xf32, #tpu.memory_space<hbm>>) target_semaphore(%arg19 : memref<!tpu.dma_semaphore, #tpu.memory_space<semaphore_mem>>)
    %add3A_461 = arith.constant 64 : i32
    %add3A_462 = arith.addi %mul3A_2, %add3A_461 : i32
    %dma_wait3A_463 = arith.constant 0 : i32
    %dma_wait3A_464 = arith.constant 0 : i32
    %dma_wait3A_465 = tpu.memref_slice %arg9[%dma_wait3A_463, %dma_wait3A_464] : memref<64x384xf32, #tpu.memory_space<vmem>> -> memref<64x384xf32, #tpu.memory_space<vmem>>
    %dma_wait3A_466 = arith.constant 384 : i32
    %dma_wait3A_467 = tpu.memref_slice %arg8[%add3A_462, %dma_wait3A_466] : memref<16384x1152xf32, #tpu.memory_space<hbm>> -> memref<64x384xf32, #tpu.memory_space<hbm>>
    %dma_wait3A_468 = arith.constant 384 : i32
    %dma_wait3A_469 = tpu.memref_slice %arg8[%add3A_462, %dma_wait3A_468] : memref<16384x1152xf32, #tpu.memory_space<hbm>> -> memref<64x384xf32, #tpu.memory_space<hbm>>
    %dma_wait3A_470 = arith.constant 0 : i32
    %dma_wait3A_471 = arith.constant 0 : i32
    %dma_wait3A_472 = tpu.memref_slice %arg9[%dma_wait3A_470, %dma_wait3A_471] : memref<64x384xf32, #tpu.memory_space<vmem>> -> memref<64x384xf32, #tpu.memory_space<vmem>>
    tpu.wait_dma2 semaphore(%arg19 : memref<!tpu.dma_semaphore, #tpu.memory_space<semaphore_mem>>) src(%dma_wait3A_472 : memref<64x384xf32, #tpu.memory_space<vmem>>) dst(%dma_wait3A_469 : memref<64x384xf32, #tpu.memory_space<hbm>>)
    %dma_start3A_473 = arith.constant 0 : i32
    %dma_start3A_474 = arith.constant 0 : i32
    %dma_start3A_475 = tpu.memref_slice %arg9[%dma_start3A_473, %dma_start3A_474] : memref<64x384xf32, #tpu.memory_space<vmem>> -> memref<64x384xf32, #tpu.memory_space<vmem>>
    %dma_start3A_476 = arith.constant 384 : i32
    %dma_start3A_477 = tpu.memref_slice %arg25[%dma_start3A_476] : memref<512xi32, #tpu.memory_space<vmem>> -> memref<64xi32, #tpu.memory_space<vmem>>
    %dma_start3A_478 = arith.constant 0 : i32
    %dma_start3A_479 = arith.constant 0 : i32
    %dma_start3A_480 = tpu.memref_slice %arg6[%dma_start3A_478, %dma_start3A_479] : memref<100000x384xf32, #tpu.memory_space<hbm>> -> memref<100000x384xf32, #tpu.memory_space<hbm>>
    tpu.enqueue_indirect_dma source(%dma_start3A_480 : memref<100000x384xf32, #tpu.memory_space<hbm>>) target(%dma_start3A_475 : memref<64x384xf32, #tpu.memory_space<vmem>>) offsets(%dma_start3A_477 : memref<64xi32, #tpu.memory_space<vmem>>) semaphore(%arg14 : memref<!tpu.dma_semaphore, #tpu.memory_space<semaphore_mem>>)
    %dma_wait3A_481 = arith.constant 0 : i32
    %dma_wait3A_482 = arith.constant 0 : i32
    %dma_wait3A_483 = tpu.memref_slice %arg10[%dma_wait3A_481, %dma_wait3A_482] : memref<64x384xf32, #tpu.memory_space<vmem>> -> memref<64x384xf32, #tpu.memory_space<vmem>>
    %dma_wait3A_484 = arith.constant 128 : i32
    %dma_wait3A_485 = tpu.memref_slice %arg25[%dma_wait3A_484] : memref<512xi32, #tpu.memory_space<vmem>> -> memref<64xi32, #tpu.memory_space<vmem>>
    %dma_wait3A_486 = arith.constant 0 : i32
    %dma_wait3A_487 = arith.constant 0 : i32
    %dma_wait3A_488 = tpu.memref_slice %arg6[%dma_wait3A_486, %dma_wait3A_487] : memref<100000x384xf32, #tpu.memory_space<hbm>> -> memref<100000x384xf32, #tpu.memory_space<hbm>>
    tpu.wait_indirect_dma semaphore(%arg15 : memref<!tpu.dma_semaphore, #tpu.memory_space<semaphore_mem>>) src(%dma_wait3A_488 : memref<100000x384xf32, #tpu.memory_space<hbm>>) dst(%dma_wait3A_483 : memref<64x384xf32, #tpu.memory_space<vmem>>)
    %add3A_489 = arith.constant 128 : i32
    %add3A_490 = arith.addi %mul3A_2, %add3A_489 : i32
    %dma_start3A_491 = arith.constant 0 : i32
    %dma_start3A_492 = arith.constant 0 : i32
    %dma_start3A_493 = tpu.memref_slice %arg10[%dma_start3A_491, %dma_start3A_492] : memref<64x384xf32, #tpu.memory_space<vmem>> -> memref<64x384xf32, #tpu.memory_space<vmem>>
    %dma_start3A_494 = arith.constant 384 : i32
    %dma_start3A_495 = tpu.memref_slice %arg8[%add3A_490, %dma_start3A_494] : memref<16384x1152xf32, #tpu.memory_space<hbm>> -> memref<64x384xf32, #tpu.memory_space<hbm>>
    %dma_start3A_496 = arith.constant 384 : i32
    %dma_start3A_497 = tpu.memref_slice %arg8[%add3A_490, %dma_start3A_496] : memref<16384x1152xf32, #tpu.memory_space<hbm>> -> memref<64x384xf32, #tpu.memory_space<hbm>>
    %dma_start3A_498 = arith.constant 0 : i32
    %dma_start3A_499 = arith.constant 0 : i32
    %dma_start3A_500 = tpu.memref_slice %arg10[%dma_start3A_498, %dma_start3A_499] : memref<64x384xf32, #tpu.memory_space<vmem>> -> memref<64x384xf32, #tpu.memory_space<vmem>>
    tpu.enqueue_dma source(%dma_start3A_500 : memref<64x384xf32, #tpu.memory_space<vmem>>) target(%dma_start3A_497 : memref<64x384xf32, #tpu.memory_space<hbm>>) target_semaphore(%arg20 : memref<!tpu.dma_semaphore, #tpu.memory_space<semaphore_mem>>)
    %add3A_501 = arith.constant 128 : i32
    %add3A_502 = arith.addi %mul3A_2, %add3A_501 : i32
    %dma_wait3A_503 = arith.constant 0 : i32
    %dma_wait3A_504 = arith.constant 0 : i32
    %dma_wait3A_505 = tpu.memref_slice %arg10[%dma_wait3A_503, %dma_wait3A_504] : memref<64x384xf32, #tpu.memory_space<vmem>> -> memref<64x384xf32, #tpu.memory_space<vmem>>
    %dma_wait3A_506 = arith.constant 384 : i32
    %dma_wait3A_507 = tpu.memref_slice %arg8[%add3A_502, %dma_wait3A_506] : memref<16384x1152xf32, #tpu.memory_space<hbm>> -> memref<64x384xf32, #tpu.memory_space<hbm>>
    %dma_wait3A_508 = arith.constant 384 : i32
    %dma_wait3A_509 = tpu.memref_slice %arg8[%add3A_502, %dma_wait3A_508] : memref<16384x1152xf32, #tpu.memory_space<hbm>> -> memref<64x384xf32, #tpu.memory_space<hbm>>
    %dma_wait3A_510 = arith.constant 0 : i32
    %dma_wait3A_511 = arith.constant 0 : i32
    %dma_wait3A_512 = tpu.memref_slice %arg10[%dma_wait3A_510, %dma_wait3A_511] : memref<64x384xf32, #tpu.memory_space<vmem>> -> memref<64x384xf32, #tpu.memory_space<vmem>>
    tpu.wait_dma2 semaphore(%arg20 : memref<!tpu.dma_semaphore, #tpu.memory_space<semaphore_mem>>) src(%dma_wait3A_512 : memref<64x384xf32, #tpu.memory_space<vmem>>) dst(%dma_wait3A_509 : memref<64x384xf32, #tpu.memory_space<hbm>>)
    %dma_start3A_513 = arith.constant 0 : i32
    %dma_start3A_514 = arith.constant 0 : i32
    %dma_start3A_515 = tpu.memref_slice %arg10[%dma_start3A_513, %dma_start3A_514] : memref<64x384xf32, #tpu.memory_space<vmem>> -> memref<64x384xf32, #tpu.memory_space<vmem>>
    %dma_start3A_516 = arith.constant 448 : i32
    %dma_start3A_517 = tpu.memref_slice %arg25[%dma_start3A_516] : memref<512xi32, #tpu.memory_space<vmem>> -> memref<64xi32, #tpu.memory_space<vmem>>
    %dma_start3A_518 = arith.constant 0 : i32
    %dma_start3A_519 = arith.constant 0 : i32
    %dma_start3A_520 = tpu.memref_slice %arg6[%dma_start3A_518, %dma_start3A_519] : memref<100000x384xf32, #tpu.memory_space<hbm>> -> memref<100000x384xf32, #tpu.memory_space<hbm>>
    tpu.enqueue_indirect_dma source(%dma_start3A_520 : memref<100000x384xf32, #tpu.memory_space<hbm>>) target(%dma_start3A_515 : memref<64x384xf32, #tpu.memory_space<vmem>>) offsets(%dma_start3A_517 : memref<64xi32, #tpu.memory_space<vmem>>) semaphore(%arg15 : memref<!tpu.dma_semaphore, #tpu.memory_space<semaphore_mem>>)
    %dma_wait3A_521 = arith.constant 0 : i32
    %dma_wait3A_522 = arith.constant 0 : i32
    %dma_wait3A_523 = tpu.memref_slice %arg11[%dma_wait3A_521, %dma_wait3A_522] : memref<64x384xf32, #tpu.memory_space<vmem>> -> memref<64x384xf32, #tpu.memory_space<vmem>>
    %dma_wait3A_524 = arith.constant 192 : i32
    %dma_wait3A_525 = tpu.memref_slice %arg25[%dma_wait3A_524] : memref<512xi32, #tpu.memory_space<vmem>> -> memref<64xi32, #tpu.memory_space<vmem>>
    %dma_wait3A_526 = arith.constant 0 : i32
    %dma_wait3A_527 = arith.constant 0 : i32
    %dma_wait3A_528 = tpu.memref_slice %arg6[%dma_wait3A_526, %dma_wait3A_527] : memref<100000x384xf32, #tpu.memory_space<hbm>> -> memref<100000x384xf32, #tpu.memory_space<hbm>>
    tpu.wait_indirect_dma semaphore(%arg16 : memref<!tpu.dma_semaphore, #tpu.memory_space<semaphore_mem>>) src(%dma_wait3A_528 : memref<100000x384xf32, #tpu.memory_space<hbm>>) dst(%dma_wait3A_523 : memref<64x384xf32, #tpu.memory_space<vmem>>)
    %add3A_529 = arith.constant 192 : i32
    %add3A_530 = arith.addi %mul3A_2, %add3A_529 : i32
    %dma_start3A_531 = arith.constant 0 : i32
    %dma_start3A_532 = arith.constant 0 : i32
    %dma_start3A_533 = tpu.memref_slice %arg11[%dma_start3A_531, %dma_start3A_532] : memref<64x384xf32, #tpu.memory_space<vmem>> -> memref<64x384xf32, #tpu.memory_space<vmem>>
    %dma_start3A_534 = arith.constant 384 : i32
    %dma_start3A_535 = tpu.memref_slice %arg8[%add3A_530, %dma_start3A_534] : memref<16384x1152xf32, #tpu.memory_space<hbm>> -> memref<64x384xf32, #tpu.memory_space<hbm>>
    %dma_start3A_536 = arith.constant 384 : i32
    %dma_start3A_537 = tpu.memref_slice %arg8[%add3A_530, %dma_start3A_536] : memref<16384x1152xf32, #tpu.memory_space<hbm>> -> memref<64x384xf32, #tpu.memory_space<hbm>>
    %dma_start3A_538 = arith.constant 0 : i32
    %dma_start3A_539 = arith.constant 0 : i32
    %dma_start3A_540 = tpu.memref_slice %arg11[%dma_start3A_538, %dma_start3A_539] : memref<64x384xf32, #tpu.memory_space<vmem>> -> memref<64x384xf32, #tpu.memory_space<vmem>>
    tpu.enqueue_dma source(%dma_start3A_540 : memref<64x384xf32, #tpu.memory_space<vmem>>) target(%dma_start3A_537 : memref<64x384xf32, #tpu.memory_space<hbm>>) target_semaphore(%arg21 : memref<!tpu.dma_semaphore, #tpu.memory_space<semaphore_mem>>)
    %add3A_541 = arith.constant 192 : i32
    %add3A_542 = arith.addi %mul3A_2, %add3A_541 : i32
    %dma_wait3A_543 = arith.constant 0 : i32
    %dma_wait3A_544 = arith.constant 0 : i32
    %dma_wait3A_545 = tpu.memref_slice %arg11[%dma_wait3A_543, %dma_wait3A_544] : memref<64x384xf32, #tpu.memory_space<vmem>> -> memref<64x384xf32, #tpu.memory_space<vmem>>
    %dma_wait3A_546 = arith.constant 384 : i32
    %dma_wait3A_547 = tpu.memref_slice %arg8[%add3A_542, %dma_wait3A_546] : memref<16384x1152xf32, #tpu.memory_space<hbm>> -> memref<64x384xf32, #tpu.memory_space<hbm>>
    %dma_wait3A_548 = arith.constant 384 : i32
    %dma_wait3A_549 = tpu.memref_slice %arg8[%add3A_542, %dma_wait3A_548] : memref<16384x1152xf32, #tpu.memory_space<hbm>> -> memref<64x384xf32, #tpu.memory_space<hbm>>
    %dma_wait3A_550 = arith.constant 0 : i32
    %dma_wait3A_551 = arith.constant 0 : i32
    %dma_wait3A_552 = tpu.memref_slice %arg11[%dma_wait3A_550, %dma_wait3A_551] : memref<64x384xf32, #tpu.memory_space<vmem>> -> memref<64x384xf32, #tpu.memory_space<vmem>>
    tpu.wait_dma2 semaphore(%arg21 : memref<!tpu.dma_semaphore, #tpu.memory_space<semaphore_mem>>) src(%dma_wait3A_552 : memref<64x384xf32, #tpu.memory_space<vmem>>) dst(%dma_wait3A_549 : memref<64x384xf32, #tpu.memory_space<hbm>>)
    %dma_start3A_553 = arith.constant 0 : i32
    %dma_start3A_554 = arith.constant 0 : i32
    %dma_start3A_555 = tpu.memref_slice %arg11[%dma_start3A_553, %dma_start3A_554] : memref<64x384xf32, #tpu.memory_space<vmem>> -> memref<64x384xf32, #tpu.memory_space<vmem>>
    %dma_start3A_556 = arith.constant 0 : i32
    %dma_start3A_557 = tpu.memref_slice %arg26[%dma_start3A_556] : memref<512xi32, #tpu.memory_space<vmem>> -> memref<64xi32, #tpu.memory_space<vmem>>
    %dma_start3A_558 = arith.constant 0 : i32
    %dma_start3A_559 = arith.constant 0 : i32
    %dma_start3A_560 = tpu.memref_slice %arg7[%dma_start3A_558, %dma_start3A_559] : memref<100000x384xf32, #tpu.memory_space<hbm>> -> memref<100000x384xf32, #tpu.memory_space<hbm>>
    tpu.enqueue_indirect_dma source(%dma_start3A_560 : memref<100000x384xf32, #tpu.memory_space<hbm>>) target(%dma_start3A_555 : memref<64x384xf32, #tpu.memory_space<vmem>>) offsets(%dma_start3A_557 : memref<64xi32, #tpu.memory_space<vmem>>) semaphore(%arg16 : memref<!tpu.dma_semaphore, #tpu.memory_space<semaphore_mem>>)
    %dma_wait3A_561 = arith.constant 0 : i32
    %dma_wait3A_562 = arith.constant 0 : i32
    %dma_wait3A_563 = tpu.memref_slice %arg12[%dma_wait3A_561, %dma_wait3A_562] : memref<64x384xf32, #tpu.memory_space<vmem>> -> memref<64x384xf32, #tpu.memory_space<vmem>>
    %dma_wait3A_564 = arith.constant 256 : i32
    %dma_wait3A_565 = tpu.memref_slice %arg25[%dma_wait3A_564] : memref<512xi32, #tpu.memory_space<vmem>> -> memref<64xi32, #tpu.memory_space<vmem>>
    %dma_wait3A_566 = arith.constant 0 : i32
    %dma_wait3A_567 = arith.constant 0 : i32
    %dma_wait3A_568 = tpu.memref_slice %arg6[%dma_wait3A_566, %dma_wait3A_567] : memref<100000x384xf32, #tpu.memory_space<hbm>> -> memref<100000x384xf32, #tpu.memory_space<hbm>>
    tpu.wait_indirect_dma semaphore(%arg17 : memref<!tpu.dma_semaphore, #tpu.memory_space<semaphore_mem>>) src(%dma_wait3A_568 : memref<100000x384xf32, #tpu.memory_space<hbm>>) dst(%dma_wait3A_563 : memref<64x384xf32, #tpu.memory_space<vmem>>)
    %add3A_569 = arith.constant 256 : i32
    %add3A_570 = arith.addi %mul3A_2, %add3A_569 : i32
    %dma_start3A_571 = arith.constant 0 : i32
    %dma_start3A_572 = arith.constant 0 : i32
    %dma_start3A_573 = tpu.memref_slice %arg12[%dma_start3A_571, %dma_start3A_572] : memref<64x384xf32, #tpu.memory_space<vmem>> -> memref<64x384xf32, #tpu.memory_space<vmem>>
    %dma_start3A_574 = arith.constant 384 : i32
    %dma_start3A_575 = tpu.memref_slice %arg8[%add3A_570, %dma_start3A_574] : memref<16384x1152xf32, #tpu.memory_space<hbm>> -> memref<64x384xf32, #tpu.memory_space<hbm>>
    %dma_start3A_576 = arith.constant 384 : i32
    %dma_start3A_577 = tpu.memref_slice %arg8[%add3A_570, %dma_start3A_576] : memref<16384x1152xf32, #tpu.memory_space<hbm>> -> memref<64x384xf32, #tpu.memory_space<hbm>>
    %dma_start3A_578 = arith.constant 0 : i32
    %dma_start3A_579 = arith.constant 0 : i32
    %dma_start3A_580 = tpu.memref_slice %arg12[%dma_start3A_578, %dma_start3A_579] : memref<64x384xf32, #tpu.memory_space<vmem>> -> memref<64x384xf32, #tpu.memory_space<vmem>>
    tpu.enqueue_dma source(%dma_start3A_580 : memref<64x384xf32, #tpu.memory_space<vmem>>) target(%dma_start3A_577 : memref<64x384xf32, #tpu.memory_space<hbm>>) target_semaphore(%arg22 : memref<!tpu.dma_semaphore, #tpu.memory_space<semaphore_mem>>)
    %add3A_581 = arith.constant 256 : i32
    %add3A_582 = arith.addi %mul3A_2, %add3A_581 : i32
    %dma_wait3A_583 = arith.constant 0 : i32
    %dma_wait3A_584 = arith.constant 0 : i32
    %dma_wait3A_585 = tpu.memref_slice %arg12[%dma_wait3A_583, %dma_wait3A_584] : memref<64x384xf32, #tpu.memory_space<vmem>> -> memref<64x384xf32, #tpu.memory_space<vmem>>
    %dma_wait3A_586 = arith.constant 384 : i32
    %dma_wait3A_587 = tpu.memref_slice %arg8[%add3A_582, %dma_wait3A_586] : memref<16384x1152xf32, #tpu.memory_space<hbm>> -> memref<64x384xf32, #tpu.memory_space<hbm>>
    %dma_wait3A_588 = arith.constant 384 : i32
    %dma_wait3A_589 = tpu.memref_slice %arg8[%add3A_582, %dma_wait3A_588] : memref<16384x1152xf32, #tpu.memory_space<hbm>> -> memref<64x384xf32, #tpu.memory_space<hbm>>
    %dma_wait3A_590 = arith.constant 0 : i32
    %dma_wait3A_591 = arith.constant 0 : i32
    %dma_wait3A_592 = tpu.memref_slice %arg12[%dma_wait3A_590, %dma_wait3A_591] : memref<64x384xf32, #tpu.memory_space<vmem>> -> memref<64x384xf32, #tpu.memory_space<vmem>>
    tpu.wait_dma2 semaphore(%arg22 : memref<!tpu.dma_semaphore, #tpu.memory_space<semaphore_mem>>) src(%dma_wait3A_592 : memref<64x384xf32, #tpu.memory_space<vmem>>) dst(%dma_wait3A_589 : memref<64x384xf32, #tpu.memory_space<hbm>>)
    %dma_start3A_593 = arith.constant 0 : i32
    %dma_start3A_594 = arith.constant 0 : i32
    %dma_start3A_595 = tpu.memref_slice %arg12[%dma_start3A_593, %dma_start3A_594] : memref<64x384xf32, #tpu.memory_space<vmem>> -> memref<64x384xf32, #tpu.memory_space<vmem>>
    %dma_start3A_596 = arith.constant 64 : i32
    %dma_start3A_597 = tpu.memref_slice %arg26[%dma_start3A_596] : memref<512xi32, #tpu.memory_space<vmem>> -> memref<64xi32, #tpu.memory_space<vmem>>
    %dma_start3A_598 = arith.constant 0 : i32
    %dma_start3A_599 = arith.constant 0 : i32
    %dma_start3A_600 = tpu.memref_slice %arg7[%dma_start3A_598, %dma_start3A_599] : memref<100000x384xf32, #tpu.memory_space<hbm>> -> memref<100000x384xf32, #tpu.memory_space<hbm>>
    tpu.enqueue_indirect_dma source(%dma_start3A_600 : memref<100000x384xf32, #tpu.memory_space<hbm>>) target(%dma_start3A_595 : memref<64x384xf32, #tpu.memory_space<vmem>>) offsets(%dma_start3A_597 : memref<64xi32, #tpu.memory_space<vmem>>) semaphore(%arg17 : memref<!tpu.dma_semaphore, #tpu.memory_space<semaphore_mem>>)
    %dma_wait3A_601 = arith.constant 0 : i32
    %dma_wait3A_602 = arith.constant 0 : i32
    %dma_wait3A_603 = tpu.memref_slice %arg13[%dma_wait3A_601, %dma_wait3A_602] : memref<64x384xf32, #tpu.memory_space<vmem>> -> memref<64x384xf32, #tpu.memory_space<vmem>>
    %dma_wait3A_604 = arith.constant 320 : i32
    %dma_wait3A_605 = tpu.memref_slice %arg25[%dma_wait3A_604] : memref<512xi32, #tpu.memory_space<vmem>> -> memref<64xi32, #tpu.memory_space<vmem>>
    %dma_wait3A_606 = arith.constant 0 : i32
    %dma_wait3A_607 = arith.constant 0 : i32
    %dma_wait3A_608 = tpu.memref_slice %arg6[%dma_wait3A_606, %dma_wait3A_607] : memref<100000x384xf32, #tpu.memory_space<hbm>> -> memref<100000x384xf32, #tpu.memory_space<hbm>>
    tpu.wait_indirect_dma semaphore(%arg18 : memref<!tpu.dma_semaphore, #tpu.memory_space<semaphore_mem>>) src(%dma_wait3A_608 : memref<100000x384xf32, #tpu.memory_space<hbm>>) dst(%dma_wait3A_603 : memref<64x384xf32, #tpu.memory_space<vmem>>)
    %add3A_609 = arith.constant 320 : i32
    %add3A_610 = arith.addi %mul3A_2, %add3A_609 : i32
    %dma_start3A_611 = arith.constant 0 : i32
    %dma_start3A_612 = arith.constant 0 : i32
    %dma_start3A_613 = tpu.memref_slice %arg13[%dma_start3A_611, %dma_start3A_612] : memref<64x384xf32, #tpu.memory_space<vmem>> -> memref<64x384xf32, #tpu.memory_space<vmem>>
    %dma_start3A_614 = arith.constant 384 : i32
    %dma_start3A_615 = tpu.memref_slice %arg8[%add3A_610, %dma_start3A_614] : memref<16384x1152xf32, #tpu.memory_space<hbm>> -> memref<64x384xf32, #tpu.memory_space<hbm>>
    %dma_start3A_616 = arith.constant 384 : i32
    %dma_start3A_617 = tpu.memref_slice %arg8[%add3A_610, %dma_start3A_616] : memref<16384x1152xf32, #tpu.memory_space<hbm>> -> memref<64x384xf32, #tpu.memory_space<hbm>>
    %dma_start3A_618 = arith.constant 0 : i32
    %dma_start3A_619 = arith.constant 0 : i32
    %dma_start3A_620 = tpu.memref_slice %arg13[%dma_start3A_618, %dma_start3A_619] : memref<64x384xf32, #tpu.memory_space<vmem>> -> memref<64x384xf32, #tpu.memory_space<vmem>>
    tpu.enqueue_dma source(%dma_start3A_620 : memref<64x384xf32, #tpu.memory_space<vmem>>) target(%dma_start3A_617 : memref<64x384xf32, #tpu.memory_space<hbm>>) target_semaphore(%arg23 : memref<!tpu.dma_semaphore, #tpu.memory_space<semaphore_mem>>)
    %add3A_621 = arith.constant 320 : i32
    %add3A_622 = arith.addi %mul3A_2, %add3A_621 : i32
    %dma_wait3A_623 = arith.constant 0 : i32
    %dma_wait3A_624 = arith.constant 0 : i32
    %dma_wait3A_625 = tpu.memref_slice %arg13[%dma_wait3A_623, %dma_wait3A_624] : memref<64x384xf32, #tpu.memory_space<vmem>> -> memref<64x384xf32, #tpu.memory_space<vmem>>
    %dma_wait3A_626 = arith.constant 384 : i32
    %dma_wait3A_627 = tpu.memref_slice %arg8[%add3A_622, %dma_wait3A_626] : memref<16384x1152xf32, #tpu.memory_space<hbm>> -> memref<64x384xf32, #tpu.memory_space<hbm>>
    %dma_wait3A_628 = arith.constant 384 : i32
    %dma_wait3A_629 = tpu.memref_slice %arg8[%add3A_622, %dma_wait3A_628] : memref<16384x1152xf32, #tpu.memory_space<hbm>> -> memref<64x384xf32, #tpu.memory_space<hbm>>
    %dma_wait3A_630 = arith.constant 0 : i32
    %dma_wait3A_631 = arith.constant 0 : i32
    %dma_wait3A_632 = tpu.memref_slice %arg13[%dma_wait3A_630, %dma_wait3A_631] : memref<64x384xf32, #tpu.memory_space<vmem>> -> memref<64x384xf32, #tpu.memory_space<vmem>>
    tpu.wait_dma2 semaphore(%arg23 : memref<!tpu.dma_semaphore, #tpu.memory_space<semaphore_mem>>) src(%dma_wait3A_632 : memref<64x384xf32, #tpu.memory_space<vmem>>) dst(%dma_wait3A_629 : memref<64x384xf32, #tpu.memory_space<hbm>>)
    %dma_start3A_633 = arith.constant 0 : i32
    %dma_start3A_634 = arith.constant 0 : i32
    %dma_start3A_635 = tpu.memref_slice %arg13[%dma_start3A_633, %dma_start3A_634] : memref<64x384xf32, #tpu.memory_space<vmem>> -> memref<64x384xf32, #tpu.memory_space<vmem>>
    %dma_start3A_636 = arith.constant 128 : i32
    %dma_start3A_637 = tpu.memref_slice %arg26[%dma_start3A_636] : memref<512xi32, #tpu.memory_space<vmem>> -> memref<64xi32, #tpu.memory_space<vmem>>
    %dma_start3A_638 = arith.constant 0 : i32
    %dma_start3A_639 = arith.constant 0 : i32
    %dma_start3A_640 = tpu.memref_slice %arg7[%dma_start3A_638, %dma_start3A_639] : memref<100000x384xf32, #tpu.memory_space<hbm>> -> memref<100000x384xf32, #tpu.memory_space<hbm>>
    tpu.enqueue_indirect_dma source(%dma_start3A_640 : memref<100000x384xf32, #tpu.memory_space<hbm>>) target(%dma_start3A_635 : memref<64x384xf32, #tpu.memory_space<vmem>>) offsets(%dma_start3A_637 : memref<64xi32, #tpu.memory_space<vmem>>) semaphore(%arg18 : memref<!tpu.dma_semaphore, #tpu.memory_space<semaphore_mem>>)
    %dma_wait3A_641 = arith.constant 0 : i32
    %dma_wait3A_642 = arith.constant 0 : i32
    %dma_wait3A_643 = tpu.memref_slice %arg9[%dma_wait3A_641, %dma_wait3A_642] : memref<64x384xf32, #tpu.memory_space<vmem>> -> memref<64x384xf32, #tpu.memory_space<vmem>>
    %dma_wait3A_644 = arith.constant 384 : i32
    %dma_wait3A_645 = tpu.memref_slice %arg25[%dma_wait3A_644] : memref<512xi32, #tpu.memory_space<vmem>> -> memref<64xi32, #tpu.memory_space<vmem>>
    %dma_wait3A_646 = arith.constant 0 : i32
    %dma_wait3A_647 = arith.constant 0 : i32
    %dma_wait3A_648 = tpu.memref_slice %arg6[%dma_wait3A_646, %dma_wait3A_647] : memref<100000x384xf32, #tpu.memory_space<hbm>> -> memref<100000x384xf32, #tpu.memory_space<hbm>>
    tpu.wait_indirect_dma semaphore(%arg14 : memref<!tpu.dma_semaphore, #tpu.memory_space<semaphore_mem>>) src(%dma_wait3A_648 : memref<100000x384xf32, #tpu.memory_space<hbm>>) dst(%dma_wait3A_643 : memref<64x384xf32, #tpu.memory_space<vmem>>)
    %add3A_649 = arith.constant 384 : i32
    %add3A_650 = arith.addi %mul3A_2, %add3A_649 : i32
    %dma_start3A_651 = arith.constant 0 : i32
    %dma_start3A_652 = arith.constant 0 : i32
    %dma_start3A_653 = tpu.memref_slice %arg9[%dma_start3A_651, %dma_start3A_652] : memref<64x384xf32, #tpu.memory_space<vmem>> -> memref<64x384xf32, #tpu.memory_space<vmem>>
    %dma_start3A_654 = arith.constant 384 : i32
    %dma_start3A_655 = tpu.memref_slice %arg8[%add3A_650, %dma_start3A_654] : memref<16384x1152xf32, #tpu.memory_space<hbm>> -> memref<64x384xf32, #tpu.memory_space<hbm>>
    %dma_start3A_656 = arith.constant 384 : i32
    %dma_start3A_657 = tpu.memref_slice %arg8[%add3A_650, %dma_start3A_656] : memref<16384x1152xf32, #tpu.memory_space<hbm>> -> memref<64x384xf32, #tpu.memory_space<hbm>>
    %dma_start3A_658 = arith.constant 0 : i32
    %dma_start3A_659 = arith.constant 0 : i32
    %dma_start3A_660 = tpu.memref_slice %arg9[%dma_start3A_658, %dma_start3A_659] : memref<64x384xf32, #tpu.memory_space<vmem>> -> memref<64x384xf32, #tpu.memory_space<vmem>>
    tpu.enqueue_dma source(%dma_start3A_660 : memref<64x384xf32, #tpu.memory_space<vmem>>) target(%dma_start3A_657 : memref<64x384xf32, #tpu.memory_space<hbm>>) target_semaphore(%arg19 : memref<!tpu.dma_semaphore, #tpu.memory_space<semaphore_mem>>)
    %add3A_661 = arith.constant 384 : i32
    %add3A_662 = arith.addi %mul3A_2, %add3A_661 : i32
    %dma_wait3A_663 = arith.constant 0 : i32
    %dma_wait3A_664 = arith.constant 0 : i32
    %dma_wait3A_665 = tpu.memref_slice %arg9[%dma_wait3A_663, %dma_wait3A_664] : memref<64x384xf32, #tpu.memory_space<vmem>> -> memref<64x384xf32, #tpu.memory_space<vmem>>
    %dma_wait3A_666 = arith.constant 384 : i32
    %dma_wait3A_667 = tpu.memref_slice %arg8[%add3A_662, %dma_wait3A_666] : memref<16384x1152xf32, #tpu.memory_space<hbm>> -> memref<64x384xf32, #tpu.memory_space<hbm>>
    %dma_wait3A_668 = arith.constant 384 : i32
    %dma_wait3A_669 = tpu.memref_slice %arg8[%add3A_662, %dma_wait3A_668] : memref<16384x1152xf32, #tpu.memory_space<hbm>> -> memref<64x384xf32, #tpu.memory_space<hbm>>
    %dma_wait3A_670 = arith.constant 0 : i32
    %dma_wait3A_671 = arith.constant 0 : i32
    %dma_wait3A_672 = tpu.memref_slice %arg9[%dma_wait3A_670, %dma_wait3A_671] : memref<64x384xf32, #tpu.memory_space<vmem>> -> memref<64x384xf32, #tpu.memory_space<vmem>>
    tpu.wait_dma2 semaphore(%arg19 : memref<!tpu.dma_semaphore, #tpu.memory_space<semaphore_mem>>) src(%dma_wait3A_672 : memref<64x384xf32, #tpu.memory_space<vmem>>) dst(%dma_wait3A_669 : memref<64x384xf32, #tpu.memory_space<hbm>>)
    %dma_start3A_673 = arith.constant 0 : i32
    %dma_start3A_674 = arith.constant 0 : i32
    %dma_start3A_675 = tpu.memref_slice %arg9[%dma_start3A_673, %dma_start3A_674] : memref<64x384xf32, #tpu.memory_space<vmem>> -> memref<64x384xf32, #tpu.memory_space<vmem>>
    %dma_start3A_676 = arith.constant 192 : i32
    %dma_start3A_677 = tpu.memref_slice %arg26[%dma_start3A_676] : memref<512xi32, #tpu.memory_space<vmem>> -> memref<64xi32, #tpu.memory_space<vmem>>
    %dma_start3A_678 = arith.constant 0 : i32
    %dma_start3A_679 = arith.constant 0 : i32
    %dma_start3A_680 = tpu.memref_slice %arg7[%dma_start3A_678, %dma_start3A_679] : memref<100000x384xf32, #tpu.memory_space<hbm>> -> memref<100000x384xf32, #tpu.memory_space<hbm>>
    tpu.enqueue_indirect_dma source(%dma_start3A_680 : memref<100000x384xf32, #tpu.memory_space<hbm>>) target(%dma_start3A_675 : memref<64x384xf32, #tpu.memory_space<vmem>>) offsets(%dma_start3A_677 : memref<64xi32, #tpu.memory_space<vmem>>) semaphore(%arg14 : memref<!tpu.dma_semaphore, #tpu.memory_space<semaphore_mem>>)
    %dma_wait3A_681 = arith.constant 0 : i32
    %dma_wait3A_682 = arith.constant 0 : i32
    %dma_wait3A_683 = tpu.memref_slice %arg10[%dma_wait3A_681, %dma_wait3A_682] : memref<64x384xf32, #tpu.memory_space<vmem>> -> memref<64x384xf32, #tpu.memory_space<vmem>>
    %dma_wait3A_684 = arith.constant 448 : i32
    %dma_wait3A_685 = tpu.memref_slice %arg25[%dma_wait3A_684] : memref<512xi32, #tpu.memory_space<vmem>> -> memref<64xi32, #tpu.memory_space<vmem>>
    %dma_wait3A_686 = arith.constant 0 : i32
    %dma_wait3A_687 = arith.constant 0 : i32
    %dma_wait3A_688 = tpu.memref_slice %arg6[%dma_wait3A_686, %dma_wait3A_687] : memref<100000x384xf32, #tpu.memory_space<hbm>> -> memref<100000x384xf32, #tpu.memory_space<hbm>>
    tpu.wait_indirect_dma semaphore(%arg15 : memref<!tpu.dma_semaphore, #tpu.memory_space<semaphore_mem>>) src(%dma_wait3A_688 : memref<100000x384xf32, #tpu.memory_space<hbm>>) dst(%dma_wait3A_683 : memref<64x384xf32, #tpu.memory_space<vmem>>)
    %add3A_689 = arith.constant 448 : i32
    %add3A_690 = arith.addi %mul3A_2, %add3A_689 : i32
    %dma_start3A_691 = arith.constant 0 : i32
    %dma_start3A_692 = arith.constant 0 : i32
    %dma_start3A_693 = tpu.memref_slice %arg10[%dma_start3A_691, %dma_start3A_692] : memref<64x384xf32, #tpu.memory_space<vmem>> -> memref<64x384xf32, #tpu.memory_space<vmem>>
    %dma_start3A_694 = arith.constant 384 : i32
    %dma_start3A_695 = tpu.memref_slice %arg8[%add3A_690, %dma_start3A_694] : memref<16384x1152xf32, #tpu.memory_space<hbm>> -> memref<64x384xf32, #tpu.memory_space<hbm>>
    %dma_start3A_696 = arith.constant 384 : i32
    %dma_start3A_697 = tpu.memref_slice %arg8[%add3A_690, %dma_start3A_696] : memref<16384x1152xf32, #tpu.memory_space<hbm>> -> memref<64x384xf32, #tpu.memory_space<hbm>>
    %dma_start3A_698 = arith.constant 0 : i32
    %dma_start3A_699 = arith.constant 0 : i32
    %dma_start3A_700 = tpu.memref_slice %arg10[%dma_start3A_698, %dma_start3A_699] : memref<64x384xf32, #tpu.memory_space<vmem>> -> memref<64x384xf32, #tpu.memory_space<vmem>>
    tpu.enqueue_dma source(%dma_start3A_700 : memref<64x384xf32, #tpu.memory_space<vmem>>) target(%dma_start3A_697 : memref<64x384xf32, #tpu.memory_space<hbm>>) target_semaphore(%arg20 : memref<!tpu.dma_semaphore, #tpu.memory_space<semaphore_mem>>)
    %add3A_701 = arith.constant 448 : i32
    %add3A_702 = arith.addi %mul3A_2, %add3A_701 : i32
    %dma_wait3A_703 = arith.constant 0 : i32
    %dma_wait3A_704 = arith.constant 0 : i32
    %dma_wait3A_705 = tpu.memref_slice %arg10[%dma_wait3A_703, %dma_wait3A_704] : memref<64x384xf32, #tpu.memory_space<vmem>> -> memref<64x384xf32, #tpu.memory_space<vmem>>
    %dma_wait3A_706 = arith.constant 384 : i32
    %dma_wait3A_707 = tpu.memref_slice %arg8[%add3A_702, %dma_wait3A_706] : memref<16384x1152xf32, #tpu.memory_space<hbm>> -> memref<64x384xf32, #tpu.memory_space<hbm>>
    %dma_wait3A_708 = arith.constant 384 : i32
    %dma_wait3A_709 = tpu.memref_slice %arg8[%add3A_702, %dma_wait3A_708] : memref<16384x1152xf32, #tpu.memory_space<hbm>> -> memref<64x384xf32, #tpu.memory_space<hbm>>
    %dma_wait3A_710 = arith.constant 0 : i32
    %dma_wait3A_711 = arith.constant 0 : i32
    %dma_wait3A_712 = tpu.memref_slice %arg10[%dma_wait3A_710, %dma_wait3A_711] : memref<64x384xf32, #tpu.memory_space<vmem>> -> memref<64x384xf32, #tpu.memory_space<vmem>>
    tpu.wait_dma2 semaphore(%arg20 : memref<!tpu.dma_semaphore, #tpu.memory_space<semaphore_mem>>) src(%dma_wait3A_712 : memref<64x384xf32, #tpu.memory_space<vmem>>) dst(%dma_wait3A_709 : memref<64x384xf32, #tpu.memory_space<hbm>>)
    %dma_start3A_713 = arith.constant 0 : i32
    %dma_start3A_714 = arith.constant 0 : i32
    %dma_start3A_715 = tpu.memref_slice %arg10[%dma_start3A_713, %dma_start3A_714] : memref<64x384xf32, #tpu.memory_space<vmem>> -> memref<64x384xf32, #tpu.memory_space<vmem>>
    %dma_start3A_716 = arith.constant 256 : i32
    %dma_start3A_717 = tpu.memref_slice %arg26[%dma_start3A_716] : memref<512xi32, #tpu.memory_space<vmem>> -> memref<64xi32, #tpu.memory_space<vmem>>
    %dma_start3A_718 = arith.constant 0 : i32
    %dma_start3A_719 = arith.constant 0 : i32
    %dma_start3A_720 = tpu.memref_slice %arg7[%dma_start3A_718, %dma_start3A_719] : memref<100000x384xf32, #tpu.memory_space<hbm>> -> memref<100000x384xf32, #tpu.memory_space<hbm>>
    tpu.enqueue_indirect_dma source(%dma_start3A_720 : memref<100000x384xf32, #tpu.memory_space<hbm>>) target(%dma_start3A_715 : memref<64x384xf32, #tpu.memory_space<vmem>>) offsets(%dma_start3A_717 : memref<64xi32, #tpu.memory_space<vmem>>) semaphore(%arg15 : memref<!tpu.dma_semaphore, #tpu.memory_space<semaphore_mem>>)
    %dma_wait3A_721 = arith.constant 0 : i32
    %dma_wait3A_722 = arith.constant 0 : i32
    %dma_wait3A_723 = tpu.memref_slice %arg11[%dma_wait3A_721, %dma_wait3A_722] : memref<64x384xf32, #tpu.memory_space<vmem>> -> memref<64x384xf32, #tpu.memory_space<vmem>>
    %dma_wait3A_724 = arith.constant 0 : i32
    %dma_wait3A_725 = tpu.memref_slice %arg26[%dma_wait3A_724] : memref<512xi32, #tpu.memory_space<vmem>> -> memref<64xi32, #tpu.memory_space<vmem>>
    %dma_wait3A_726 = arith.constant 0 : i32
    %dma_wait3A_727 = arith.constant 0 : i32
    %dma_wait3A_728 = tpu.memref_slice %arg7[%dma_wait3A_726, %dma_wait3A_727] : memref<100000x384xf32, #tpu.memory_space<hbm>> -> memref<100000x384xf32, #tpu.memory_space<hbm>>
    tpu.wait_indirect_dma semaphore(%arg16 : memref<!tpu.dma_semaphore, #tpu.memory_space<semaphore_mem>>) src(%dma_wait3A_728 : memref<100000x384xf32, #tpu.memory_space<hbm>>) dst(%dma_wait3A_723 : memref<64x384xf32, #tpu.memory_space<vmem>>)
    %add3A_729 = arith.constant 0 : i32
    %add3A_730 = arith.addi %mul3A_2, %add3A_729 : i32
    %dma_start3A_731 = arith.constant 0 : i32
    %dma_start3A_732 = arith.constant 0 : i32
    %dma_start3A_733 = tpu.memref_slice %arg11[%dma_start3A_731, %dma_start3A_732] : memref<64x384xf32, #tpu.memory_space<vmem>> -> memref<64x384xf32, #tpu.memory_space<vmem>>
    %dma_start3A_734 = arith.constant 768 : i32
    %dma_start3A_735 = tpu.memref_slice %arg8[%add3A_730, %dma_start3A_734] : memref<16384x1152xf32, #tpu.memory_space<hbm>> -> memref<64x384xf32, #tpu.memory_space<hbm>>
    %dma_start3A_736 = arith.constant 768 : i32
    %dma_start3A_737 = tpu.memref_slice %arg8[%add3A_730, %dma_start3A_736] : memref<16384x1152xf32, #tpu.memory_space<hbm>> -> memref<64x384xf32, #tpu.memory_space<hbm>>
    %dma_start3A_738 = arith.constant 0 : i32
    %dma_start3A_739 = arith.constant 0 : i32
    %dma_start3A_740 = tpu.memref_slice %arg11[%dma_start3A_738, %dma_start3A_739] : memref<64x384xf32, #tpu.memory_space<vmem>> -> memref<64x384xf32, #tpu.memory_space<vmem>>
    tpu.enqueue_dma source(%dma_start3A_740 : memref<64x384xf32, #tpu.memory_space<vmem>>) target(%dma_start3A_737 : memref<64x384xf32, #tpu.memory_space<hbm>>) target_semaphore(%arg21 : memref<!tpu.dma_semaphore, #tpu.memory_space<semaphore_mem>>)
    %add3A_741 = arith.constant 0 : i32
    %add3A_742 = arith.addi %mul3A_2, %add3A_741 : i32
    %dma_wait3A_743 = arith.constant 0 : i32
    %dma_wait3A_744 = arith.constant 0 : i32
    %dma_wait3A_745 = tpu.memref_slice %arg11[%dma_wait3A_743, %dma_wait3A_744] : memref<64x384xf32, #tpu.memory_space<vmem>> -> memref<64x384xf32, #tpu.memory_space<vmem>>
    %dma_wait3A_746 = arith.constant 768 : i32
    %dma_wait3A_747 = tpu.memref_slice %arg8[%add3A_742, %dma_wait3A_746] : memref<16384x1152xf32, #tpu.memory_space<hbm>> -> memref<64x384xf32, #tpu.memory_space<hbm>>
    %dma_wait3A_748 = arith.constant 768 : i32
    %dma_wait3A_749 = tpu.memref_slice %arg8[%add3A_742, %dma_wait3A_748] : memref<16384x1152xf32, #tpu.memory_space<hbm>> -> memref<64x384xf32, #tpu.memory_space<hbm>>
    %dma_wait3A_750 = arith.constant 0 : i32
    %dma_wait3A_751 = arith.constant 0 : i32
    %dma_wait3A_752 = tpu.memref_slice %arg11[%dma_wait3A_750, %dma_wait3A_751] : memref<64x384xf32, #tpu.memory_space<vmem>> -> memref<64x384xf32, #tpu.memory_space<vmem>>
    tpu.wait_dma2 semaphore(%arg21 : memref<!tpu.dma_semaphore, #tpu.memory_space<semaphore_mem>>) src(%dma_wait3A_752 : memref<64x384xf32, #tpu.memory_space<vmem>>) dst(%dma_wait3A_749 : memref<64x384xf32, #tpu.memory_space<hbm>>)
    %dma_start3A_753 = arith.constant 0 : i32
    %dma_start3A_754 = arith.constant 0 : i32
    %dma_start3A_755 = tpu.memref_slice %arg11[%dma_start3A_753, %dma_start3A_754] : memref<64x384xf32, #tpu.memory_space<vmem>> -> memref<64x384xf32, #tpu.memory_space<vmem>>
    %dma_start3A_756 = arith.constant 320 : i32
    %dma_start3A_757 = tpu.memref_slice %arg26[%dma_start3A_756] : memref<512xi32, #tpu.memory_space<vmem>> -> memref<64xi32, #tpu.memory_space<vmem>>
    %dma_start3A_758 = arith.constant 0 : i32
    %dma_start3A_759 = arith.constant 0 : i32
    %dma_start3A_760 = tpu.memref_slice %arg7[%dma_start3A_758, %dma_start3A_759] : memref<100000x384xf32, #tpu.memory_space<hbm>> -> memref<100000x384xf32, #tpu.memory_space<hbm>>
    tpu.enqueue_indirect_dma source(%dma_start3A_760 : memref<100000x384xf32, #tpu.memory_space<hbm>>) target(%dma_start3A_755 : memref<64x384xf32, #tpu.memory_space<vmem>>) offsets(%dma_start3A_757 : memref<64xi32, #tpu.memory_space<vmem>>) semaphore(%arg16 : memref<!tpu.dma_semaphore, #tpu.memory_space<semaphore_mem>>)
    %dma_wait3A_761 = arith.constant 0 : i32
    %dma_wait3A_762 = arith.constant 0 : i32
    %dma_wait3A_763 = tpu.memref_slice %arg12[%dma_wait3A_761, %dma_wait3A_762] : memref<64x384xf32, #tpu.memory_space<vmem>> -> memref<64x384xf32, #tpu.memory_space<vmem>>
    %dma_wait3A_764 = arith.constant 64 : i32
    %dma_wait3A_765 = tpu.memref_slice %arg26[%dma_wait3A_764] : memref<512xi32, #tpu.memory_space<vmem>> -> memref<64xi32, #tpu.memory_space<vmem>>
    %dma_wait3A_766 = arith.constant 0 : i32
    %dma_wait3A_767 = arith.constant 0 : i32
    %dma_wait3A_768 = tpu.memref_slice %arg7[%dma_wait3A_766, %dma_wait3A_767] : memref<100000x384xf32, #tpu.memory_space<hbm>> -> memref<100000x384xf32, #tpu.memory_space<hbm>>
    tpu.wait_indirect_dma semaphore(%arg17 : memref<!tpu.dma_semaphore, #tpu.memory_space<semaphore_mem>>) src(%dma_wait3A_768 : memref<100000x384xf32, #tpu.memory_space<hbm>>) dst(%dma_wait3A_763 : memref<64x384xf32, #tpu.memory_space<vmem>>)
    %add3A_769 = arith.constant 64 : i32
    %add3A_770 = arith.addi %mul3A_2, %add3A_769 : i32
    %dma_start3A_771 = arith.constant 0 : i32
    %dma_start3A_772 = arith.constant 0 : i32
    %dma_start3A_773 = tpu.memref_slice %arg12[%dma_start3A_771, %dma_start3A_772] : memref<64x384xf32, #tpu.memory_space<vmem>> -> memref<64x384xf32, #tpu.memory_space<vmem>>
    %dma_start3A_774 = arith.constant 768 : i32
    %dma_start3A_775 = tpu.memref_slice %arg8[%add3A_770, %dma_start3A_774] : memref<16384x1152xf32, #tpu.memory_space<hbm>> -> memref<64x384xf32, #tpu.memory_space<hbm>>
    %dma_start3A_776 = arith.constant 768 : i32
    %dma_start3A_777 = tpu.memref_slice %arg8[%add3A_770, %dma_start3A_776] : memref<16384x1152xf32, #tpu.memory_space<hbm>> -> memref<64x384xf32, #tpu.memory_space<hbm>>
    %dma_start3A_778 = arith.constant 0 : i32
    %dma_start3A_779 = arith.constant 0 : i32
    %dma_start3A_780 = tpu.memref_slice %arg12[%dma_start3A_778, %dma_start3A_779] : memref<64x384xf32, #tpu.memory_space<vmem>> -> memref<64x384xf32, #tpu.memory_space<vmem>>
    tpu.enqueue_dma source(%dma_start3A_780 : memref<64x384xf32, #tpu.memory_space<vmem>>) target(%dma_start3A_777 : memref<64x384xf32, #tpu.memory_space<hbm>>) target_semaphore(%arg22 : memref<!tpu.dma_semaphore, #tpu.memory_space<semaphore_mem>>)
    %add3A_781 = arith.constant 64 : i32
    %add3A_782 = arith.addi %mul3A_2, %add3A_781 : i32
    %dma_wait3A_783 = arith.constant 0 : i32
    %dma_wait3A_784 = arith.constant 0 : i32
    %dma_wait3A_785 = tpu.memref_slice %arg12[%dma_wait3A_783, %dma_wait3A_784] : memref<64x384xf32, #tpu.memory_space<vmem>> -> memref<64x384xf32, #tpu.memory_space<vmem>>
    %dma_wait3A_786 = arith.constant 768 : i32
    %dma_wait3A_787 = tpu.memref_slice %arg8[%add3A_782, %dma_wait3A_786] : memref<16384x1152xf32, #tpu.memory_space<hbm>> -> memref<64x384xf32, #tpu.memory_space<hbm>>
    %dma_wait3A_788 = arith.constant 768 : i32
    %dma_wait3A_789 = tpu.memref_slice %arg8[%add3A_782, %dma_wait3A_788] : memref<16384x1152xf32, #tpu.memory_space<hbm>> -> memref<64x384xf32, #tpu.memory_space<hbm>>
    %dma_wait3A_790 = arith.constant 0 : i32
    %dma_wait3A_791 = arith.constant 0 : i32
    %dma_wait3A_792 = tpu.memref_slice %arg12[%dma_wait3A_790, %dma_wait3A_791] : memref<64x384xf32, #tpu.memory_space<vmem>> -> memref<64x384xf32, #tpu.memory_space<vmem>>
    tpu.wait_dma2 semaphore(%arg22 : memref<!tpu.dma_semaphore, #tpu.memory_space<semaphore_mem>>) src(%dma_wait3A_792 : memref<64x384xf32, #tpu.memory_space<vmem>>) dst(%dma_wait3A_789 : memref<64x384xf32, #tpu.memory_space<hbm>>)
    %dma_start3A_793 = arith.constant 0 : i32
    %dma_start3A_794 = arith.constant 0 : i32
    %dma_start3A_795 = tpu.memref_slice %arg12[%dma_start3A_793, %dma_start3A_794] : memref<64x384xf32, #tpu.memory_space<vmem>> -> memref<64x384xf32, #tpu.memory_space<vmem>>
    %dma_start3A_796 = arith.constant 384 : i32
    %dma_start3A_797 = tpu.memref_slice %arg26[%dma_start3A_796] : memref<512xi32, #tpu.memory_space<vmem>> -> memref<64xi32, #tpu.memory_space<vmem>>
    %dma_start3A_798 = arith.constant 0 : i32
    %dma_start3A_799 = arith.constant 0 : i32
    %dma_start3A_800 = tpu.memref_slice %arg7[%dma_start3A_798, %dma_start3A_799] : memref<100000x384xf32, #tpu.memory_space<hbm>> -> memref<100000x384xf32, #tpu.memory_space<hbm>>
    tpu.enqueue_indirect_dma source(%dma_start3A_800 : memref<100000x384xf32, #tpu.memory_space<hbm>>) target(%dma_start3A_795 : memref<64x384xf32, #tpu.memory_space<vmem>>) offsets(%dma_start3A_797 : memref<64xi32, #tpu.memory_space<vmem>>) semaphore(%arg17 : memref<!tpu.dma_semaphore, #tpu.memory_space<semaphore_mem>>)
    %dma_wait3A_801 = arith.constant 0 : i32
    %dma_wait3A_802 = arith.constant 0 : i32
    %dma_wait3A_803 = tpu.memref_slice %arg13[%dma_wait3A_801, %dma_wait3A_802] : memref<64x384xf32, #tpu.memory_space<vmem>> -> memref<64x384xf32, #tpu.memory_space<vmem>>
    %dma_wait3A_804 = arith.constant 128 : i32
    %dma_wait3A_805 = tpu.memref_slice %arg26[%dma_wait3A_804] : memref<512xi32, #tpu.memory_space<vmem>> -> memref<64xi32, #tpu.memory_space<vmem>>
    %dma_wait3A_806 = arith.constant 0 : i32
    %dma_wait3A_807 = arith.constant 0 : i32
    %dma_wait3A_808 = tpu.memref_slice %arg7[%dma_wait3A_806, %dma_wait3A_807] : memref<100000x384xf32, #tpu.memory_space<hbm>> -> memref<100000x384xf32, #tpu.memory_space<hbm>>
    tpu.wait_indirect_dma semaphore(%arg18 : memref<!tpu.dma_semaphore, #tpu.memory_space<semaphore_mem>>) src(%dma_wait3A_808 : memref<100000x384xf32, #tpu.memory_space<hbm>>) dst(%dma_wait3A_803 : memref<64x384xf32, #tpu.memory_space<vmem>>)
    %add3A_809 = arith.constant 128 : i32
    %add3A_810 = arith.addi %mul3A_2, %add3A_809 : i32
    %dma_start3A_811 = arith.constant 0 : i32
    %dma_start3A_812 = arith.constant 0 : i32
    %dma_start3A_813 = tpu.memref_slice %arg13[%dma_start3A_811, %dma_start3A_812] : memref<64x384xf32, #tpu.memory_space<vmem>> -> memref<64x384xf32, #tpu.memory_space<vmem>>
    %dma_start3A_814 = arith.constant 768 : i32
    %dma_start3A_815 = tpu.memref_slice %arg8[%add3A_810, %dma_start3A_814] : memref<16384x1152xf32, #tpu.memory_space<hbm>> -> memref<64x384xf32, #tpu.memory_space<hbm>>
    %dma_start3A_816 = arith.constant 768 : i32
    %dma_start3A_817 = tpu.memref_slice %arg8[%add3A_810, %dma_start3A_816] : memref<16384x1152xf32, #tpu.memory_space<hbm>> -> memref<64x384xf32, #tpu.memory_space<hbm>>
    %dma_start3A_818 = arith.constant 0 : i32
    %dma_start3A_819 = arith.constant 0 : i32
    %dma_start3A_820 = tpu.memref_slice %arg13[%dma_start3A_818, %dma_start3A_819] : memref<64x384xf32, #tpu.memory_space<vmem>> -> memref<64x384xf32, #tpu.memory_space<vmem>>
    tpu.enqueue_dma source(%dma_start3A_820 : memref<64x384xf32, #tpu.memory_space<vmem>>) target(%dma_start3A_817 : memref<64x384xf32, #tpu.memory_space<hbm>>) target_semaphore(%arg23 : memref<!tpu.dma_semaphore, #tpu.memory_space<semaphore_mem>>)
    %add3A_821 = arith.constant 128 : i32
    %add3A_822 = arith.addi %mul3A_2, %add3A_821 : i32
    %dma_wait3A_823 = arith.constant 0 : i32
    %dma_wait3A_824 = arith.constant 0 : i32
    %dma_wait3A_825 = tpu.memref_slice %arg13[%dma_wait3A_823, %dma_wait3A_824] : memref<64x384xf32, #tpu.memory_space<vmem>> -> memref<64x384xf32, #tpu.memory_space<vmem>>
    %dma_wait3A_826 = arith.constant 768 : i32
    %dma_wait3A_827 = tpu.memref_slice %arg8[%add3A_822, %dma_wait3A_826] : memref<16384x1152xf32, #tpu.memory_space<hbm>> -> memref<64x384xf32, #tpu.memory_space<hbm>>
    %dma_wait3A_828 = arith.constant 768 : i32
    %dma_wait3A_829 = tpu.memref_slice %arg8[%add3A_822, %dma_wait3A_828] : memref<16384x1152xf32, #tpu.memory_space<hbm>> -> memref<64x384xf32, #tpu.memory_space<hbm>>
    %dma_wait3A_830 = arith.constant 0 : i32
    %dma_wait3A_831 = arith.constant 0 : i32
    %dma_wait3A_832 = tpu.memref_slice %arg13[%dma_wait3A_830, %dma_wait3A_831] : memref<64x384xf32, #tpu.memory_space<vmem>> -> memref<64x384xf32, #tpu.memory_space<vmem>>
    tpu.wait_dma2 semaphore(%arg23 : memref<!tpu.dma_semaphore, #tpu.memory_space<semaphore_mem>>) src(%dma_wait3A_832 : memref<64x384xf32, #tpu.memory_space<vmem>>) dst(%dma_wait3A_829 : memref<64x384xf32, #tpu.memory_space<hbm>>)
    %dma_start3A_833 = arith.constant 0 : i32
    %dma_start3A_834 = arith.constant 0 : i32
    %dma_start3A_835 = tpu.memref_slice %arg13[%dma_start3A_833, %dma_start3A_834] : memref<64x384xf32, #tpu.memory_space<vmem>> -> memref<32x384xf32, #tpu.memory_space<vmem>>
    %dma_start3A_836 = arith.constant 448 : i32
    %dma_start3A_837 = tpu.memref_slice %arg26[%dma_start3A_836] : memref<512xi32, #tpu.memory_space<vmem>> -> memref<32xi32, #tpu.memory_space<vmem>>
    %dma_start3A_838 = arith.constant 0 : i32
    %dma_start3A_839 = arith.constant 0 : i32
    %dma_start3A_840 = tpu.memref_slice %arg7[%dma_start3A_838, %dma_start3A_839] : memref<100000x384xf32, #tpu.memory_space<hbm>> -> memref<100000x384xf32, #tpu.memory_space<hbm>>
    tpu.enqueue_indirect_dma source(%dma_start3A_840 : memref<100000x384xf32, #tpu.memory_space<hbm>>) target(%dma_start3A_835 : memref<32x384xf32, #tpu.memory_space<vmem>>) offsets(%dma_start3A_837 : memref<32xi32, #tpu.memory_space<vmem>>) semaphore(%arg18 : memref<!tpu.dma_semaphore, #tpu.memory_space<semaphore_mem>>)
    %dma_wait3A_841 = arith.constant 0 : i32
    %dma_wait3A_842 = arith.constant 0 : i32
    %dma_wait3A_843 = tpu.memref_slice %arg9[%dma_wait3A_841, %dma_wait3A_842] : memref<64x384xf32, #tpu.memory_space<vmem>> -> memref<64x384xf32, #tpu.memory_space<vmem>>
    %dma_wait3A_844 = arith.constant 192 : i32
    %dma_wait3A_845 = tpu.memref_slice %arg26[%dma_wait3A_844] : memref<512xi32, #tpu.memory_space<vmem>> -> memref<64xi32, #tpu.memory_space<vmem>>
    %dma_wait3A_846 = arith.constant 0 : i32
    %dma_wait3A_847 = arith.constant 0 : i32
    %dma_wait3A_848 = tpu.memref_slice %arg7[%dma_wait3A_846, %dma_wait3A_847] : memref<100000x384xf32, #tpu.memory_space<hbm>> -> memref<100000x384xf32, #tpu.memory_space<hbm>>
    tpu.wait_indirect_dma semaphore(%arg14 : memref<!tpu.dma_semaphore, #tpu.memory_space<semaphore_mem>>) src(%dma_wait3A_848 : memref<100000x384xf32, #tpu.memory_space<hbm>>) dst(%dma_wait3A_843 : memref<64x384xf32, #tpu.memory_space<vmem>>)
    %add3A_849 = arith.constant 192 : i32
    %add3A_850 = arith.addi %mul3A_2, %add3A_849 : i32
    %dma_start3A_851 = arith.constant 0 : i32
    %dma_start3A_852 = arith.constant 0 : i32
    %dma_start3A_853 = tpu.memref_slice %arg9[%dma_start3A_851, %dma_start3A_852] : memref<64x384xf32, #tpu.memory_space<vmem>> -> memref<64x384xf32, #tpu.memory_space<vmem>>
    %dma_start3A_854 = arith.constant 768 : i32
    %dma_start3A_855 = tpu.memref_slice %arg8[%add3A_850, %dma_start3A_854] : memref<16384x1152xf32, #tpu.memory_space<hbm>> -> memref<64x384xf32, #tpu.memory_space<hbm>>
    %dma_start3A_856 = arith.constant 768 : i32
    %dma_start3A_857 = tpu.memref_slice %arg8[%add3A_850, %dma_start3A_856] : memref<16384x1152xf32, #tpu.memory_space<hbm>> -> memref<64x384xf32, #tpu.memory_space<hbm>>
    %dma_start3A_858 = arith.constant 0 : i32
    %dma_start3A_859 = arith.constant 0 : i32
    %dma_start3A_860 = tpu.memref_slice %arg9[%dma_start3A_858, %dma_start3A_859] : memref<64x384xf32, #tpu.memory_space<vmem>> -> memref<64x384xf32, #tpu.memory_space<vmem>>
    tpu.enqueue_dma source(%dma_start3A_860 : memref<64x384xf32, #tpu.memory_space<vmem>>) target(%dma_start3A_857 : memref<64x384xf32, #tpu.memory_space<hbm>>) target_semaphore(%arg19 : memref<!tpu.dma_semaphore, #tpu.memory_space<semaphore_mem>>)
    %add3A_861 = arith.constant 192 : i32
    %add3A_862 = arith.addi %mul3A_2, %add3A_861 : i32
    %dma_wait3A_863 = arith.constant 0 : i32
    %dma_wait3A_864 = arith.constant 0 : i32
    %dma_wait3A_865 = tpu.memref_slice %arg9[%dma_wait3A_863, %dma_wait3A_864] : memref<64x384xf32, #tpu.memory_space<vmem>> -> memref<64x384xf32, #tpu.memory_space<vmem>>
    %dma_wait3A_866 = arith.constant 768 : i32
    %dma_wait3A_867 = tpu.memref_slice %arg8[%add3A_862, %dma_wait3A_866] : memref<16384x1152xf32, #tpu.memory_space<hbm>> -> memref<64x384xf32, #tpu.memory_space<hbm>>
    %dma_wait3A_868 = arith.constant 768 : i32
    %dma_wait3A_869 = tpu.memref_slice %arg8[%add3A_862, %dma_wait3A_868] : memref<16384x1152xf32, #tpu.memory_space<hbm>> -> memref<64x384xf32, #tpu.memory_space<hbm>>
    %dma_wait3A_870 = arith.constant 0 : i32
    %dma_wait3A_871 = arith.constant 0 : i32
    %dma_wait3A_872 = tpu.memref_slice %arg9[%dma_wait3A_870, %dma_wait3A_871] : memref<64x384xf32, #tpu.memory_space<vmem>> -> memref<64x384xf32, #tpu.memory_space<vmem>>
    tpu.wait_dma2 semaphore(%arg19 : memref<!tpu.dma_semaphore, #tpu.memory_space<semaphore_mem>>) src(%dma_wait3A_872 : memref<64x384xf32, #tpu.memory_space<vmem>>) dst(%dma_wait3A_869 : memref<64x384xf32, #tpu.memory_space<hbm>>)
    %dma_start3A_873 = arith.constant 0 : i32
    %dma_start3A_874 = arith.constant 0 : i32
    %dma_start3A_875 = tpu.memref_slice %arg9[%dma_start3A_873, %dma_start3A_874] : memref<64x384xf32, #tpu.memory_space<vmem>> -> memref<32x384xf32, #tpu.memory_space<vmem>>
    %dma_start3A_876 = arith.constant 480 : i32
    %dma_start3A_877 = tpu.memref_slice %arg26[%dma_start3A_876] : memref<512xi32, #tpu.memory_space<vmem>> -> memref<32xi32, #tpu.memory_space<vmem>>
    %dma_start3A_878 = arith.constant 0 : i32
    %dma_start3A_879 = arith.constant 0 : i32
    %dma_start3A_880 = tpu.memref_slice %arg7[%dma_start3A_878, %dma_start3A_879] : memref<100000x384xf32, #tpu.memory_space<hbm>> -> memref<100000x384xf32, #tpu.memory_space<hbm>>
    tpu.enqueue_indirect_dma source(%dma_start3A_880 : memref<100000x384xf32, #tpu.memory_space<hbm>>) target(%dma_start3A_875 : memref<32x384xf32, #tpu.memory_space<vmem>>) offsets(%dma_start3A_877 : memref<32xi32, #tpu.memory_space<vmem>>) semaphore(%arg14 : memref<!tpu.dma_semaphore, #tpu.memory_space<semaphore_mem>>)
    %dma_wait3A_881 = arith.constant 0 : i32
    %dma_wait3A_882 = arith.constant 0 : i32
    %dma_wait3A_883 = tpu.memref_slice %arg10[%dma_wait3A_881, %dma_wait3A_882] : memref<64x384xf32, #tpu.memory_space<vmem>> -> memref<64x384xf32, #tpu.memory_space<vmem>>
    %dma_wait3A_884 = arith.constant 256 : i32
    %dma_wait3A_885 = tpu.memref_slice %arg26[%dma_wait3A_884] : memref<512xi32, #tpu.memory_space<vmem>> -> memref<64xi32, #tpu.memory_space<vmem>>
    %dma_wait3A_886 = arith.constant 0 : i32
    %dma_wait3A_887 = arith.constant 0 : i32
    %dma_wait3A_888 = tpu.memref_slice %arg7[%dma_wait3A_886, %dma_wait3A_887] : memref<100000x384xf32, #tpu.memory_space<hbm>> -> memref<100000x384xf32, #tpu.memory_space<hbm>>
    tpu.wait_indirect_dma semaphore(%arg15 : memref<!tpu.dma_semaphore, #tpu.memory_space<semaphore_mem>>) src(%dma_wait3A_888 : memref<100000x384xf32, #tpu.memory_space<hbm>>) dst(%dma_wait3A_883 : memref<64x384xf32, #tpu.memory_space<vmem>>)
    %add3A_889 = arith.constant 256 : i32
    %add3A_890 = arith.addi %mul3A_2, %add3A_889 : i32
    %dma_start3A_891 = arith.constant 0 : i32
    %dma_start3A_892 = arith.constant 0 : i32
    %dma_start3A_893 = tpu.memref_slice %arg10[%dma_start3A_891, %dma_start3A_892] : memref<64x384xf32, #tpu.memory_space<vmem>> -> memref<64x384xf32, #tpu.memory_space<vmem>>
    %dma_start3A_894 = arith.constant 768 : i32
    %dma_start3A_895 = tpu.memref_slice %arg8[%add3A_890, %dma_start3A_894] : memref<16384x1152xf32, #tpu.memory_space<hbm>> -> memref<64x384xf32, #tpu.memory_space<hbm>>
    %dma_start3A_896 = arith.constant 768 : i32
    %dma_start3A_897 = tpu.memref_slice %arg8[%add3A_890, %dma_start3A_896] : memref<16384x1152xf32, #tpu.memory_space<hbm>> -> memref<64x384xf32, #tpu.memory_space<hbm>>
    %dma_start3A_898 = arith.constant 0 : i32
    %dma_start3A_899 = arith.constant 0 : i32
    %dma_start3A_900 = tpu.memref_slice %arg10[%dma_start3A_898, %dma_start3A_899] : memref<64x384xf32, #tpu.memory_space<vmem>> -> memref<64x384xf32, #tpu.memory_space<vmem>>
    tpu.enqueue_dma source(%dma_start3A_900 : memref<64x384xf32, #tpu.memory_space<vmem>>) target(%dma_start3A_897 : memref<64x384xf32, #tpu.memory_space<hbm>>) target_semaphore(%arg20 : memref<!tpu.dma_semaphore, #tpu.memory_space<semaphore_mem>>)
    %dma_wait3A_901 = arith.constant 0 : i32
    %dma_wait3A_902 = arith.constant 0 : i32
    %dma_wait3A_903 = tpu.memref_slice %arg11[%dma_wait3A_901, %dma_wait3A_902] : memref<64x384xf32, #tpu.memory_space<vmem>> -> memref<64x384xf32, #tpu.memory_space<vmem>>
    %dma_wait3A_904 = arith.constant 320 : i32
    %dma_wait3A_905 = tpu.memref_slice %arg26[%dma_wait3A_904] : memref<512xi32, #tpu.memory_space<vmem>> -> memref<64xi32, #tpu.memory_space<vmem>>
    %dma_wait3A_906 = arith.constant 0 : i32
    %dma_wait3A_907 = arith.constant 0 : i32
    %dma_wait3A_908 = tpu.memref_slice %arg7[%dma_wait3A_906, %dma_wait3A_907] : memref<100000x384xf32, #tpu.memory_space<hbm>> -> memref<100000x384xf32, #tpu.memory_space<hbm>>
    tpu.wait_indirect_dma semaphore(%arg16 : memref<!tpu.dma_semaphore, #tpu.memory_space<semaphore_mem>>) src(%dma_wait3A_908 : memref<100000x384xf32, #tpu.memory_space<hbm>>) dst(%dma_wait3A_903 : memref<64x384xf32, #tpu.memory_space<vmem>>)
    %add3A_909 = arith.constant 320 : i32
    %add3A_910 = arith.addi %mul3A_2, %add3A_909 : i32
    %dma_start3A_911 = arith.constant 0 : i32
    %dma_start3A_912 = arith.constant 0 : i32
    %dma_start3A_913 = tpu.memref_slice %arg11[%dma_start3A_911, %dma_start3A_912] : memref<64x384xf32, #tpu.memory_space<vmem>> -> memref<64x384xf32, #tpu.memory_space<vmem>>
    %dma_start3A_914 = arith.constant 768 : i32
    %dma_start3A_915 = tpu.memref_slice %arg8[%add3A_910, %dma_start3A_914] : memref<16384x1152xf32, #tpu.memory_space<hbm>> -> memref<64x384xf32, #tpu.memory_space<hbm>>
    %dma_start3A_916 = arith.constant 768 : i32
    %dma_start3A_917 = tpu.memref_slice %arg8[%add3A_910, %dma_start3A_916] : memref<16384x1152xf32, #tpu.memory_space<hbm>> -> memref<64x384xf32, #tpu.memory_space<hbm>>
    %dma_start3A_918 = arith.constant 0 : i32
    %dma_start3A_919 = arith.constant 0 : i32
    %dma_start3A_920 = tpu.memref_slice %arg11[%dma_start3A_918, %dma_start3A_919] : memref<64x384xf32, #tpu.memory_space<vmem>> -> memref<64x384xf32, #tpu.memory_space<vmem>>
    tpu.enqueue_dma source(%dma_start3A_920 : memref<64x384xf32, #tpu.memory_space<vmem>>) target(%dma_start3A_917 : memref<64x384xf32, #tpu.memory_space<hbm>>) target_semaphore(%arg21 : memref<!tpu.dma_semaphore, #tpu.memory_space<semaphore_mem>>)
    %dma_wait3A_921 = arith.constant 0 : i32
    %dma_wait3A_922 = arith.constant 0 : i32
    %dma_wait3A_923 = tpu.memref_slice %arg12[%dma_wait3A_921, %dma_wait3A_922] : memref<64x384xf32, #tpu.memory_space<vmem>> -> memref<64x384xf32, #tpu.memory_space<vmem>>
    %dma_wait3A_924 = arith.constant 384 : i32
    %dma_wait3A_925 = tpu.memref_slice %arg26[%dma_wait3A_924] : memref<512xi32, #tpu.memory_space<vmem>> -> memref<64xi32, #tpu.memory_space<vmem>>
    %dma_wait3A_926 = arith.constant 0 : i32
    %dma_wait3A_927 = arith.constant 0 : i32
    %dma_wait3A_928 = tpu.memref_slice %arg7[%dma_wait3A_926, %dma_wait3A_927] : memref<100000x384xf32, #tpu.memory_space<hbm>> -> memref<100000x384xf32, #tpu.memory_space<hbm>>
    tpu.wait_indirect_dma semaphore(%arg17 : memref<!tpu.dma_semaphore, #tpu.memory_space<semaphore_mem>>) src(%dma_wait3A_928 : memref<100000x384xf32, #tpu.memory_space<hbm>>) dst(%dma_wait3A_923 : memref<64x384xf32, #tpu.memory_space<vmem>>)
    %add3A_929 = arith.constant 384 : i32
    %add3A_930 = arith.addi %mul3A_2, %add3A_929 : i32
    %dma_start3A_931 = arith.constant 0 : i32
    %dma_start3A_932 = arith.constant 0 : i32
    %dma_start3A_933 = tpu.memref_slice %arg12[%dma_start3A_931, %dma_start3A_932] : memref<64x384xf32, #tpu.memory_space<vmem>> -> memref<64x384xf32, #tpu.memory_space<vmem>>
    %dma_start3A_934 = arith.constant 768 : i32
    %dma_start3A_935 = tpu.memref_slice %arg8[%add3A_930, %dma_start3A_934] : memref<16384x1152xf32, #tpu.memory_space<hbm>> -> memref<64x384xf32, #tpu.memory_space<hbm>>
    %dma_start3A_936 = arith.constant 768 : i32
    %dma_start3A_937 = tpu.memref_slice %arg8[%add3A_930, %dma_start3A_936] : memref<16384x1152xf32, #tpu.memory_space<hbm>> -> memref<64x384xf32, #tpu.memory_space<hbm>>
    %dma_start3A_938 = arith.constant 0 : i32
    %dma_start3A_939 = arith.constant 0 : i32
    %dma_start3A_940 = tpu.memref_slice %arg12[%dma_start3A_938, %dma_start3A_939] : memref<64x384xf32, #tpu.memory_space<vmem>> -> memref<64x384xf32, #tpu.memory_space<vmem>>
    tpu.enqueue_dma source(%dma_start3A_940 : memref<64x384xf32, #tpu.memory_space<vmem>>) target(%dma_start3A_937 : memref<64x384xf32, #tpu.memory_space<hbm>>) target_semaphore(%arg22 : memref<!tpu.dma_semaphore, #tpu.memory_space<semaphore_mem>>)
    %dma_wait3A_941 = arith.constant 0 : i32
    %dma_wait3A_942 = arith.constant 0 : i32
    %dma_wait3A_943 = tpu.memref_slice %arg13[%dma_wait3A_941, %dma_wait3A_942] : memref<64x384xf32, #tpu.memory_space<vmem>> -> memref<32x384xf32, #tpu.memory_space<vmem>>
    %dma_wait3A_944 = arith.constant 448 : i32
    %dma_wait3A_945 = tpu.memref_slice %arg26[%dma_wait3A_944] : memref<512xi32, #tpu.memory_space<vmem>> -> memref<32xi32, #tpu.memory_space<vmem>>
    %dma_wait3A_946 = arith.constant 0 : i32
    %dma_wait3A_947 = arith.constant 0 : i32
    %dma_wait3A_948 = tpu.memref_slice %arg7[%dma_wait3A_946, %dma_wait3A_947] : memref<100000x384xf32, #tpu.memory_space<hbm>> -> memref<100000x384xf32, #tpu.memory_space<hbm>>
    tpu.wait_indirect_dma semaphore(%arg18 : memref<!tpu.dma_semaphore, #tpu.memory_space<semaphore_mem>>) src(%dma_wait3A_948 : memref<100000x384xf32, #tpu.memory_space<hbm>>) dst(%dma_wait3A_943 : memref<32x384xf32, #tpu.memory_space<vmem>>)
    %add3A_949 = arith.constant 448 : i32
    %add3A_950 = arith.addi %mul3A_2, %add3A_949 : i32
    %dma_start3A_951 = arith.constant 0 : i32
    %dma_start3A_952 = arith.constant 0 : i32
    %dma_start3A_953 = tpu.memref_slice %arg13[%dma_start3A_951, %dma_start3A_952] : memref<64x384xf32, #tpu.memory_space<vmem>> -> memref<32x384xf32, #tpu.memory_space<vmem>>
    %dma_start3A_954 = arith.constant 768 : i32
    %dma_start3A_955 = tpu.memref_slice %arg8[%add3A_950, %dma_start3A_954] : memref<16384x1152xf32, #tpu.memory_space<hbm>> -> memref<32x384xf32, #tpu.memory_space<hbm>>
    %dma_start3A_956 = arith.constant 768 : i32
    %dma_start3A_957 = tpu.memref_slice %arg8[%add3A_950, %dma_start3A_956] : memref<16384x1152xf32, #tpu.memory_space<hbm>> -> memref<32x384xf32, #tpu.memory_space<hbm>>
    %dma_start3A_958 = arith.constant 0 : i32
    %dma_start3A_959 = arith.constant 0 : i32
    %dma_start3A_960 = tpu.memref_slice %arg13[%dma_start3A_958, %dma_start3A_959] : memref<64x384xf32, #tpu.memory_space<vmem>> -> memref<32x384xf32, #tpu.memory_space<vmem>>
    tpu.enqueue_dma source(%dma_start3A_960 : memref<32x384xf32, #tpu.memory_space<vmem>>) target(%dma_start3A_957 : memref<32x384xf32, #tpu.memory_space<hbm>>) target_semaphore(%arg23 : memref<!tpu.dma_semaphore, #tpu.memory_space<semaphore_mem>>)
    %dma_wait3A_961 = arith.constant 0 : i32
    %dma_wait3A_962 = arith.constant 0 : i32
    %dma_wait3A_963 = tpu.memref_slice %arg9[%dma_wait3A_961, %dma_wait3A_962] : memref<64x384xf32, #tpu.memory_space<vmem>> -> memref<32x384xf32, #tpu.memory_space<vmem>>
    %dma_wait3A_964 = arith.constant 480 : i32
    %dma_wait3A_965 = tpu.memref_slice %arg26[%dma_wait3A_964] : memref<512xi32, #tpu.memory_space<vmem>> -> memref<32xi32, #tpu.memory_space<vmem>>
    %dma_wait3A_966 = arith.constant 0 : i32
    %dma_wait3A_967 = arith.constant 0 : i32
    %dma_wait3A_968 = tpu.memref_slice %arg7[%dma_wait3A_966, %dma_wait3A_967] : memref<100000x384xf32, #tpu.memory_space<hbm>> -> memref<100000x384xf32, #tpu.memory_space<hbm>>
    tpu.wait_indirect_dma semaphore(%arg14 : memref<!tpu.dma_semaphore, #tpu.memory_space<semaphore_mem>>) src(%dma_wait3A_968 : memref<100000x384xf32, #tpu.memory_space<hbm>>) dst(%dma_wait3A_963 : memref<32x384xf32, #tpu.memory_space<vmem>>)
    %add3A_969 = arith.constant 480 : i32
    %add3A_970 = arith.addi %mul3A_2, %add3A_969 : i32
    %dma_start3A_971 = arith.constant 0 : i32
    %dma_start3A_972 = arith.constant 0 : i32
    %dma_start3A_973 = tpu.memref_slice %arg9[%dma_start3A_971, %dma_start3A_972] : memref<64x384xf32, #tpu.memory_space<vmem>> -> memref<32x384xf32, #tpu.memory_space<vmem>>
    %dma_start3A_974 = arith.constant 768 : i32
    %dma_start3A_975 = tpu.memref_slice %arg8[%add3A_970, %dma_start3A_974] : memref<16384x1152xf32, #tpu.memory_space<hbm>> -> memref<32x384xf32, #tpu.memory_space<hbm>>
    %dma_start3A_976 = arith.constant 768 : i32
    %dma_start3A_977 = tpu.memref_slice %arg8[%add3A_970, %dma_start3A_976] : memref<16384x1152xf32, #tpu.memory_space<hbm>> -> memref<32x384xf32, #tpu.memory_space<hbm>>
    %dma_start3A_978 = arith.constant 0 : i32
    %dma_start3A_979 = arith.constant 0 : i32
    %dma_start3A_980 = tpu.memref_slice %arg9[%dma_start3A_978, %dma_start3A_979] : memref<64x384xf32, #tpu.memory_space<vmem>> -> memref<32x384xf32, #tpu.memory_space<vmem>>
    tpu.enqueue_dma source(%dma_start3A_980 : memref<32x384xf32, #tpu.memory_space<vmem>>) target(%dma_start3A_977 : memref<32x384xf32, #tpu.memory_space<hbm>>) target_semaphore(%arg19 : memref<!tpu.dma_semaphore, #tpu.memory_space<semaphore_mem>>)
    %add3A_981 = arith.constant 256 : i32
    %add3A_982 = arith.addi %mul3A_2, %add3A_981 : i32
    %dma_wait3A_983 = arith.constant 0 : i32
    %dma_wait3A_984 = arith.constant 0 : i32
    %dma_wait3A_985 = tpu.memref_slice %arg10[%dma_wait3A_983, %dma_wait3A_984] : memref<64x384xf32, #tpu.memory_space<vmem>> -> memref<64x384xf32, #tpu.memory_space<vmem>>
    %dma_wait3A_986 = arith.constant 768 : i32
    %dma_wait3A_987 = tpu.memref_slice %arg8[%add3A_982, %dma_wait3A_986] : memref<16384x1152xf32, #tpu.memory_space<hbm>> -> memref<64x384xf32, #tpu.memory_space<hbm>>
    %dma_wait3A_988 = arith.constant 768 : i32
    %dma_wait3A_989 = tpu.memref_slice %arg8[%add3A_982, %dma_wait3A_988] : memref<16384x1152xf32, #tpu.memory_space<hbm>> -> memref<64x384xf32, #tpu.memory_space<hbm>>
    %dma_wait3A_990 = arith.constant 0 : i32
    %dma_wait3A_991 = arith.constant 0 : i32
    %dma_wait3A_992 = tpu.memref_slice %arg10[%dma_wait3A_990, %dma_wait3A_991] : memref<64x384xf32, #tpu.memory_space<vmem>> -> memref<64x384xf32, #tpu.memory_space<vmem>>
    tpu.wait_dma2 semaphore(%arg20 : memref<!tpu.dma_semaphore, #tpu.memory_space<semaphore_mem>>) src(%dma_wait3A_992 : memref<64x384xf32, #tpu.memory_space<vmem>>) dst(%dma_wait3A_989 : memref<64x384xf32, #tpu.memory_space<hbm>>)
    %add3A_993 = arith.constant 320 : i32
    %add3A_994 = arith.addi %mul3A_2, %add3A_993 : i32
    %dma_wait3A_995 = arith.constant 0 : i32
    %dma_wait3A_996 = arith.constant 0 : i32
    %dma_wait3A_997 = tpu.memref_slice %arg11[%dma_wait3A_995, %dma_wait3A_996] : memref<64x384xf32, #tpu.memory_space<vmem>> -> memref<64x384xf32, #tpu.memory_space<vmem>>
    %dma_wait3A_998 = arith.constant 768 : i32
    %dma_wait3A_999 = tpu.memref_slice %arg8[%add3A_994, %dma_wait3A_998] : memref<16384x1152xf32, #tpu.memory_space<hbm>> -> memref<64x384xf32, #tpu.memory_space<hbm>>
    %dma_wait3A_1000 = arith.constant 768 : i32
    %dma_wait3A_1001 = tpu.memref_slice %arg8[%add3A_994, %dma_wait3A_1000] : memref<16384x1152xf32, #tpu.memory_space<hbm>> -> memref<64x384xf32, #tpu.memory_space<hbm>>
    %dma_wait3A_1002 = arith.constant 0 : i32
    %dma_wait3A_1003 = arith.constant 0 : i32
    %dma_wait3A_1004 = tpu.memref_slice %arg11[%dma_wait3A_1002, %dma_wait3A_1003] : memref<64x384xf32, #tpu.memory_space<vmem>> -> memref<64x384xf32, #tpu.memory_space<vmem>>
    tpu.wait_dma2 semaphore(%arg21 : memref<!tpu.dma_semaphore, #tpu.memory_space<semaphore_mem>>) src(%dma_wait3A_1004 : memref<64x384xf32, #tpu.memory_space<vmem>>) dst(%dma_wait3A_1001 : memref<64x384xf32, #tpu.memory_space<hbm>>)
    %add3A_1005 = arith.constant 384 : i32
    %add3A_1006 = arith.addi %mul3A_2, %add3A_1005 : i32
    %dma_wait3A_1007 = arith.constant 0 : i32
    %dma_wait3A_1008 = arith.constant 0 : i32
    %dma_wait3A_1009 = tpu.memref_slice %arg12[%dma_wait3A_1007, %dma_wait3A_1008] : memref<64x384xf32, #tpu.memory_space<vmem>> -> memref<64x384xf32, #tpu.memory_space<vmem>>
    %dma_wait3A_1010 = arith.constant 768 : i32
    %dma_wait3A_1011 = tpu.memref_slice %arg8[%add3A_1006, %dma_wait3A_1010] : memref<16384x1152xf32, #tpu.memory_space<hbm>> -> memref<64x384xf32, #tpu.memory_space<hbm>>
    %dma_wait3A_1012 = arith.constant 768 : i32
    %dma_wait3A_1013 = tpu.memref_slice %arg8[%add3A_1006, %dma_wait3A_1012] : memref<16384x1152xf32, #tpu.memory_space<hbm>> -> memref<64x384xf32, #tpu.memory_space<hbm>>
    %dma_wait3A_1014 = arith.constant 0 : i32
    %dma_wait3A_1015 = arith.constant 0 : i32
    %dma_wait3A_1016 = tpu.memref_slice %arg12[%dma_wait3A_1014, %dma_wait3A_1015] : memref<64x384xf32, #tpu.memory_space<vmem>> -> memref<64x384xf32, #tpu.memory_space<vmem>>
    tpu.wait_dma2 semaphore(%arg22 : memref<!tpu.dma_semaphore, #tpu.memory_space<semaphore_mem>>) src(%dma_wait3A_1016 : memref<64x384xf32, #tpu.memory_space<vmem>>) dst(%dma_wait3A_1013 : memref<64x384xf32, #tpu.memory_space<hbm>>)
    %add3A_1017 = arith.constant 448 : i32
    %add3A_1018 = arith.addi %mul3A_2, %add3A_1017 : i32
    %dma_wait3A_1019 = arith.constant 0 : i32
    %dma_wait3A_1020 = arith.constant 0 : i32
    %dma_wait3A_1021 = tpu.memref_slice %arg13[%dma_wait3A_1019, %dma_wait3A_1020] : memref<64x384xf32, #tpu.memory_space<vmem>> -> memref<32x384xf32, #tpu.memory_space<vmem>>
    %dma_wait3A_1022 = arith.constant 768 : i32
    %dma_wait3A_1023 = tpu.memref_slice %arg8[%add3A_1018, %dma_wait3A_1022] : memref<16384x1152xf32, #tpu.memory_space<hbm>> -> memref<32x384xf32, #tpu.memory_space<hbm>>
    %dma_wait3A_1024 = arith.constant 768 : i32
    %dma_wait3A_1025 = tpu.memref_slice %arg8[%add3A_1018, %dma_wait3A_1024] : memref<16384x1152xf32, #tpu.memory_space<hbm>> -> memref<32x384xf32, #tpu.memory_space<hbm>>
    %dma_wait3A_1026 = arith.constant 0 : i32
    %dma_wait3A_1027 = arith.constant 0 : i32
    %dma_wait3A_1028 = tpu.memref_slice %arg13[%dma_wait3A_1026, %dma_wait3A_1027] : memref<64x384xf32, #tpu.memory_space<vmem>> -> memref<32x384xf32, #tpu.memory_space<vmem>>
    tpu.wait_dma2 semaphore(%arg23 : memref<!tpu.dma_semaphore, #tpu.memory_space<semaphore_mem>>) src(%dma_wait3A_1028 : memref<32x384xf32, #tpu.memory_space<vmem>>) dst(%dma_wait3A_1025 : memref<32x384xf32, #tpu.memory_space<hbm>>)
    %add3A_1029 = arith.constant 480 : i32
    %add3A_1030 = arith.addi %mul3A_2, %add3A_1029 : i32
    %dma_wait3A_1031 = arith.constant 0 : i32
    %dma_wait3A_1032 = arith.constant 0 : i32
    %dma_wait3A_1033 = tpu.memref_slice %arg9[%dma_wait3A_1031, %dma_wait3A_1032] : memref<64x384xf32, #tpu.memory_space<vmem>> -> memref<32x384xf32, #tpu.memory_space<vmem>>
    %dma_wait3A_1034 = arith.constant 768 : i32
    %dma_wait3A_1035 = tpu.memref_slice %arg8[%add3A_1030, %dma_wait3A_1034] : memref<16384x1152xf32, #tpu.memory_space<hbm>> -> memref<32x384xf32, #tpu.memory_space<hbm>>
    %dma_wait3A_1036 = arith.constant 768 : i32
    %dma_wait3A_1037 = tpu.memref_slice %arg8[%add3A_1030, %dma_wait3A_1036] : memref<16384x1152xf32, #tpu.memory_space<hbm>> -> memref<32x384xf32, #tpu.memory_space<hbm>>
    %dma_wait3A_1038 = arith.constant 0 : i32
    %dma_wait3A_1039 = arith.constant 0 : i32
    %dma_wait3A_1040 = tpu.memref_slice %arg9[%dma_wait3A_1038, %dma_wait3A_1039] : memref<64x384xf32, #tpu.memory_space<vmem>> -> memref<32x384xf32, #tpu.memory_space<vmem>>
    tpu.wait_dma2 semaphore(%arg19 : memref<!tpu.dma_semaphore, #tpu.memory_space<semaphore_mem>>) src(%dma_wait3A_1040 : memref<32x384xf32, #tpu.memory_space<vmem>>) dst(%dma_wait3A_1037 : memref<32x384xf32, #tpu.memory_space<hbm>>)
    return
  }
}

</mosaic_0001>

<sc_bundles>
// kernel: kernel.3.cloned.1.call-start
scs
__scs_entry_jumppad:
0x0: {  	(pc) =	sbr.rel $0x88, $3  }
0x1: {  	(tag) =	ssettag $0x0;
	lr =	simm.s32 $0x1  }
0x2: {  	[smem:$0x3F9D] =	sst lr;
	_ =	strace $0xD0000000  }
0x3: {  	_ = 	snop  }
0x4: {  	_ = 	snop  }
0x5: {  	_ = 	snop  }
0x6: {  	_ = 	snop  }
0x7: {  	_ = 	snop  }
__scs_overlays_trampoline_lowered:
0x8: {  	[smem:$0x3FAC] =	sst s0  }
0x9: {  	[smem:$0x3FAD] =	sst s1  }
0xa: {  	[smem:$0x3FAE] =	sst s2  }
0xb: {  	[smem:$0x3FAF] =	sst s3  }
0xc: {  	[smem:$0x3FB0] =	sst s4  }
0xd: {  	[smem:$0x3FB1] =	sst s5  }
0xe: {  	[smem:$0x3FB2] =	sst s6  }
0xf: {  	[smem:$0x3FB3] =	sst s7  }
0x10: {  	[smem:$0x3FB4] =	sst s8  }
0x11: {  	[smem:$0x3FB5] =	sst s9;
	s0 =	simm.s32 @!p0 $0x0  }
0x12: {  	s1 =	sld [smem:$0x3F9B];
	s0 =	simm.s32 @p0 $0x1  }
0x13: {  	[smem:$0x3FB6] =	sst s0;
	s0 =	simm.s32 @!p1 $0x0  }
0x14: {  	s2 =	sld [smem:$0x3F9A];
	s0 =	simm.s32 @p1 $0x1  }
0x15: {  	[smem:$0x3FB7] =	sst s0;
	s0 =	simm.s32 @!p2 $0x0  }
0x16: {  	s3 =	sld [smem:$0x3FDB];
	s0 =	simm.s32 @p2 $0x1  }
0x17: {  	s4 =	simm.s32 $0x1BF5;
	[smem:$0x3FB9] =	sst s0  }
0x18: {  	s0 =	sld [smem:$0x3F9C];
	_ =	swait.ge [sflag:s4], $0x0  }
0x19: {  	s7 =	sld [smem:$0x3F9D]  }
0x1a: {  	s8 =	sadd.s32 $0xFFFFE003, lr  }
0x1b: {  	s9 =	sadd.s32 $0xFFFFFEF7, lr;
	s5 =	simm.s32 $0xFFFFFFFF;
	p2 =	slt.u32 s8, $0xFFFFF086  }
0x1c: {  	p1 =	slt.u32 s9, $0xF7A;
	s5 =	simm.s32 @!p2 $0x0  }
0x1d: {  	s5 =	simm.s32 @p1 $0x1;
	p0 =	seq.s32 s7, s2  }
0x1e: {  	s7 =	smul.u32 @!p0 $0xF7A, s2;
	p2 =	seq.s32 @!p0 s5, $0x0  }
0x1f: {  	s9 =	smul.u32 $0xF7A, s1;
	s8 =	simm.s32 @!p0 $0x1BF5;
	p2 =	por !p2, p0  }
0x20: {  	[sflag:s8] =	ssyncset.s32 @!p0 $0xFFFFF086;
	s6 =	sadd.s32 @!p0 s3, s7;
	s7 =	simm.s32 @!p0 $0x108  }
0x21: {  	s3 =	sadd.s32 s3, s9;
	s6 =	sadd.s32 @!p0 $0x88, s6;
	s7 =	simm.s32 @p2 $0x1082  }
0x22: {  	[simem:s7], [sflag:s8] =	dma.local @!p0 [hbm:s6], $0xF7A  }
0x23: {  	s9 =	sor.u32 $0xD0000000, s2;
	s6 =	simm.s32 $0x108;
	_ =	swait.ge @!p0 [sflag:s8], $0x0  }
0x24: {  	s3 =	sadd.s32 $0x88, s3;
	s6 =	simm.s32 @!p1 $0x1082;
	[sflag:s4] =	ssyncset.s32 $0xFFFFF086  }
0x25: {  	[simem:s6], [sflag:s4] =	dma.local [hbm:s3], $0xF7A  }
0x26: {  	[smem:$0x3F9D] =	sst s1;
	(tag) =	ssettag s2;
	_ =	strace s9  }
0x27: {  	s1 =	sld [smem:$0x3FAD]  }
0x28: {  	s2 =	sld [smem:$0x3FAE]  }
0x29: {  	s4 =	sld [smem:$0x3FB0]  }
0x2a: {  	p0 =	seq.s32 s5, $0x0;
	s5 =	sld [smem:$0x3FB1]  }
0x2b: {  	s6 =	sld [smem:$0x3FB2]  }
0x2c: {  	s7 =	sld [smem:$0x3FB3]  }
0x2d: {  	s3 =	simm.s32 $0x108;
	s8 =	sld [smem:$0x3FB4]  }
0x2e: {  	s3 =	simm.s32 @!p0 $0x1082;
	s9 =	sld [smem:$0x3FB5]  }
0x2f: {  	lr =	sadd.s32 s0, s3;
	s0 =	sld [smem:$0x3FAC]  }
0x30: {  	s3 =	sld [smem:$0x3FAF]  }
0x31: {  	[smem:$0x3FB8] =	sst s10  }
0x32: {  	s10 =	sld [smem:$0x3FB6];
	_ =	sdelay $0x3  }
0x33: {  	p0 =	seq.s32 s10, $0x1;
	s10 =	sld [smem:$0x3FB8];
	_ =	sdelay $0x3  }
0x34: {  	[smem:$0x3FB8] =	sst s10  }
0x35: {  	s10 =	sld [smem:$0x3FB7];
	_ =	sdelay $0x3  }
0x36: {  	p1 =	seq.s32 s10, $0x1;
	s10 =	sld [smem:$0x3FB8];
	_ =	sdelay $0x3  }
0x37: {  	[smem:$0x3FB8] =	sst s10  }
0x38: {  	s10 =	sld [smem:$0x3FB9]  }
0x39: {  	_ = 	snop;
	(pc) =	sbr.ind lr, $3  }
0x3a: {  	_ = 	snop  }
0x3b: {  	_ = 	snop  }
0x3c: {  	p2 =	seq.s32 s10, $0x1;
	s10 =	sld [smem:$0x3FB8]  }
0x3d: {  	_ =	shalt  }
0x3e: {  	_ =	shalt  }
0x3f: {  	_ =	shalt  }
0x40: {  	_ =	shalt  }
0x41: {  	_ =	shalt  }
0x42: {  	_ =	shalt  }
0x43: {  	_ =	shalt  }
0x44: {  	_ =	shalt  }
0x45: {  	_ =	shalt  }
0x46: {  	_ =	shalt  }
0x47: {  	_ =	shalt  }
0x48: {  	_ =	shalt  }
0x49: {  	_ =	shalt  }
0x4a: {  	_ =	shalt  }
0x4b: {  	_ =	shalt  }
0x4c: {  	_ =	shalt  }
0x4d: {  	_ =	shalt  }
0x4e: {  	_ =	shalt  }
0x4f: {  	_ =	shalt  }
0x50: {  	_ =	shalt  }
0x51: {  	_ =	shalt  }
0x52: {  	_ =	shalt  }
0x53: {  	_ =	shalt  }
0x54: {  	_ =	shalt  }
0x55: {  	_ =	shalt  }
0x56: {  	_ =	shalt  }
0x57: {  	_ =	shalt  }
0x58: {  	_ =	shalt  }
0x59: {  	_ =	shalt  }
0x5a: {  	_ =	shalt  }
0x5b: {  	_ =	shalt  }
0x5c: {  	_ =	shalt  }
0x5d: {  	_ =	shalt  }
0x5e: {  	_ =	shalt  }
0x5f: {  	_ =	shalt  }
0x60: {  	_ =	shalt  }
0x61: {  	_ =	shalt  }
0x62: {  	_ =	shalt  }
0x63: {  	_ =	shalt  }
0x64: {  	_ =	shalt  }
0x65: {  	_ =	shalt  }
0x66: {  	_ =	shalt  }
0x67: {  	_ =	shalt  }
0x68: {  	_ =	shalt  }
0x69: {  	_ =	shalt  }
0x6a: {  	_ =	shalt  }
0x6b: {  	_ =	shalt  }
0x6c: {  	_ =	shalt  }
0x6d: {  	_ =	shalt  }
0x6e: {  	_ =	shalt  }
0x6f: {  	_ =	shalt  }
0x70: {  	_ =	shalt  }
0x71: {  	_ =	shalt  }
0x72: {  	_ =	shalt  }
0x73: {  	_ =	shalt  }
0x74: {  	_ =	shalt  }
0x75: {  	_ =	shalt  }
0x76: {  	_ =	shalt  }
0x77: {  	_ =	shalt  }
0x78: {  	_ =	shalt  }
0x79: {  	_ =	shalt  }
0x7a: {  	_ =	shalt  }
0x7b: {  	_ =	shalt  }
0x7c: {  	_ =	shalt  }
0x7d: {  	_ =	shalt  }
0x7e: {  	_ =	shalt  }
0x7f: {  	_ =	shalt  }
0x80: {  	_ =	shalt  }
0x81: {  	_ =	shalt  }
0x82: {  	_ =	shalt  }
0x83: {  	_ =	shalt  }
0x84: {  	_ =	shalt  }
0x85: {  	_ =	shalt  }
0x86: {  	_ =	shalt  }
0x87: {  	_ =	shalt  }
.Lfunc_end0:
.L_simem_size_0:
called_computation_lowered:
.L_overlay_start_0:
0x88: {  	s2 =	sld [smem:$0x3FD9]  }
0x89: {  	s3 =	sld [smem:$0x3FFE];
	_ =	sdelay $0x1  }
0x8a: {  	s1 =	srdreg.scid  }
0x8b: {  	s0 =	sand.u32 $0x1, s1  }
0x8c: {  	s17 =	sshll.u32 s0, $0xA;
	s2 =	sadd.s32 s3, s2  }
0x8d: {  	s2 =	sadd.s32 s2, s17  }
0x8e: {  	[smem:$0x3FC4] =	sst s2  }
0x8f: {  	_ = 	snop  }
0x90: {  	s2 =	sld [smem:$0x3FC8]  }
0x91: {  	s18 =	sld [smem:$0x3FC7]  }
0x92: {  	s4 =	sld [smem:$0x3FC6]  }
0x93: {  	s5 =	sld [smem:$0x3FD0];
	(tm) =	ssettm $0x1  }
0x94: {  	s6 =	sld [smem:$0x3FFB];
	_ =	sdelay $0x3  }
0x95: {  	_ =	strace s6  }
0x96: {  	s6 =	sld [smem:$0x3FFC];
	_ =	sdelay $0x3  }
0x97: {  	_ =	strace s6  }
0x98: {  	s6 =	sld [smem:$0x3FFD];
	_ =	sdelay $0x3  }
0x99: {  	_ =	strace s6  }
0x9a: {  	_ =	strace $0x8FFFFFFF  }
0x9b: {  	s19 =	sld [smem:$0x3FDB];
	_ =	sdelay $0x1  }
0x9c: {  	s7 =	simm.s32 $_scs_section_size  }
0x9d: {  	s8 =	simm.s32 $_size__tile_overlayer_lowered;
	s9 =	simm.s32 $_tile_overlayer_lowered  }
0x9e: {  	s22 =	simm.s32 $0x1BFF;
	s21 =	sshll.u32 s9, $0x1;
	s6 =	sadd.s32 s7, s19  }
0x9f: {  	s10 =	simm.s32 $0x0;
	s20 =	sshll.u32 s8, $0x1;
	s8 =	sadd.s32 s21, s6  }
0xa0: {  	[timem:s10], [sflag:s22] =	dma.local [hbm:s8], s20  }
0xa1: {  	_ =	swait.ge [sflag:s22], s20  }
0xa2: {  	s7 =	ssub.s32 $0x0, s20;
	[sflag:s22] =	ssyncset.done $0x0  }
0xa3: {  	[sflag:s22] =	ssyncadd.s32 s7;
	_ =	sdelay $0x1  }
0xa4: {  	s23 =	simm.s32 $0x1B8B  }
0xa5: {  	_ =	swait.ge [sflag:s23], $0x1  }
0xa6: {  	[sflag:s23] =	ssyncset.done $0x0  }
0xa7: {  	s25 =	simm.s32 $0x1B8E;
	s24 =	sld [smem:$0x3FFE];
	[sflag:s23] =	ssyncadd.s32 $0xFFFFFFFF  }
0xa8: {  	s26 =	simm.s32 $execute0_lowered;
	[smem:$0x3FD2] =	sst s25  }
0xa9: {  	s8 =	sshll.u32 s26, $0x1;
	_ =	strace $0x80000046;
	[dreg:$0x1] =	wrdreg $0xFFFFFFFF  }
0xaa: {  	s28 =	simm.s32 $_size_execute0_lowered;
	s6 =	sadd.s32 s6, s8;
	[dreg:$0x0] =	wrdreg $0x0  }
0xab: {  	s8 =	sshll.u32 s28, $0x1;
	[dreg:$0x2] =	wrdreg s6  }
0xac: {  	[dreg:$0x3] =	wrdreg s8  }
0xad: {  	[dreg:$0x4] =	wrdreg $0xC0  }
0xae: {  	_ =	task [dreg:s10], $0x5FFFF  }
0xaf: {  	[dreg:$0x1] =	wrdreg $0xFFFFFFFF  }
0xb0: {  	[dreg:$0x0] =	wrdreg $0x60  }
0xb1: {  	[dreg:$0x2] =	wrdreg s24  }
0xb2: {  	[dreg:$0x3] =	wrdreg s2  }
0xb3: {  	[dreg:$0x4] =	wrdreg s18  }
0xb4: {  	[dreg:$0x5] =	wrdreg s4  }
0xb5: {  	[dreg:$0x6] =	wrdreg s5  }
0xb6: {  	[dreg:$0x7] =	wrdreg $0x9  }
0xb7: {  	_ =	task.clear_ibuf [dreg:s10], $0x8FFFF;
	_ =	strace $0x90000046  }
0xb8: {  	s29 =	simm.s32 $0x9;
	_ =	strace $0x80000048  }
0xb9: {  	_ =	swait.ge [sflag:s29], $0x1  }
0xba: {  	[sflag:s29] =	ssyncadd.s32 $0xFFFFFFFF  }
0xbb: {  	_ =	strace $0x90000048  }
0xbc: {  	_ =	sfence  }
0xbd: {  	s30 =	sld [smem:$0x0];
	_ =	sdelay $0x2  }
0xbe: {  	s31 =	sshll.u32 s1, $0xD;
	s1 =	sshrl.u32 s1, $0x2  }
0xbf: {  	s3 =	sand.u32 $0x4000, s31;
	s1 =	sadd.s32 s1, s30  }
0xc0: {  	s0 =	sor.u32 s3, s0;
	s1 =	sshll.u32 s1, $0x11  }
0xc1: {  	s0 =	sor.u32 s1, s0  }
0xc2: {  	s0 =	sadd.s32 $0x8F2B, s0  }
0xc3: {  	[sflag:s0] =	ssyncadd.remote.s32 $0x1  }
0xc4: {  	_ =	sfence.sel $0xFFFF  }
0xc5: {  	[dreg:$0x0] =	wrdreg $0xFFFFFFFF;
	(pc) =	sbr.abs _section_cstart, $3  }
0xc6: {  	[dreg:$0x1] =	wrdreg $0xFFFFFFFF  }
0xc7: {  	_ =	task.clear_ibuf [dreg:s10], $0x2FFFF;
	_ =	strace $0x9FFFFFFF  }
0xc8: {  	(tm) =	ssettm $0x7FFFFFFF  }
0xc9: {  	_ =	shalt  }
tec
execute0_lowered:
.L_overlay_start_1:
0x0: {  	(tag) =	ssettag $0x1  }
0x1: {  	s0 =	rddreg [dreg:$0x0]  }
0x2: {  	s1 =	rddreg [dreg:$0x1];
	s3 =	srdreg.scid  }
0x3: {  	s2 =	rddreg [dreg:$0x2];
	s5 =	stileid.u32;
	s3 =	sand.u32 $0x1, s3  }
0x4: {  	s4 =	rddreg [dreg:$0x3];
	s7 =	sshll.u32 s5, $0x7;
	s8 =	sshll.u32 s3, $0x6  }
0x5: {  	s6 =	rddreg [dreg:$0x4];
	s7 =	sor.u32 s8, s7  }
0x6: {  	s5 =	simm.s32 $0x0;
	s0 =	sadd.s32 s7, s0;
	s9 =	smul.u32 $0x2400, s7  }
0x7: {  	[smem:$0x7FF] =	sst s5;
	s7 =	smul.u32 $0x480, s7;
	s21 =	sadd.s32 $0x1600, s0  }
0x8: {  	_ =	strace $0x80000047;
	s22 =	sadd.s32 $0xE00, s0;
	[dreg:$0x6] =	wrdreg s21  }
0x9: {  	s0 =	sadd.s32 $0x600, s0;
	[dreg:$0x7] =	wrdreg s22;
	s7 =	sadd.s32 s7, s6  }
0xa: {  	s23 =	sshrl.u32 s9, $0x3;
	[dreg:$0x8] =	wrdreg s0;
	s24 =	sadd.s32 $0x1200, s7  }
0xb: {  	s9 =	sadd.s32 s6, s23;
	[dreg:$0x9] =	wrdreg s24  }
0xc: {  	s25 =	sadd.s32 $0x2400, s9;
	[smem:$0x7F9] =	sst s9  }
0xd: {  	s26 =	sadd.s32 $0x4800, s9;
	[dreg:$0xa] =	wrdreg s25  }
0xe: {  	s28 =	sadd.s32 $0x6C00, s9;
	[dreg:$0xb] =	wrdreg s26  }
0xf: {  	s29 =	sadd.s32 $0x9000, s9;
	[dreg:$0xc] =	wrdreg s28  }
0x10: {  	s31 =	sadd.s32 $0xB400, s9;
	[dreg:$0xd] =	wrdreg s29  }
0x11: {  	s6 =	sadd.s32 $0xD800, s9;
	[dreg:$0xe] =	wrdreg s31  }
0x12: {  	s7 =	sadd.s32 $0xFC00, s9;
	[dreg:$0xf] =	wrdreg s6  }
0x13: {  	s8 =	sadd.s32 $0x180, s9;
	[dreg:$0x10] =	wrdreg s7  }
0x14: {  	s10 =	sadd.s32 $0x2580, s9;
	[dreg:$0x11] =	wrdreg s8  }
0x15: {  	s11 =	sadd.s32 $0x4980, s9;
	[dreg:$0x12] =	wrdreg s10  }
0x16: {  	s12 =	sadd.s32 $0x6D80, s9;
	[dreg:$0x13] =	wrdreg s11  }
0x17: {  	s13 =	sadd.s32 $0x9180, s9;
	[dreg:$0x14] =	wrdreg s12  }
0x18: {  	s14 =	sadd.s32 $0xB580, s9;
	[dreg:$0x15] =	wrdreg s13  }
0x19: {  	s15 =	sadd.s32 $0xD980, s9;
	[dreg:$0x16] =	wrdreg s14  }
0x1a: {  	s16 =	sadd.s32 $0xFD80, s9;
	[dreg:$0x17] =	wrdreg s15  }
0x1b: {  	s17 =	sadd.s32 $0x300, s9;
	[dreg:$0x18] =	wrdreg s16  }
0x1c: {  	s30 =	simm.s32 $0x1;
	s18 =	sadd.s32 $0x2700, s9;
	[dreg:$0x19] =	wrdreg s17  }
0x1d: {  	s3 =	ssub.s32 $0x2, s3;
	s19 =	sadd.s32 $0x4B00, s9;
	[dreg:$0x1a] =	wrdreg s18  }
0x1e: {  	s22 =	sshrl.u32 s3, $0x1;
	s20 =	sadd.s32 $0x6F00, s9;
	[dreg:$0x1b] =	wrdreg s19  }
0x1f: {  	s3 =	ssub.s32 s3, s22;
	s21 =	sadd.s32 $0x9300, s9;
	[dreg:$0x1c] =	wrdreg s20  }
0x20: {  	s22 =	simm.s32 $0x8;
	s23 =	sadd.s32 $0xB700, s9;
	[dreg:$0x1d] =	wrdreg s21  }
0x21: {  	s24 =	sadd.s32 $0xDB00, s9;
	[dreg:$0x1e] =	wrdreg s23;
	s7 =	sadd.s32 $0x100, s1  }
0x22: {  	[dreg:$0x1f] =	wrdreg s24;
	s25 =	sadd.s32 $0xFF00, s9;
	s8 =	sadd.s32 $0x100, s2  }
0x23: {  	s26 =	sadd.s32 $0x11100, s9;
	s9 =	sadd.s32 $0x100, s4;
	s28 =	simm.s32 $0x1E000  }
0x24: {  	s10 =	smax.u32 s3, $0x1;
	s13 =	simm.s32 $0xC00;
	s17 =	simm.s32 $0x2400  }
0x25: {  	s29 =	simm.s32 $0x1E200;
	s31 =	simm.s32 $0x1E400;
	[smem:$0x7F8] =	sst s25  }
0x26: {  	s3 =	simm.s32 $0x6;
	s15 =	simm.s32 $0x2;
	[smem:$0x7FA] =	sst s26  }
0x27: {  	v2 =	vlaneseq.u32;
	s6 =	simm.s32 $0x7;
	s21 =	simm.s32 $0x3;
	[smem:$0x7FB] =	sst s28  }
0x28: {  	vm0 =	vmmov $0xffff;
	vm1 =	vmmov $0xff;
	v1 =	vshrl.u32 v2, $0x3;
	s23 =	simm.s32 $0x4;
	s24 =	simm.s32 $0x9;
	[smem:$0x7FC] =	sst s29  }
0x29: {  	v0 =	vand.u32 $0x7, v2;
	v2 =	vor.u32 $0x8, v2;
	v1 =	vmul.u32 $0x8, v1;
	[smem:$0x7FD] =	sst s31;
	s25 =	simm.s32 $0x5;
	s26 =	simm.s32 $0xA  }
.LBB2_1:
0x2a: {  	s12 =	sld [smem:$0x7FB]  }
0x2b: {  	[smem:$0x7F7] =	sst s10  }
0x2c: {  	s29 =	rddreg [dreg:$0x6];
	s11 =	simm.s32 $0xB  }
0x2d: {  	[tilespmem:s12], [sflag:$0xB] =	stream.linear.gather [hbm4b:s29+s5], $0x200, $0x38;
	[tilespmem:$0x1E600] =	vst v63  }
0x2e: {  	_ =	swait.ge [sflag:s11], $0x200  }
0x2f: {  	[sflag:s11] =	ssyncset.done $0x0  }
0x30: {  	[sflag:s11] =	ssyncadd.s32 $0xFFFFFE00  }
0x31: {  	v3 =	vld [tilespmem:$0x1E000];
	_ =	sdelay $0x4  }
0x32: {  	v4 =	vshrl.u32 v3, $0x3  }
0x33: {  	v4 =	vmul.u32 $0x18, v4  }
0x34: {  	v3 =	vand.u32 $0x7, v3  }
0x35: {  	v3 =	vor.u32 v3, v4  }
0x36: {  	v4 =	vperm.xlane v3, v0;
	_ =	sdelay $0x1  }
0x37: {  	v4 =	vadd.s32 v1, v4;
	_ =	sdelay $0x1  }
0x38: {  	v3 =	vperm.xlane v3, v2;
	_ =	sdelay $0x1  }
0x39: {  	v3 =	vadd.s32 v1, v3  }
0x3a: {  	[tilespmem:s5], [sflag:$0x1] =	stream.indirect_vreg.gather [hbm4b:s1+s5], $0x80, v4, vm0, $0xb8;
	[tilespmem:$0x1E600] =	vst v63  }
0x3b: {  	s0 =	simm.s32 $0x800  }
0x3c: {  	[tilespmem:s0], [sflag:$0x1] =	stream.indirect_vreg.gather [hbm4b:s7+s5], $0x80, v4, vm1, $0xb8;
	[tilespmem:$0x1E600] =	vst v63  }
0x3d: {  	_ = 	snop  }
0x3e: {  	[tilespmem:s13], [sflag:$0x1] =	stream.indirect_vreg.gather [hbm4b:s1+s5], $0x80, v3, vm0, $0xb8;
	[tilespmem:$0x1E600] =	vst v63  }
0x3f: {  	s10 =	simm.s32 $0x1400  }
0x40: {  	[tilespmem:s10], [sflag:$0x1] =	stream.indirect_vreg.gather [hbm4b:s7+s5], $0x80, v3, vm1, $0xb8;
	[tilespmem:$0x1E600] =	vst v63  }
0x41: {  	v3 =	vld [tilespmem:$0x1E010];
	_ =	sdelay $0x4  }
0x42: {  	v25 =	vshrl.u32 v3, $0x3  }
0x43: {  	v4 =	vmul.u32 $0x18, v25  }
0x44: {  	v3 =	vand.u32 $0x7, v3  }
0x45: {  	v3 =	vor.u32 v3, v4  }
0x46: {  	v4 =	vperm.xlane v3, v0;
	_ =	sdelay $0x1  }
0x47: {  	v4 =	vadd.s32 v1, v4;
	_ =	sdelay $0x1  }
0x48: {  	v3 =	vperm.xlane v3, v2;
	_ =	sdelay $0x1  }
0x49: {  	s16 =	simm.s32 $0x1800;
	v3 =	vadd.s32 v1, v3  }
0x4a: {  	[tilespmem:s16], [sflag:$0x1] =	stream.indirect_vreg.gather [hbm4b:s1+s5], $0x80, v4, vm0, $0xb8;
	[tilespmem:$0x1E600] =	vst v63  }
0x4b: {  	s18 =	simm.s32 $0x2000  }
0x4c: {  	[tilespmem:s18], [sflag:$0x1] =	stream.indirect_vreg.gather [hbm4b:s7+s5], $0x80, v4, vm1, $0xb8;
	[tilespmem:$0x1E600] =	vst v63  }
0x4d: {  	_ = 	snop  }
0x4e: {  	[tilespmem:s17], [sflag:$0x1] =	stream.indirect_vreg.gather [hbm4b:s1+s5], $0x80, v3, vm0, $0xb8;
	[tilespmem:$0x1E600] =	vst v63  }
0x4f: {  	s20 =	simm.s32 $0x2C00  }
0x50: {  	[tilespmem:s20], [sflag:$0x1] =	stream.indirect_vreg.gather [hbm4b:s7+s5], $0x80, v3, vm1, $0xb8;
	[tilespmem:$0x1E600] =	vst v63  }
0x51: {  	v3 =	vld [tilespmem:$0x1E020];
	_ =	sdelay $0x4  }
0x52: {  	v26 =	vshrl.u32 v3, $0x3  }
0x53: {  	v4 =	vmul.u32 $0x18, v26  }
0x54: {  	v3 =	vand.u32 $0x7, v3  }
0x55: {  	v3 =	vor.u32 v3, v4  }
0x56: {  	v4 =	vperm.xlane v3, v0;
	_ =	sdelay $0x1  }
0x57: {  	v4 =	vadd.s32 v1, v4;
	_ =	sdelay $0x1  }
0x58: {  	v3 =	vperm.xlane v3, v2;
	_ =	sdelay $0x1  }
0x59: {  	s28 =	simm.s32 $0x6000;
	v3 =	vadd.s32 v1, v3  }
0x5a: {  	[tilespmem:s28], [sflag:$0x2] =	stream.indirect_vreg.gather [hbm4b:s1+s5], $0x80, v4, vm0, $0xb8;
	[tilespmem:$0x1E600] =	vst v63  }
0x5b: {  	s29 =	simm.s32 $0x6800  }
0x5c: {  	[tilespmem:s29], [sflag:$0x2] =	stream.indirect_vreg.gather [hbm4b:s7+s5], $0x80, v4, vm1, $0xb8;
	[tilespmem:$0x1E600] =	vst v63  }
0x5d: {  	s31 =	simm.s32 $0x6C00  }
0x5e: {  	[tilespmem:s31], [sflag:$0x2] =	stream.indirect_vreg.gather [hbm4b:s1+s5], $0x80, v3, vm0, $0xb8;
	[tilespmem:$0x1E600] =	vst v63  }
0x5f: {  	s12 =	simm.s32 $0x7400  }
0x60: {  	[tilespmem:s12], [sflag:$0x2] =	stream.indirect_vreg.gather [hbm4b:s7+s5], $0x80, v3, vm1, $0xb8;
	[tilespmem:$0x1E600] =	vst v63  }
0x61: {  	v3 =	vld [tilespmem:$0x1E030];
	_ =	sdelay $0x4  }
0x62: {  	v27 =	vshrl.u32 v3, $0x3  }
0x63: {  	v4 =	vmul.u32 $0x18, v27  }
0x64: {  	v3 =	vand.u32 $0x7, v3  }
0x65: {  	v3 =	vor.u32 v3, v4  }
0x66: {  	v4 =	vperm.xlane v3, v0;
	_ =	sdelay $0x1  }
0x67: {  	v4 =	vadd.s32 v1, v4;
	_ =	sdelay $0x1  }
0x68: {  	v3 =	vperm.xlane v3, v2;
	_ =	sdelay $0x1  }
0x69: {  	s18 =	simm.s32 $0x7800;
	v3 =	vadd.s32 v1, v3  }
0x6a: {  	[tilespmem:s18], [sflag:$0x2] =	stream.indirect_vreg.gather [hbm4b:s1+s5], $0x80, v4, vm0, $0xb8;
	[tilespmem:$0x1E600] =	vst v63  }
0x6b: {  	s20 =	simm.s32 $0x8000  }
0x6c: {  	[tilespmem:s20], [sflag:$0x2] =	stream.indirect_vreg.gather [hbm4b:s7+s5], $0x80, v4, vm1, $0xb8;
	[tilespmem:$0x1E600] =	vst v63  }
0x6d: {  	s28 =	simm.s32 $0x8400  }
0x6e: {  	[tilespmem:s28], [sflag:$0x2] =	stream.indirect_vreg.gather [hbm4b:s1+s5], $0x80, v3, vm0, $0xb8;
	[tilespmem:$0x1E600] =	vst v63  }
0x6f: {  	s29 =	simm.s32 $0x8C00  }
0x70: {  	[tilespmem:s29], [sflag:$0x2] =	stream.indirect_vreg.gather [hbm4b:s7+s5], $0x80, v3, vm1, $0xb8;
	[tilespmem:$0x1E600] =	vst v63  }
0x71: {  	v3 =	vld [tilespmem:$0x1E040];
	_ =	sdelay $0x4  }
0x72: {  	v28 =	vshrl.u32 v3, $0x3  }
0x73: {  	v4 =	vmul.u32 $0x18, v28  }
0x74: {  	v3 =	vand.u32 $0x7, v3  }
0x75: {  	v3 =	vor.u32 v3, v4  }
0x76: {  	v4 =	vperm.xlane v3, v0;
	_ =	sdelay $0x1  }
0x77: {  	v4 =	vadd.s32 v1, v4;
	_ =	sdelay $0x1  }
0x78: {  	v3 =	vperm.xlane v3, v2;
	_ =	sdelay $0x1  }
0x79: {  	s31 =	simm.s32 $0xC000;
	v3 =	vadd.s32 v1, v3  }
0x7a: {  	[tilespmem:s31], [sflag:$0x3] =	stream.indirect_vreg.gather [hbm4b:s1+s5], $0x80, v4, vm0, $0xb8;
	[tilespmem:$0x1E600] =	vst v63  }
0x7b: {  	s12 =	simm.s32 $0xC800  }
0x7c: {  	[tilespmem:s12], [sflag:$0x3] =	stream.indirect_vreg.gather [hbm4b:s7+s5], $0x80, v4, vm1, $0xb8;
	[tilespmem:$0x1E600] =	vst v63  }
0x7d: {  	s18 =	simm.s32 $0xCC00  }
0x7e: {  	[tilespmem:s18], [sflag:$0x3] =	stream.indirect_vreg.gather [hbm4b:s1+s5], $0x80, v3, vm0, $0xb8;
	[tilespmem:$0x1E600] =	vst v63  }
0x7f: {  	s20 =	simm.s32 $0xD400  }
0x80: {  	[tilespmem:s20], [sflag:$0x3] =	stream.indirect_vreg.gather [hbm4b:s7+s5], $0x80, v3, vm1, $0xb8;
	[tilespmem:$0x1E600] =	vst v63  }
0x81: {  	v3 =	vld [tilespmem:$0x1E050];
	_ =	sdelay $0x4  }
0x82: {  	v29 =	vshrl.u32 v3, $0x3  }
0x83: {  	v4 =	vmul.u32 $0x18, v29  }
0x84: {  	v3 =	vand.u32 $0x7, v3  }
0x85: {  	v3 =	vor.u32 v3, v4  }
0x86: {  	v4 =	vperm.xlane v3, v0;
	_ =	sdelay $0x1  }
0x87: {  	v4 =	vadd.s32 v1, v4;
	_ =	sdelay $0x1  }
0x88: {  	v3 =	vperm.xlane v3, v2;
	_ =	sdelay $0x1  }
0x89: {  	s28 =	simm.s32 $0xD800;
	v3 =	vadd.s32 v1, v3  }
0x8a: {  	[tilespmem:s28], [sflag:$0x3] =	stream.indirect_vreg.gather [hbm4b:s1+s5], $0x80, v4, vm0, $0xb8;
	[tilespmem:$0x1E600] =	vst v63  }
0x8b: {  	s29 =	simm.s32 $0xE000  }
0x8c: {  	[tilespmem:s29], [sflag:$0x3] =	stream.indirect_vreg.gather [hbm4b:s7+s5], $0x80, v4, vm1, $0xb8;
	[tilespmem:$0x1E600] =	vst v63  }
0x8d: {  	s12 =	simm.s32 $0xE400  }
0x8e: {  	[tilespmem:s12], [sflag:$0x3] =	stream.indirect_vreg.gather [hbm4b:s1+s5], $0x80, v3, vm0, $0xb8;
	[tilespmem:$0x1E600] =	vst v63  }
0x8f: {  	s18 =	simm.s32 $0xEC00  }
0x90: {  	[tilespmem:s18], [sflag:$0x3] =	stream.indirect_vreg.gather [hbm4b:s7+s5], $0x80, v3, vm1, $0xb8;
	[tilespmem:$0x1E600] =	vst v63  }
0x91: {  	v3 =	vld [tilespmem:$0x1E060];
	_ =	sdelay $0x4  }
0x92: {  	v30 =	vshrl.u32 v3, $0x3  }
0x93: {  	v4 =	vmul.u32 $0x18, v30  }
0x94: {  	v3 =	vand.u32 $0x7, v3  }
0x95: {  	v3 =	vor.u32 v3, v4  }
0x96: {  	v4 =	vperm.xlane v3, v0;
	_ =	sdelay $0x1  }
0x97: {  	v4 =	vadd.s32 v1, v4;
	_ =	sdelay $0x1  }
0x98: {  	v3 =	vperm.xlane v3, v2;
	_ =	sdelay $0x1  }
0x99: {  	s20 =	simm.s32 $0xF000;
	v3 =	vadd.s32 v1, v3  }
0x9a: {  	[tilespmem:s20], [sflag:$0x3] =	stream.indirect_vreg.gather [hbm4b:s1+s5], $0x80, v4, vm0, $0xb8;
	[tilespmem:$0x1E600] =	vst v63  }
0x9b: {  	s28 =	simm.s32 $0xF800  }
0x9c: {  	[tilespmem:s28], [sflag:$0x3] =	stream.indirect_vreg.gather [hbm4b:s7+s5], $0x80, v4, vm1, $0xb8;
	[tilespmem:$0x1E600] =	vst v63  }
0x9d: {  	s29 =	simm.s32 $0xFC00  }
0x9e: {  	[tilespmem:s29], [sflag:$0x3] =	stream.indirect_vreg.gather [hbm4b:s1+s5], $0x80, v3, vm0, $0xb8;
	[tilespmem:$0x1E600] =	vst v63  }
0x9f: {  	s12 =	simm.s32 $0x10400  }
0xa0: {  	[tilespmem:s12], [sflag:$0x3] =	stream.indirect_vreg.gather [hbm4b:s7+s5], $0x80, v3, vm1, $0xb8;
	[tilespmem:$0x1E600] =	vst v63  }
0xa1: {  	v3 =	vld [tilespmem:$0x1E070];
	_ =	sdelay $0x4  }
0xa2: {  	v31 =	vshrl.u32 v3, $0x3  }
0xa3: {  	v4 =	vmul.u32 $0x18, v31  }
0xa4: {  	v3 =	vand.u32 $0x7, v3  }
0xa5: {  	v3 =	vor.u32 v3, v4  }
0xa6: {  	v4 =	vperm.xlane v3, v0;
	_ =	sdelay $0x1  }
0xa7: {  	v4 =	vadd.s32 v1, v4;
	_ =	sdelay $0x1  }
0xa8: {  	v3 =	vperm.xlane v3, v2;
	_ =	sdelay $0x1  }
0xa9: {  	s18 =	simm.s32 $0x10800;
	v3 =	vadd.s32 v1, v3  }
0xaa: {  	[tilespmem:s18], [sflag:$0x3] =	stream.indirect_vreg.gather [hbm4b:s1+s5], $0x80, v4, vm0, $0xb8;
	[tilespmem:$0x1E600] =	vst v63  }
0xab: {  	s20 =	simm.s32 $0x11000  }
0xac: {  	[tilespmem:s20], [sflag:$0x3] =	stream.indirect_vreg.gather [hbm4b:s7+s5], $0x80, v4, vm1, $0xb8;
	[tilespmem:$0x1E600] =	vst v63  }
0xad: {  	s28 =	simm.s32 $0x11400  }
0xae: {  	[tilespmem:s28], [sflag:$0x3] =	stream.indirect_vreg.gather [hbm4b:s1+s5], $0x80, v3, vm0, $0xb8;
	[tilespmem:$0x1E600] =	vst v63  }
0xaf: {  	s29 =	simm.s32 $0x11C00  }
0xb0: {  	[tilespmem:s29], [sflag:$0x3] =	stream.indirect_vreg.gather [hbm4b:s7+s5], $0x80, v3, vm1, $0xb8;
	[tilespmem:$0x1E600] =	vst v63  }
0xb1: {  	v3 =	vld [tilespmem:$0x1E080];
	_ =	sdelay $0x4  }
0xb2: {  	v32 =	vshrl.u32 v3, $0x3  }
0xb3: {  	v4 =	vmul.u32 $0x18, v32  }
0xb4: {  	v3 =	vand.u32 $0x7, v3  }
0xb5: {  	v3 =	vor.u32 v3, v4  }
0xb6: {  	v4 =	vperm.xlane v3, v0;
	_ =	sdelay $0x1  }
0xb7: {  	v4 =	vadd.s32 v1, v4;
	_ =	sdelay $0x1  }
0xb8: {  	v3 =	vperm.xlane v3, v2;
	_ =	sdelay $0x1  }
0xb9: {  	s12 =	simm.s32 $0x12000;
	v3 =	vadd.s32 v1, v3  }
0xba: {  	[tilespmem:s12], [sflag:$0x4] =	stream.indirect_vreg.gather [hbm4b:s1+s5], $0x80, v4, vm0, $0xb8;
	[tilespmem:$0x1E600] =	vst v63  }
0xbb: {  	s18 =	simm.s32 $0x12800  }
0xbc: {  	[tilespmem:s18], [sflag:$0x4] =	stream.indirect_vreg.gather [hbm4b:s7+s5], $0x80, v4, vm1, $0xb8;
	[tilespmem:$0x1E600] =	vst v63  }
0xbd: {  	s20 =	simm.s32 $0x12C00  }
0xbe: {  	[tilespmem:s20], [sflag:$0x4] =	stream.indirect_vreg.gather [hbm4b:s1+s5], $0x80, v3, vm0, $0xb8;
	[tilespmem:$0x1E600] =	vst v63  }
0xbf: {  	s28 =	simm.s32 $0x13400  }
0xc0: {  	[tilespmem:s28], [sflag:$0x4] =	stream.indirect_vreg.gather [hbm4b:s7+s5], $0x80, v3, vm1, $0xb8;
	[tilespmem:$0x1E600] =	vst v63  }
0xc1: {  	v3 =	vld [tilespmem:$0x1E090];
	_ =	sdelay $0x4  }
0xc2: {  	v33 =	vshrl.u32 v3, $0x3  }
0xc3: {  	v4 =	vmul.u32 $0x18, v33  }
0xc4: {  	v3 =	vand.u32 $0x7, v3  }
0xc5: {  	v3 =	vor.u32 v3, v4  }
0xc6: {  	v4 =	vperm.xlane v3, v0;
	_ =	sdelay $0x1  }
0xc7: {  	v4 =	vadd.s32 v1, v4;
	_ =	sdelay $0x1  }
0xc8: {  	v3 =	vperm.xlane v3, v2;
	_ =	sdelay $0x1  }
0xc9: {  	s29 =	simm.s32 $0x13800;
	v3 =	vadd.s32 v1, v3  }
0xca: {  	[tilespmem:s29], [sflag:$0x4] =	stream.indirect_vreg.gather [hbm4b:s1+s5], $0x80, v4, vm0, $0xb8;
	[tilespmem:$0x1E600] =	vst v63  }
0xcb: {  	s12 =	simm.s32 $0x14000  }
0xcc: {  	[tilespmem:s12], [sflag:$0x4] =	stream.indirect_vreg.gather [hbm4b:s7+s5], $0x80, v4, vm1, $0xb8;
	[tilespmem:$0x1E600] =	vst v63  }
0xcd: {  	s29 =	simm.s32 $0x14400  }
0xce: {  	[tilespmem:s29], [sflag:$0x4] =	stream.indirect_vreg.gather [hbm4b:s1+s5], $0x80, v3, vm0, $0xb8;
	[tilespmem:$0x1E600] =	vst v63  }
0xcf: {  	s12 =	simm.s32 $0x14C00  }
0xd0: {  	[tilespmem:s12], [sflag:$0x4] =	stream.indirect_vreg.gather [hbm4b:s7+s5], $0x80, v3, vm1, $0xb8;
	[tilespmem:$0x1E600] =	vst v63  }
0xd1: {  	v3 =	vld [tilespmem:$0x1E0A0];
	_ =	sdelay $0x4  }
0xd2: {  	v34 =	vshrl.u32 v3, $0x3  }
0xd3: {  	v4 =	vmul.u32 $0x18, v34  }
0xd4: {  	v3 =	vand.u32 $0x7, v3  }
0xd5: {  	v3 =	vor.u32 v3, v4  }
0xd6: {  	v4 =	vperm.xlane v3, v0;
	_ =	sdelay $0x1  }
0xd7: {  	v4 =	vadd.s32 v1, v4;
	_ =	sdelay $0x1  }
0xd8: {  	v3 =	vperm.xlane v3, v2;
	_ =	sdelay $0x1  }
0xd9: {  	s29 =	simm.s32 $0x15000;
	v3 =	vadd.s32 v1, v3  }
0xda: {  	[tilespmem:s29], [sflag:$0x4] =	stream.indirect_vreg.gather [hbm4b:s1+s5], $0x80, v4, vm0, $0xb8;
	[tilespmem:$0x1E600] =	vst v63  }
0xdb: {  	s12 =	simm.s32 $0x15800  }
0xdc: {  	[tilespmem:s12], [sflag:$0x4] =	stream.indirect_vreg.gather [hbm4b:s7+s5], $0x80, v4, vm1, $0xb8;
	[tilespmem:$0x1E600] =	vst v63  }
0xdd: {  	s29 =	simm.s32 $0x15C00  }
0xde: {  	[tilespmem:s29], [sflag:$0x4] =	stream.indirect_vreg.gather [hbm4b:s1+s5], $0x80, v3, vm0, $0xb8;
	[tilespmem:$0x1E600] =	vst v63  }
0xdf: {  	s12 =	simm.s32 $0x16400  }
0xe0: {  	[tilespmem:s12], [sflag:$0x4] =	stream.indirect_vreg.gather [hbm4b:s7+s5], $0x80, v3, vm1, $0xb8;
	[tilespmem:$0x1E600] =	vst v63  }
0xe1: {  	v3 =	vld [tilespmem:$0x1E0B0];
	_ =	sdelay $0x4  }
0xe2: {  	v35 =	vshrl.u32 v3, $0x3  }
0xe3: {  	v4 =	vmul.u32 $0x18, v35  }
0xe4: {  	v3 =	vand.u32 $0x7, v3  }
0xe5: {  	v3 =	vor.u32 v3, v4  }
0xe6: {  	v4 =	vperm.xlane v3, v0;
	_ =	sdelay $0x1  }
0xe7: {  	v4 =	vadd.s32 v1, v4;
	_ =	sdelay $0x1  }
0xe8: {  	v3 =	vperm.xlane v3, v2;
	_ =	sdelay $0x1  }
0xe9: {  	s29 =	simm.s32 $0x16800;
	v3 =	vadd.s32 v1, v3  }
0xea: {  	[tilespmem:s29], [sflag:$0x4] =	stream.indirect_vreg.gather [hbm4b:s1+s5], $0x80, v4, vm0, $0xb8;
	[tilespmem:$0x1E600] =	vst v63  }
0xeb: {  	s12 =	simm.s32 $0x17000  }
0xec: {  	[tilespmem:s12], [sflag:$0x4] =	stream.indirect_vreg.gather [hbm4b:s7+s5], $0x80, v4, vm1, $0xb8;
	[tilespmem:$0x1E600] =	vst v63  }
0xed: {  	s29 =	simm.s32 $0x17400  }
0xee: {  	[tilespmem:s29], [sflag:$0x4] =	stream.indirect_vreg.gather [hbm4b:s1+s5], $0x80, v3, vm0, $0xb8;
	[tilespmem:$0x1E600] =	vst v63  }
0xef: {  	s12 =	simm.s32 $0x17C00  }
0xf0: {  	[tilespmem:s12], [sflag:$0x4] =	stream.indirect_vreg.gather [hbm4b:s7+s5], $0x80, v3, vm1, $0xb8;
	[tilespmem:$0x1E600] =	vst v63  }
0xf1: {  	v3 =	vld [tilespmem:$0x1E0C0];
	_ =	sdelay $0x4  }
0xf2: {  	v36 =	vshrl.u32 v3, $0x3  }
0xf3: {  	v4 =	vmul.u32 $0x18, v36  }
0xf4: {  	v3 =	vand.u32 $0x7, v3  }
0xf5: {  	v3 =	vor.u32 v3, v4  }
0xf6: {  	v4 =	vperm.xlane v3, v0;
	_ =	sdelay $0x1  }
0xf7: {  	v4 =	vadd.s32 v1, v4;
	_ =	sdelay $0x1  }
0xf8: {  	v3 =	vperm.xlane v3, v2;
	_ =	sdelay $0x1  }
0xf9: {  	s29 =	simm.s32 $0x18000;
	v3 =	vadd.s32 v1, v3  }
0xfa: {  	[tilespmem:s29], [sflag:$0x5] =	stream.indirect_vreg.gather [hbm4b:s1+s5], $0x80, v4, vm0, $0xb8;
	[tilespmem:$0x1E600] =	vst v63  }
0xfb: {  	s10 =	simm.s32 $0x18800  }
0xfc: {  	[tilespmem:s10], [sflag:$0x5] =	stream.indirect_vreg.gather [hbm4b:s7+s5], $0x80, v4, vm1, $0xb8;
	[tilespmem:$0x1E600] =	vst v63  }
0xfd: {  	s29 =	simm.s32 $0x18C00  }
0xfe: {  	[tilespmem:s29], [sflag:$0x5] =	stream.indirect_vreg.gather [hbm4b:s1+s5], $0x80, v3, vm0, $0xb8;
	[tilespmem:$0x1E600] =	vst v63  }
0xff: {  	s10 =	simm.s32 $0x19400  }
0x100: {  	[tilespmem:s10], [sflag:$0x5] =	stream.indirect_vreg.gather [hbm4b:s7+s5], $0x80, v3, vm1, $0xb8;
	[tilespmem:$0x1E600] =	vst v63  }
0x101: {  	v3 =	vld [tilespmem:$0x1E0D0];
	_ =	sdelay $0x4  }
0x102: {  	v37 =	vshrl.u32 v3, $0x3  }
0x103: {  	v4 =	vmul.u32 $0x18, v37  }
0x104: {  	v3 =	vand.u32 $0x7, v3  }
0x105: {  	v3 =	vor.u32 v3, v4  }
0x106: {  	v4 =	vperm.xlane v3, v0;
	_ =	sdelay $0x1  }
0x107: {  	v4 =	vadd.s32 v1, v4;
	_ =	sdelay $0x1  }
0x108: {  	v3 =	vperm.xlane v3, v2;
	_ =	sdelay $0x1  }
0x109: {  	s29 =	simm.s32 $0x19800;
	v3 =	vadd.s32 v1, v3  }
0x10a: {  	[tilespmem:s29], [sflag:$0x5] =	stream.indirect_vreg.gather [hbm4b:s1+s5], $0x80, v4, vm0, $0xb8;
	[tilespmem:$0x1E600] =	vst v63  }
0x10b: {  	s10 =	simm.s32 $0x1A000  }
0x10c: {  	[tilespmem:s10], [sflag:$0x5] =	stream.indirect_vreg.gather [hbm4b:s7+s5], $0x80, v4, vm1, $0xb8;
	[tilespmem:$0x1E600] =	vst v63  }
0x10d: {  	s29 =	simm.s32 $0x1A400  }
0x10e: {  	[tilespmem:s29], [sflag:$0x5] =	stream.indirect_vreg.gather [hbm4b:s1+s5], $0x80, v3, vm0, $0xb8;
	[tilespmem:$0x1E600] =	vst v63  }
0x10f: {  	s10 =	simm.s32 $0x1AC00  }
0x110: {  	[tilespmem:s10], [sflag:$0x5] =	stream.indirect_vreg.gather [hbm4b:s7+s5], $0x80, v3, vm1, $0xb8;
	[tilespmem:$0x1E600] =	vst v63  }
0x111: {  	v3 =	vld [tilespmem:$0x1E0E0];
	_ =	sdelay $0x4  }
0x112: {  	v38 =	vshrl.u32 v3, $0x3  }
0x113: {  	v4 =	vmul.u32 $0x18, v38  }
0x114: {  	v3 =	vand.u32 $0x7, v3  }
0x115: {  	v3 =	vor.u32 v3, v4  }
0x116: {  	v4 =	vperm.xlane v3, v0;
	_ =	sdelay $0x1  }
0x117: {  	v4 =	vadd.s32 v1, v4;
	_ =	sdelay $0x1  }
0x118: {  	v3 =	vperm.xlane v3, v2;
	_ =	sdelay $0x1  }
0x119: {  	s29 =	simm.s32 $0x1B000;
	v3 =	vadd.s32 v1, v3  }
0x11a: {  	[tilespmem:s29], [sflag:$0x5] =	stream.indirect_vreg.gather [hbm4b:s1+s5], $0x80, v4, vm0, $0xb8;
	[tilespmem:$0x1E600] =	vst v63  }
0x11b: {  	s12 =	simm.s32 $0x1B800  }
0x11c: {  	[tilespmem:s12], [sflag:$0x5] =	stream.indirect_vreg.gather [hbm4b:s7+s5], $0x80, v4, vm1, $0xb8;
	[tilespmem:$0x1E600] =	vst v63  }
0x11d: {  	s29 =	simm.s32 $0x1BC00  }
0x11e: {  	[tilespmem:s29], [sflag:$0x5] =	stream.indirect_vreg.gather [hbm4b:s1+s5], $0x80, v3, vm0, $0xb8;
	[tilespmem:$0x1E600] =	vst v63  }
0x11f: {  	s12 =	simm.s32 $0x1C400  }
0x120: {  	[tilespmem:s12], [sflag:$0x5] =	stream.indirect_vreg.gather [hbm4b:s7+s5], $0x80, v3, vm1, $0xb8;
	[tilespmem:$0x1E600] =	vst v63  }
0x121: {  	v3 =	vld [tilespmem:$0x1E0F0];
	_ =	sdelay $0x4  }
0x122: {  	v39 =	vshrl.u32 v3, $0x3  }
0x123: {  	v4 =	vmul.u32 $0x18, v39  }
0x124: {  	v3 =	vand.u32 $0x7, v3  }
0x125: {  	v3 =	vor.u32 v3, v4  }
0x126: {  	v4 =	vperm.xlane v3, v0;
	_ =	sdelay $0x1  }
0x127: {  	v4 =	vadd.s32 v1, v4;
	_ =	sdelay $0x1  }
0x128: {  	v3 =	vperm.xlane v3, v2;
	_ =	sdelay $0x1  }
0x129: {  	s29 =	simm.s32 $0x1C800;
	v3 =	vadd.s32 v1, v3  }
0x12a: {  	[tilespmem:s29], [sflag:$0x5] =	stream.indirect_vreg.gather [hbm4b:s1+s5], $0x80, v4, vm0, $0xb8;
	[tilespmem:$0x1E600] =	vst v63  }
0x12b: {  	s12 =	simm.s32 $0x1D000  }
0x12c: {  	[tilespmem:s12], [sflag:$0x5] =	stream.indirect_vreg.gather [hbm4b:s7+s5], $0x80, v4, vm1, $0xb8;
	[tilespmem:$0x1E600] =	vst v63  }
0x12d: {  	s29 =	simm.s32 $0x1D400  }
0x12e: {  	[tilespmem:s29], [sflag:$0x5] =	stream.indirect_vreg.gather [hbm4b:s1+s5], $0x80, v3, vm0, $0xb8;
	[tilespmem:$0x1E600] =	vst v63  }
0x12f: {  	s10 =	simm.s32 $0x1DC00;
	s29 =	sld [smem:$0x7FC]  }
0x130: {  	[tilespmem:s10], [sflag:$0x5] =	stream.indirect_vreg.gather [hbm4b:s7+s5], $0x80, v3, vm1, $0xb8;
	[tilespmem:$0x1E600] =	vst v63  }
0x131: {  	s12 =	rddreg [dreg:$0x7]  }
0x132: {  	[tilespmem:s29], [sflag:$0xB] =	stream.linear.gather [hbm4b:s12+s5], $0x200, $0x38;
	[tilespmem:$0x1E600] =	vst v63  }
0x133: {  	_ =	swait.ge [sflag:s11], $0x200  }
0x134: {  	s10 =	sld [smem:$0x7FD]  }
0x135: {  	[sflag:s11] =	ssyncset.done $0x0  }
0x136: {  	s12 =	rddreg [dreg:$0x8];
	[sflag:s11] =	ssyncadd.s32 $0xFFFFFE00  }
0x137: {  	[tilespmem:s10], [sflag:$0xB] =	stream.linear.gather [hbm4b:s12+s5], $0x200, $0x38;
	[tilespmem:$0x1E600] =	vst v63  }
0x138: {  	_ =	swait.ge [sflag:s11], $0x200  }
0x139: {  	[sflag:s11] =	ssyncset.done $0x0  }
0x13a: {  	[sflag:s11] =	ssyncadd.s32 $0xFFFFFE00  }
0x13b: {  	_ =	swait.ge [sflag:s30], $0x3000  }
0x13c: {  	s11 =	sld [smem:$0x7F9]  }
0x13d: {  	[sflag:s30] =	ssyncset.done $0x0  }
0x13e: {  	[sflag:s30] =	ssyncadd.s32 $0xFFFFD000  }
0x13f: {  	[hbm4b:s11+s13] =	stream.strided.scatter [tilespmem:s5], [sflag:$0x6], $0x3000, s17, s13, $0x38;
	[tilespmem:$0x1E600] =	vst v63  }
0x140: {  	_ =	swait.ge [sflag:s3], $0x3000  }
0x141: {  	[sflag:s3] =	ssyncset.done $0x0  }
0x142: {  	[sflag:s3] =	ssyncadd.s32 $0xFFFFD000  }
0x143: {  	v3 =	vld [tilespmem:$0x1E100];
	_ =	sdelay $0x4  }
0x144: {  	v40 =	vshrl.u32 v3, $0x3  }
0x145: {  	v4 =	vmul.u32 $0x18, v40  }
0x146: {  	v3 =	vand.u32 $0x7, v3  }
0x147: {  	v3 =	vor.u32 v3, v4  }
0x148: {  	v4 =	vperm.xlane v3, v0;
	_ =	sdelay $0x1  }
0x149: {  	v4 =	vadd.s32 v1, v4;
	_ =	sdelay $0x1  }
0x14a: {  	v3 =	vperm.xlane v3, v2;
	_ =	sdelay $0x1  }
0x14b: {  	v3 =	vadd.s32 v1, v3  }
0x14c: {  	[tilespmem:s5], [sflag:$0x1] =	stream.indirect_vreg.gather [hbm4b:s1+s5], $0x80, v4, vm0, $0xb8;
	[tilespmem:$0x1E600] =	vst v63  }
0x14d: {  	s14 =	simm.s32 $0x800  }
0x14e: {  	[tilespmem:s14], [sflag:$0x1] =	stream.indirect_vreg.gather [hbm4b:s7+s5], $0x80, v4, vm1, $0xb8;
	[tilespmem:$0x1E600] =	vst v63  }
0x14f: {  	_ = 	snop  }
0x150: {  	[tilespmem:s13], [sflag:$0x1] =	stream.indirect_vreg.gather [hbm4b:s1+s5], $0x80, v3, vm0, $0xb8;
	[tilespmem:$0x1E600] =	vst v63  }
0x151: {  	s0 =	simm.s32 $0x1400  }
0x152: {  	[tilespmem:s0], [sflag:$0x1] =	stream.indirect_vreg.gather [hbm4b:s7+s5], $0x80, v3, vm1, $0xb8;
	[tilespmem:$0x1E600] =	vst v63  }
0x153: {  	v3 =	vld [tilespmem:$0x1E110];
	_ =	sdelay $0x4  }
0x154: {  	v41 =	vshrl.u32 v3, $0x3  }
0x155: {  	v4 =	vmul.u32 $0x18, v41  }
0x156: {  	v3 =	vand.u32 $0x7, v3  }
0x157: {  	v3 =	vor.u32 v3, v4  }
0x158: {  	v4 =	vperm.xlane v3, v0;
	_ =	sdelay $0x1  }
0x159: {  	v4 =	vadd.s32 v1, v4;
	_ =	sdelay $0x1  }
0x15a: {  	v3 =	vperm.xlane v3, v2;
	_ =	sdelay $0x1  }
0x15b: {  	s19 =	simm.s32 $0x1800;
	v3 =	vadd.s32 v1, v3  }
0x15c: {  	[tilespmem:s19], [sflag:$0x1] =	stream.indirect_vreg.gather [hbm4b:s1+s5], $0x80, v4, vm0, $0xb8;
	[tilespmem:$0x1E600] =	vst v63  }
0x15d: {  	s16 =	simm.s32 $0x2000  }
0x15e: {  	[tilespmem:s16], [sflag:$0x1] =	stream.indirect_vreg.gather [hbm4b:s7+s5], $0x80, v4, vm1, $0xb8;
	[tilespmem:$0x1E600] =	vst v63  }
0x15f: {  	_ = 	snop  }
0x160: {  	[tilespmem:s17], [sflag:$0x1] =	stream.indirect_vreg.gather [hbm4b:s1+s5], $0x80, v3, vm0, $0xb8;
	[tilespmem:$0x1E600] =	vst v63  }
0x161: {  	s16 =	simm.s32 $0x2C00  }
0x162: {  	[tilespmem:s16], [sflag:$0x1] =	stream.indirect_vreg.gather [hbm4b:s7+s5], $0x80, v3, vm1, $0xb8;
	[tilespmem:$0x1E600] =	vst v63  }
0x163: {  	v3 =	vld [tilespmem:$0x1E120];
	_ =	sdelay $0x4  }
0x164: {  	v42 =	vshrl.u32 v3, $0x3  }
0x165: {  	v4 =	vmul.u32 $0x18, v42  }
0x166: {  	v3 =	vand.u32 $0x7, v3  }
0x167: {  	v3 =	vor.u32 v3, v4  }
0x168: {  	v4 =	vperm.xlane v3, v0;
	_ =	sdelay $0x1  }
0x169: {  	v4 =	vadd.s32 v1, v4;
	_ =	sdelay $0x1  }
0x16a: {  	v3 =	vperm.xlane v3, v2;
	_ =	sdelay $0x1  }
0x16b: {  	s19 =	simm.s32 $0x3000;
	v3 =	vadd.s32 v1, v3  }
0x16c: {  	[tilespmem:s19], [sflag:$0x1] =	stream.indirect_vreg.gather [hbm4b:s1+s5], $0x80, v4, vm0, $0xb8;
	[tilespmem:$0x1E600] =	vst v63  }
0x16d: {  	s29 =	simm.s32 $0x3800  }
0x16e: {  	[tilespmem:s29], [sflag:$0x1] =	stream.indirect_vreg.gather [hbm4b:s7+s5], $0x80, v4, vm1, $0xb8;
	[tilespmem:$0x1E600] =	vst v63  }
0x16f: {  	s10 =	simm.s32 $0x3C00  }
0x170: {  	[tilespmem:s10], [sflag:$0x1] =	stream.indirect_vreg.gather [hbm4b:s1+s5], $0x80, v3, vm0, $0xb8;
	[tilespmem:$0x1E600] =	vst v63  }
0x171: {  	s11 =	simm.s32 $0x4400  }
0x172: {  	[tilespmem:s11], [sflag:$0x1] =	stream.indirect_vreg.gather [hbm4b:s7+s5], $0x80, v3, vm1, $0xb8;
	[tilespmem:$0x1E600] =	vst v63  }
0x173: {  	v3 =	vld [tilespmem:$0x1E130];
	_ =	sdelay $0x4  }
0x174: {  	v43 =	vshrl.u32 v3, $0x3  }
0x175: {  	v4 =	vmul.u32 $0x18, v43  }
0x176: {  	v3 =	vand.u32 $0x7, v3  }
0x177: {  	v3 =	vor.u32 v3, v4  }
0x178: {  	v4 =	vperm.xlane v3, v0;
	_ =	sdelay $0x1  }
0x179: {  	v4 =	vadd.s32 v1, v4;
	_ =	sdelay $0x1  }
0x17a: {  	v3 =	vperm.xlane v3, v2;
	_ =	sdelay $0x1  }
0x17b: {  	s12 =	simm.s32 $0x4800;
	v3 =	vadd.s32 v1, v3  }
0x17c: {  	[tilespmem:s12], [sflag:$0x1] =	stream.indirect_vreg.gather [hbm4b:s1+s5], $0x80, v4, vm0, $0xb8;
	[tilespmem:$0x1E600] =	vst v63  }
0x17d: {  	s14 =	simm.s32 $0x5000  }
0x17e: {  	[tilespmem:s14], [sflag:$0x1] =	stream.indirect_vreg.gather [hbm4b:s7+s5], $0x80, v4, vm1, $0xb8;
	[tilespmem:$0x1E600] =	vst v63  }
0x17f: {  	s16 =	simm.s32 $0x5400  }
0x180: {  	[tilespmem:s16], [sflag:$0x1] =	stream.indirect_vreg.gather [hbm4b:s1+s5], $0x80, v3, vm0, $0xb8;
	[tilespmem:$0x1E600] =	vst v63  }
0x181: {  	s19 =	simm.s32 $0x5C00  }
0x182: {  	[tilespmem:s19], [sflag:$0x1] =	stream.indirect_vreg.gather [hbm4b:s7+s5], $0x80, v3, vm1, $0xb8;
	[tilespmem:$0x1E600] =	vst v63  }
0x183: {  	_ =	swait.ge [sflag:s15], $0x3000  }
0x184: {  	[sflag:s15] =	ssyncset.done $0x0  }
0x185: {  	s0 =	simm.s32 $0x6000;
	s29 =	rddreg [dreg:$0x9];
	[sflag:s15] =	ssyncadd.s32 $0xFFFFD000  }
0x186: {  	[hbm4b:s29+s13] =	stream.strided.scatter [tilespmem:s0], [sflag:$0x7], $0x3000, s17, s13, $0x38;
	[tilespmem:$0x1E600] =	vst v63  }
0x187: {  	_ =	swait.ge [sflag:s6], $0x3000  }
0x188: {  	[sflag:s6] =	ssyncset.done $0x0  }
0x189: {  	[sflag:s6] =	ssyncadd.s32 $0xFFFFD000  }
0x18a: {  	v3 =	vld [tilespmem:$0x1E140];
	_ =	sdelay $0x4  }
0x18b: {  	v44 =	vshrl.u32 v3, $0x3  }
0x18c: {  	v4 =	vmul.u32 $0x18, v44  }
0x18d: {  	v3 =	vand.u32 $0x7, v3  }
0x18e: {  	v3 =	vor.u32 v3, v4  }
0x18f: {  	v4 =	vperm.xlane v3, v0;
	_ =	sdelay $0x1  }
0x190: {  	v4 =	vadd.s32 v1, v4;
	_ =	sdelay $0x1  }
0x191: {  	v3 =	vperm.xlane v3, v2;
	_ =	sdelay $0x1  }
0x192: {  	v3 =	vadd.s32 v1, v3  }
0x193: {  	[tilespmem:s0], [sflag:$0x2] =	stream.indirect_vreg.gather [hbm4b:s1+s5], $0x80, v4, vm0, $0xb8;
	[tilespmem:$0x1E600] =	vst v63  }
0x194: {  	s14 =	simm.s32 $0x6800  }
0x195: {  	[tilespmem:s14], [sflag:$0x2] =	stream.indirect_vreg.gather [hbm4b:s7+s5], $0x80, v4, vm1, $0xb8;
	[tilespmem:$0x1E600] =	vst v63  }
0x196: {  	s11 =	simm.s32 $0x6C00  }
0x197: {  	[tilespmem:s11], [sflag:$0x2] =	stream.indirect_vreg.gather [hbm4b:s1+s5], $0x80, v3, vm0, $0xb8;
	[tilespmem:$0x1E600] =	vst v63  }
0x198: {  	s12 =	simm.s32 $0x7400  }
0x199: {  	[tilespmem:s12], [sflag:$0x2] =	stream.indirect_vreg.gather [hbm4b:s7+s5], $0x80, v3, vm1, $0xb8;
	[tilespmem:$0x1E600] =	vst v63  }
0x19a: {  	v3 =	vld [tilespmem:$0x1E150];
	_ =	sdelay $0x4  }
0x19b: {  	v45 =	vshrl.u32 v3, $0x3  }
0x19c: {  	v4 =	vmul.u32 $0x18, v45  }
0x19d: {  	v3 =	vand.u32 $0x7, v3  }
0x19e: {  	v3 =	vor.u32 v3, v4  }
0x19f: {  	v4 =	vperm.xlane v3, v0;
	_ =	sdelay $0x1  }
0x1a0: {  	v4 =	vadd.s32 v1, v4;
	_ =	sdelay $0x1  }
0x1a1: {  	v3 =	vperm.xlane v3, v2;
	_ =	sdelay $0x1  }
0x1a2: {  	s16 =	simm.s32 $0x7800;
	v3 =	vadd.s32 v1, v3  }
0x1a3: {  	[tilespmem:s16], [sflag:$0x2] =	stream.indirect_vreg.gather [hbm4b:s1+s5], $0x80, v4, vm0, $0xb8;
	[tilespmem:$0x1E600] =	vst v63  }
0x1a4: {  	s19 =	simm.s32 $0x8000  }
0x1a5: {  	[tilespmem:s19], [sflag:$0x2] =	stream.indirect_vreg.gather [hbm4b:s7+s5], $0x80, v4, vm1, $0xb8;
	[tilespmem:$0x1E600] =	vst v63  }
0x1a6: {  	s29 =	simm.s32 $0x8400  }
0x1a7: {  	[tilespmem:s29], [sflag:$0x2] =	stream.indirect_vreg.gather [hbm4b:s1+s5], $0x80, v3, vm0, $0xb8;
	[tilespmem:$0x1E600] =	vst v63  }
0x1a8: {  	s10 =	simm.s32 $0x8C00  }
0x1a9: {  	[tilespmem:s10], [sflag:$0x2] =	stream.indirect_vreg.gather [hbm4b:s7+s5], $0x80, v3, vm1, $0xb8;
	[tilespmem:$0x1E600] =	vst v63  }
0x1aa: {  	v3 =	vld [tilespmem:$0x1E160];
	_ =	sdelay $0x4  }
0x1ab: {  	v46 =	vshrl.u32 v3, $0x3  }
0x1ac: {  	v4 =	vmul.u32 $0x18, v46  }
0x1ad: {  	v3 =	vand.u32 $0x7, v3  }
0x1ae: {  	v3 =	vor.u32 v3, v4  }
0x1af: {  	v4 =	vperm.xlane v3, v0;
	_ =	sdelay $0x1  }
0x1b0: {  	v4 =	vadd.s32 v1, v4;
	_ =	sdelay $0x1  }
0x1b1: {  	v3 =	vperm.xlane v3, v2;
	_ =	sdelay $0x1  }
0x1b2: {  	s11 =	simm.s32 $0x9000;
	v3 =	vadd.s32 v1, v3  }
0x1b3: {  	[tilespmem:s11], [sflag:$0x2] =	stream.indirect_vreg.gather [hbm4b:s1+s5], $0x80, v4, vm0, $0xb8;
	[tilespmem:$0x1E600] =	vst v63  }
0x1b4: {  	s12 =	simm.s32 $0x9800  }
0x1b5: {  	[tilespmem:s12], [sflag:$0x2] =	stream.indirect_vreg.gather [hbm4b:s7+s5], $0x80, v4, vm1, $0xb8;
	[tilespmem:$0x1E600] =	vst v63  }
0x1b6: {  	s16 =	simm.s32 $0x9C00  }
0x1b7: {  	[tilespmem:s16], [sflag:$0x2] =	stream.indirect_vreg.gather [hbm4b:s1+s5], $0x80, v3, vm0, $0xb8;
	[tilespmem:$0x1E600] =	vst v63  }
0x1b8: {  	s19 =	simm.s32 $0xA400  }
0x1b9: {  	[tilespmem:s19], [sflag:$0x2] =	stream.indirect_vreg.gather [hbm4b:s7+s5], $0x80, v3, vm1, $0xb8;
	[tilespmem:$0x1E600] =	vst v63  }
0x1ba: {  	v3 =	vld [tilespmem:$0x1E170];
	_ =	sdelay $0x4  }
0x1bb: {  	v47 =	vshrl.u32 v3, $0x3  }
0x1bc: {  	v4 =	vmul.u32 $0x18, v47  }
0x1bd: {  	v3 =	vand.u32 $0x7, v3  }
0x1be: {  	v3 =	vor.u32 v3, v4  }
0x1bf: {  	v4 =	vperm.xlane v3, v0;
	_ =	sdelay $0x1  }
0x1c0: {  	v4 =	vadd.s32 v1, v4;
	_ =	sdelay $0x1  }
0x1c1: {  	v3 =	vperm.xlane v3, v2;
	_ =	sdelay $0x1  }
0x1c2: {  	s29 =	simm.s32 $0xA800;
	v3 =	vadd.s32 v1, v3  }
0x1c3: {  	[tilespmem:s29], [sflag:$0x2] =	stream.indirect_vreg.gather [hbm4b:s1+s5], $0x80, v4, vm0, $0xb8;
	[tilespmem:$0x1E600] =	vst v63  }
0x1c4: {  	s10 =	simm.s32 $0xB000  }
0x1c5: {  	[tilespmem:s10], [sflag:$0x2] =	stream.indirect_vreg.gather [hbm4b:s7+s5], $0x80, v4, vm1, $0xb8;
	[tilespmem:$0x1E600] =	vst v63  }
0x1c6: {  	s11 =	simm.s32 $0xB400  }
0x1c7: {  	[tilespmem:s11], [sflag:$0x2] =	stream.indirect_vreg.gather [hbm4b:s1+s5], $0x80, v3, vm0, $0xb8;
	[tilespmem:$0x1E600] =	vst v63  }
0x1c8: {  	s12 =	simm.s32 $0xBC00  }
0x1c9: {  	[tilespmem:s12], [sflag:$0x2] =	stream.indirect_vreg.gather [hbm4b:s7+s5], $0x80, v3, vm1, $0xb8;
	[tilespmem:$0x1E600] =	vst v63  }
0x1ca: {  	_ =	swait.ge [sflag:s21], $0x6000  }
0x1cb: {  	[sflag:s21] =	ssyncset.done $0x0  }
0x1cc: {  	s19 =	simm.s32 $0xC000;
	s16 =	rddreg [dreg:$0xa];
	[sflag:s21] =	ssyncadd.s32 $0xFFFFA000  }
0x1cd: {  	[hbm4b:s16+s13] =	stream.strided.scatter [tilespmem:s19], [sflag:$0x8], $0x6000, s17, s13, $0x38;
	[tilespmem:$0x1E600] =	vst v63  }
0x1ce: {  	_ =	swait.ge [sflag:s22], $0x6000  }
0x1cf: {  	[sflag:s22] =	ssyncset.done $0x0  }
0x1d0: {  	[sflag:s22] =	ssyncadd.s32 $0xFFFFA000  }
0x1d1: {  	v3 =	vld [tilespmem:$0x1E180];
	_ =	sdelay $0x4  }
0x1d2: {  	v48 =	vshrl.u32 v3, $0x3  }
0x1d3: {  	v4 =	vmul.u32 $0x18, v48  }
0x1d4: {  	v3 =	vand.u32 $0x7, v3  }
0x1d5: {  	v3 =	vor.u32 v3, v4  }
0x1d6: {  	v4 =	vperm.xlane v3, v0;
	_ =	sdelay $0x1  }
0x1d7: {  	v4 =	vadd.s32 v1, v4;
	_ =	sdelay $0x1  }
0x1d8: {  	v3 =	vperm.xlane v3, v2;
	_ =	sdelay $0x1  }
0x1d9: {  	v3 =	vadd.s32 v1, v3  }
0x1da: {  	[tilespmem:s19], [sflag:$0x3] =	stream.indirect_vreg.gather [hbm4b:s1+s5], $0x80, v4, vm0, $0xb8;
	[tilespmem:$0x1E600] =	vst v63  }
0x1db: {  	s31 =	simm.s32 $0xC800  }
0x1dc: {  	[tilespmem:s31], [sflag:$0x3] =	stream.indirect_vreg.gather [hbm4b:s7+s5], $0x80, v4, vm1, $0xb8;
	[tilespmem:$0x1E600] =	vst v63  }
0x1dd: {  	s11 =	simm.s32 $0xCC00  }
0x1de: {  	[tilespmem:s11], [sflag:$0x3] =	stream.indirect_vreg.gather [hbm4b:s1+s5], $0x80, v3, vm0, $0xb8;
	[tilespmem:$0x1E600] =	vst v63  }
0x1df: {  	s29 =	simm.s32 $0xD400  }
0x1e0: {  	[tilespmem:s29], [sflag:$0x3] =	stream.indirect_vreg.gather [hbm4b:s7+s5], $0x80, v3, vm1, $0xb8;
	[tilespmem:$0x1E600] =	vst v63  }
0x1e1: {  	v3 =	vld [tilespmem:$0x1E190];
	_ =	sdelay $0x4  }
0x1e2: {  	v49 =	vshrl.u32 v3, $0x3  }
0x1e3: {  	v4 =	vmul.u32 $0x18, v49  }
0x1e4: {  	v3 =	vand.u32 $0x7, v3  }
0x1e5: {  	v3 =	vor.u32 v3, v4  }
0x1e6: {  	v4 =	vperm.xlane v3, v0;
	_ =	sdelay $0x1  }
0x1e7: {  	v4 =	vadd.s32 v1, v4;
	_ =	sdelay $0x1  }
0x1e8: {  	v3 =	vperm.xlane v3, v2;
	_ =	sdelay $0x1  }
0x1e9: {  	s31 =	simm.s32 $0xD800;
	v3 =	vadd.s32 v1, v3  }
0x1ea: {  	[tilespmem:s31], [sflag:$0x3] =	stream.indirect_vreg.gather [hbm4b:s1+s5], $0x80, v4, vm0, $0xb8;
	[tilespmem:$0x1E600] =	vst v63  }
0x1eb: {  	s10 =	simm.s32 $0xE000  }
0x1ec: {  	[tilespmem:s10], [sflag:$0x3] =	stream.indirect_vreg.gather [hbm4b:s7+s5], $0x80, v4, vm1, $0xb8;
	[tilespmem:$0x1E600] =	vst v63  }
0x1ed: {  	s12 =	simm.s32 $0xE400  }
0x1ee: {  	[tilespmem:s12], [sflag:$0x3] =	stream.indirect_vreg.gather [hbm4b:s1+s5], $0x80, v3, vm0, $0xb8;
	[tilespmem:$0x1E600] =	vst v63  }
0x1ef: {  	s16 =	simm.s32 $0xEC00  }
0x1f0: {  	[tilespmem:s16], [sflag:$0x3] =	stream.indirect_vreg.gather [hbm4b:s7+s5], $0x80, v3, vm1, $0xb8;
	[tilespmem:$0x1E600] =	vst v63  }
0x1f1: {  	v3 =	vld [tilespmem:$0x1E1A0];
	_ =	sdelay $0x4  }
0x1f2: {  	v50 =	vshrl.u32 v3, $0x3  }
0x1f3: {  	v4 =	vmul.u32 $0x18, v50  }
0x1f4: {  	v3 =	vand.u32 $0x7, v3  }
0x1f5: {  	v3 =	vor.u32 v3, v4  }
0x1f6: {  	v4 =	vperm.xlane v3, v0;
	_ =	sdelay $0x1  }
0x1f7: {  	v4 =	vadd.s32 v1, v4;
	_ =	sdelay $0x1  }
0x1f8: {  	v3 =	vperm.xlane v3, v2;
	_ =	sdelay $0x1  }
0x1f9: {  	s19 =	simm.s32 $0xF000;
	v3 =	vadd.s32 v1, v3  }
0x1fa: {  	[tilespmem:s19], [sflag:$0x3] =	stream.indirect_vreg.gather [hbm4b:s1+s5], $0x80, v4, vm0, $0xb8;
	[tilespmem:$0x1E600] =	vst v63  }
0x1fb: {  	s29 =	simm.s32 $0xF800  }
0x1fc: {  	[tilespmem:s29], [sflag:$0x3] =	stream.indirect_vreg.gather [hbm4b:s7+s5], $0x80, v4, vm1, $0xb8;
	[tilespmem:$0x1E600] =	vst v63  }
0x1fd: {  	s31 =	simm.s32 $0xFC00  }
0x1fe: {  	[tilespmem:s31], [sflag:$0x3] =	stream.indirect_vreg.gather [hbm4b:s1+s5], $0x80, v3, vm0, $0xb8;
	[tilespmem:$0x1E600] =	vst v63  }
0x1ff: {  	s10 =	simm.s32 $0x10400  }
0x200: {  	[tilespmem:s10], [sflag:$0x3] =	stream.indirect_vreg.gather [hbm4b:s7+s5], $0x80, v3, vm1, $0xb8;
	[tilespmem:$0x1E600] =	vst v63  }
0x201: {  	v3 =	vld [tilespmem:$0x1E1B0];
	_ =	sdelay $0x4  }
0x202: {  	v51 =	vshrl.u32 v3, $0x3  }
0x203: {  	v4 =	vmul.u32 $0x18, v51  }
0x204: {  	v3 =	vand.u32 $0x7, v3  }
0x205: {  	v3 =	vor.u32 v3, v4  }
0x206: {  	v4 =	vperm.xlane v3, v0;
	_ =	sdelay $0x1  }
0x207: {  	v4 =	vadd.s32 v1, v4;
	_ =	sdelay $0x1  }
0x208: {  	v3 =	vperm.xlane v3, v2;
	_ =	sdelay $0x1  }
0x209: {  	s12 =	simm.s32 $0x10800;
	v3 =	vadd.s32 v1, v3  }
0x20a: {  	[tilespmem:s12], [sflag:$0x3] =	stream.indirect_vreg.gather [hbm4b:s1+s5], $0x80, v4, vm0, $0xb8;
	[tilespmem:$0x1E600] =	vst v63  }
0x20b: {  	s16 =	simm.s32 $0x11000  }
0x20c: {  	[tilespmem:s16], [sflag:$0x3] =	stream.indirect_vreg.gather [hbm4b:s7+s5], $0x80, v4, vm1, $0xb8;
	[tilespmem:$0x1E600] =	vst v63  }
0x20d: {  	s19 =	simm.s32 $0x11400  }
0x20e: {  	[tilespmem:s19], [sflag:$0x3] =	stream.indirect_vreg.gather [hbm4b:s1+s5], $0x80, v3, vm0, $0xb8;
	[tilespmem:$0x1E600] =	vst v63  }
0x20f: {  	s29 =	simm.s32 $0x11C00  }
0x210: {  	[tilespmem:s29], [sflag:$0x3] =	stream.indirect_vreg.gather [hbm4b:s7+s5], $0x80, v3, vm1, $0xb8;
	[tilespmem:$0x1E600] =	vst v63  }
0x211: {  	_ =	swait.ge [sflag:s23], $0x6000  }
0x212: {  	[sflag:s23] =	ssyncset.done $0x0  }
0x213: {  	s0 =	simm.s32 $0x12000;
	s31 =	rddreg [dreg:$0xb];
	[sflag:s23] =	ssyncadd.s32 $0xFFFFA000  }
0x214: {  	[hbm4b:s31+s13] =	stream.strided.scatter [tilespmem:s0], [sflag:$0x9], $0x6000, s17, s13, $0x38;
	[tilespmem:$0x1E600] =	vst v63  }
0x215: {  	_ =	swait.ge [sflag:s24], $0x6000  }
0x216: {  	[sflag:s24] =	ssyncset.done $0x0  }
0x217: {  	[sflag:s24] =	ssyncadd.s32 $0xFFFFA000  }
0x218: {  	v3 =	vld [tilespmem:$0x1E1C0];
	_ =	sdelay $0x4  }
0x219: {  	v52 =	vshrl.u32 v3, $0x3  }
0x21a: {  	v4 =	vmul.u32 $0x18, v52  }
0x21b: {  	v3 =	vand.u32 $0x7, v3  }
0x21c: {  	v3 =	vor.u32 v3, v4  }
0x21d: {  	v4 =	vperm.xlane v3, v0;
	_ =	sdelay $0x1  }
0x21e: {  	v4 =	vadd.s32 v1, v4;
	_ =	sdelay $0x1  }
0x21f: {  	v3 =	vperm.xlane v3, v2;
	_ =	sdelay $0x1  }
0x220: {  	v3 =	vadd.s32 v1, v3  }
0x221: {  	[tilespmem:s0], [sflag:$0x4] =	stream.indirect_vreg.gather [hbm4b:s1+s5], $0x80, v4, vm0, $0xb8;
	[tilespmem:$0x1E600] =	vst v63  }
0x222: {  	s18 =	simm.s32 $0x12800  }
0x223: {  	[tilespmem:s18], [sflag:$0x4] =	stream.indirect_vreg.gather [hbm4b:s7+s5], $0x80, v4, vm1, $0xb8;
	[tilespmem:$0x1E600] =	vst v63  }
0x224: {  	s20 =	simm.s32 $0x12C00  }
0x225: {  	[tilespmem:s20], [sflag:$0x4] =	stream.indirect_vreg.gather [hbm4b:s1+s5], $0x80, v3, vm0, $0xb8;
	[tilespmem:$0x1E600] =	vst v63  }
0x226: {  	s28 =	simm.s32 $0x13400  }
0x227: {  	[tilespmem:s28], [sflag:$0x4] =	stream.indirect_vreg.gather [hbm4b:s7+s5], $0x80, v3, vm1, $0xb8;
	[tilespmem:$0x1E600] =	vst v63  }
0x228: {  	v3 =	vld [tilespmem:$0x1E1D0];
	_ =	sdelay $0x4  }
0x229: {  	v53 =	vshrl.u32 v3, $0x3  }
0x22a: {  	v4 =	vmul.u32 $0x18, v53  }
0x22b: {  	v3 =	vand.u32 $0x7, v3  }
0x22c: {  	v3 =	vor.u32 v3, v4  }
0x22d: {  	v4 =	vperm.xlane v3, v0;
	_ =	sdelay $0x1  }
0x22e: {  	v4 =	vadd.s32 v1, v4;
	_ =	sdelay $0x1  }
0x22f: {  	v3 =	vperm.xlane v3, v2;
	_ =	sdelay $0x1  }
0x230: {  	s28 =	simm.s32 $0x13800;
	v3 =	vadd.s32 v1, v3  }
0x231: {  	[tilespmem:s28], [sflag:$0x4] =	stream.indirect_vreg.gather [hbm4b:s1+s5], $0x80, v4, vm0, $0xb8;
	[tilespmem:$0x1E600] =	vst v63  }
0x232: {  	s29 =	simm.s32 $0x14000  }
0x233: {  	[tilespmem:s29], [sflag:$0x4] =	stream.indirect_vreg.gather [hbm4b:s7+s5], $0x80, v4, vm1, $0xb8;
	[tilespmem:$0x1E600] =	vst v63  }
0x234: {  	s31 =	simm.s32 $0x14400  }
0x235: {  	[tilespmem:s31], [sflag:$0x4] =	stream.indirect_vreg.gather [hbm4b:s1+s5], $0x80, v3, vm0, $0xb8;
	[tilespmem:$0x1E600] =	vst v63  }
0x236: {  	s16 =	simm.s32 $0x14C00  }
0x237: {  	[tilespmem:s16], [sflag:$0x4] =	stream.indirect_vreg.gather [hbm4b:s7+s5], $0x80, v3, vm1, $0xb8;
	[tilespmem:$0x1E600] =	vst v63  }
0x238: {  	v3 =	vld [tilespmem:$0x1E1E0];
	_ =	sdelay $0x4  }
0x239: {  	v54 =	vshrl.u32 v3, $0x3  }
0x23a: {  	v4 =	vmul.u32 $0x18, v54  }
0x23b: {  	v3 =	vand.u32 $0x7, v3  }
0x23c: {  	v3 =	vor.u32 v3, v4  }
0x23d: {  	v4 =	vperm.xlane v3, v0;
	_ =	sdelay $0x1  }
0x23e: {  	v4 =	vadd.s32 v1, v4;
	_ =	sdelay $0x1  }
0x23f: {  	v3 =	vperm.xlane v3, v2;
	_ =	sdelay $0x1  }
0x240: {  	s18 =	simm.s32 $0x15000;
	v3 =	vadd.s32 v1, v3  }
0x241: {  	[tilespmem:s18], [sflag:$0x4] =	stream.indirect_vreg.gather [hbm4b:s1+s5], $0x80, v4, vm0, $0xb8;
	[tilespmem:$0x1E600] =	vst v63  }
0x242: {  	s19 =	simm.s32 $0x15800  }
0x243: {  	[tilespmem:s19], [sflag:$0x4] =	stream.indirect_vreg.gather [hbm4b:s7+s5], $0x80, v4, vm1, $0xb8;
	[tilespmem:$0x1E600] =	vst v63  }
0x244: {  	s20 =	simm.s32 $0x15C00  }
0x245: {  	[tilespmem:s20], [sflag:$0x4] =	stream.indirect_vreg.gather [hbm4b:s1+s5], $0x80, v3, vm0, $0xb8;
	[tilespmem:$0x1E600] =	vst v63  }
0x246: {  	s10 =	simm.s32 $0x16400  }
0x247: {  	[tilespmem:s10], [sflag:$0x4] =	stream.indirect_vreg.gather [hbm4b:s7+s5], $0x80, v3, vm1, $0xb8;
	[tilespmem:$0x1E600] =	vst v63  }
0x248: {  	v3 =	vld [tilespmem:$0x1E1F0];
	_ =	sdelay $0x4  }
0x249: {  	v55 =	vshrl.u32 v3, $0x3  }
0x24a: {  	v4 =	vmul.u32 $0x18, v55  }
0x24b: {  	v3 =	vand.u32 $0x7, v3  }
0x24c: {  	v3 =	vor.u32 v3, v4  }
0x24d: {  	v4 =	vperm.xlane v3, v0;
	_ =	sdelay $0x1  }
0x24e: {  	v4 =	vadd.s32 v1, v4;
	_ =	sdelay $0x1  }
0x24f: {  	v3 =	vperm.xlane v3, v2;
	_ =	sdelay $0x1  }
0x250: {  	s12 =	simm.s32 $0x16800;
	v3 =	vadd.s32 v1, v3  }
0x251: {  	[tilespmem:s12], [sflag:$0x4] =	stream.indirect_vreg.gather [hbm4b:s1+s5], $0x80, v4, vm0, $0xb8;
	[tilespmem:$0x1E600] =	vst v63  }
0x252: {  	s16 =	simm.s32 $0x17000  }
0x253: {  	[tilespmem:s16], [sflag:$0x4] =	stream.indirect_vreg.gather [hbm4b:s7+s5], $0x80, v4, vm1, $0xb8;
	[tilespmem:$0x1E600] =	vst v63  }
0x254: {  	s18 =	simm.s32 $0x17400  }
0x255: {  	[tilespmem:s18], [sflag:$0x4] =	stream.indirect_vreg.gather [hbm4b:s1+s5], $0x80, v3, vm0, $0xb8;
	[tilespmem:$0x1E600] =	vst v63  }
0x256: {  	s19 =	simm.s32 $0x17C00  }
0x257: {  	[tilespmem:s19], [sflag:$0x4] =	stream.indirect_vreg.gather [hbm4b:s7+s5], $0x80, v3, vm1, $0xb8;
	[tilespmem:$0x1E600] =	vst v63  }
0x258: {  	_ =	swait.ge [sflag:s25], $0x6000  }
0x259: {  	[sflag:s25] =	ssyncset.done $0x0  }
0x25a: {  	s0 =	simm.s32 $0x18000;
	s20 =	rddreg [dreg:$0xc];
	[sflag:s25] =	ssyncadd.s32 $0xFFFFA000  }
0x25b: {  	[hbm4b:s20+s13] =	stream.strided.scatter [tilespmem:s0], [sflag:$0xA], $0x6000, s17, s13, $0x38;
	[tilespmem:$0x1E600] =	vst v63  }
0x25c: {  	_ =	swait.ge [sflag:s26], $0x6000  }
0x25d: {  	[sflag:s26] =	ssyncset.done $0x0  }
0x25e: {  	[sflag:s26] =	ssyncadd.s32 $0xFFFFA000  }
0x25f: {  	v3 =	vld [tilespmem:$0x1E200];
	_ =	sdelay $0x4  }
0x260: {  	v56 =	vshrl.u32 v3, $0x3  }
0x261: {  	v4 =	vmul.u32 $0x18, v56  }
0x262: {  	v3 =	vand.u32 $0x7, v3  }
0x263: {  	v3 =	vor.u32 v3, v4  }
0x264: {  	v4 =	vperm.xlane v3, v0;
	_ =	sdelay $0x1  }
0x265: {  	v4 =	vadd.s32 v1, v4;
	_ =	sdelay $0x1  }
0x266: {  	v3 =	vperm.xlane v3, v2;
	_ =	sdelay $0x1  }
0x267: {  	v3 =	vadd.s32 v1, v3  }
0x268: {  	[tilespmem:s0], [sflag:$0x5] =	stream.indirect_vreg.gather [hbm4b:s2+s5], $0x80, v4, vm0, $0xb8;
	[tilespmem:$0x1E600] =	vst v63  }
0x269: {  	s19 =	simm.s32 $0x18800  }
0x26a: {  	[tilespmem:s19], [sflag:$0x5] =	stream.indirect_vreg.gather [hbm4b:s8+s5], $0x80, v4, vm1, $0xb8;
	[tilespmem:$0x1E600] =	vst v63  }
0x26b: {  	s10 =	simm.s32 $0x18C00  }
0x26c: {  	[tilespmem:s10], [sflag:$0x5] =	stream.indirect_vreg.gather [hbm4b:s2+s5], $0x80, v3, vm0, $0xb8;
	[tilespmem:$0x1E600] =	vst v63  }
0x26d: {  	s18 =	simm.s32 $0x19400  }
0x26e: {  	[tilespmem:s18], [sflag:$0x5] =	stream.indirect_vreg.gather [hbm4b:s8+s5], $0x80, v3, vm1, $0xb8;
	[tilespmem:$0x1E600] =	vst v63  }
0x26f: {  	v3 =	vld [tilespmem:$0x1E210];
	_ =	sdelay $0x4  }
0x270: {  	v57 =	vshrl.u32 v3, $0x3  }
0x271: {  	v4 =	vmul.u32 $0x18, v57  }
0x272: {  	v3 =	vand.u32 $0x7, v3  }
0x273: {  	v3 =	vor.u32 v3, v4  }
0x274: {  	v4 =	vperm.xlane v3, v0;
	_ =	sdelay $0x1  }
0x275: {  	v4 =	vadd.s32 v1, v4;
	_ =	sdelay $0x1  }
0x276: {  	v3 =	vperm.xlane v3, v2;
	_ =	sdelay $0x1  }
0x277: {  	s16 =	simm.s32 $0x19800;
	v3 =	vadd.s32 v1, v3  }
0x278: {  	[tilespmem:s16], [sflag:$0x5] =	stream.indirect_vreg.gather [hbm4b:s2+s5], $0x80, v4, vm0, $0xb8;
	[tilespmem:$0x1E600] =	vst v63  }
0x279: {  	s20 =	simm.s32 $0x1A000  }
0x27a: {  	[tilespmem:s20], [sflag:$0x5] =	stream.indirect_vreg.gather [hbm4b:s8+s5], $0x80, v4, vm1, $0xb8;
	[tilespmem:$0x1E600] =	vst v63  }
0x27b: {  	s16 =	simm.s32 $0x1A400  }
0x27c: {  	[tilespmem:s16], [sflag:$0x5] =	stream.indirect_vreg.gather [hbm4b:s2+s5], $0x80, v3, vm0, $0xb8;
	[tilespmem:$0x1E600] =	vst v63  }
0x27d: {  	s20 =	simm.s32 $0x1AC00  }
0x27e: {  	[tilespmem:s20], [sflag:$0x5] =	stream.indirect_vreg.gather [hbm4b:s8+s5], $0x80, v3, vm1, $0xb8;
	[tilespmem:$0x1E600] =	vst v63  }
0x27f: {  	v3 =	vld [tilespmem:$0x1E220];
	_ =	sdelay $0x4  }
0x280: {  	v58 =	vshrl.u32 v3, $0x3  }
0x281: {  	v4 =	vmul.u32 $0x18, v58  }
0x282: {  	v3 =	vand.u32 $0x7, v3  }
0x283: {  	v3 =	vor.u32 v3, v4  }
0x284: {  	v4 =	vperm.xlane v3, v0;
	_ =	sdelay $0x1  }
0x285: {  	v4 =	vadd.s32 v1, v4;
	_ =	sdelay $0x1  }
0x286: {  	v3 =	vperm.xlane v3, v2;
	_ =	sdelay $0x1  }
0x287: {  	s12 =	simm.s32 $0x1B000;
	v3 =	vadd.s32 v1, v3  }
0x288: {  	[tilespmem:s12], [sflag:$0x5] =	stream.indirect_vreg.gather [hbm4b:s2+s5], $0x80, v4, vm0, $0xb8;
	[tilespmem:$0x1E600] =	vst v63  }
0x289: {  	s12 =	simm.s32 $0x1B800  }
0x28a: {  	[tilespmem:s12], [sflag:$0x5] =	stream.indirect_vreg.gather [hbm4b:s8+s5], $0x80, v4, vm1, $0xb8;
	[tilespmem:$0x1E600] =	vst v63  }
0x28b: {  	s12 =	simm.s32 $0x1BC00  }
0x28c: {  	[tilespmem:s12], [sflag:$0x5] =	stream.indirect_vreg.gather [hbm4b:s2+s5], $0x80, v3, vm0, $0xb8;
	[tilespmem:$0x1E600] =	vst v63  }
0x28d: {  	s12 =	simm.s32 $0x1C400  }
0x28e: {  	[tilespmem:s12], [sflag:$0x5] =	stream.indirect_vreg.gather [hbm4b:s8+s5], $0x80, v3, vm1, $0xb8;
	[tilespmem:$0x1E600] =	vst v63  }
0x28f: {  	v3 =	vld [tilespmem:$0x1E230];
	_ =	sdelay $0x4  }
0x290: {  	v59 =	vshrl.u32 v3, $0x3  }
0x291: {  	v4 =	vmul.u32 $0x18, v59  }
0x292: {  	v3 =	vand.u32 $0x7, v3  }
0x293: {  	v3 =	vor.u32 v3, v4  }
0x294: {  	v4 =	vperm.xlane v3, v0;
	_ =	sdelay $0x1  }
0x295: {  	v4 =	vadd.s32 v1, v4;
	_ =	sdelay $0x1  }
0x296: {  	v3 =	vperm.xlane v3, v2;
	_ =	sdelay $0x1  }
0x297: {  	s12 =	simm.s32 $0x1C800;
	v3 =	vadd.s32 v1, v3  }
0x298: {  	[tilespmem:s12], [sflag:$0x5] =	stream.indirect_vreg.gather [hbm4b:s2+s5], $0x80, v4, vm0, $0xb8;
	[tilespmem:$0x1E600] =	vst v63  }
0x299: {  	s12 =	simm.s32 $0x1D000  }
0x29a: {  	[tilespmem:s12], [sflag:$0x5] =	stream.indirect_vreg.gather [hbm4b:s8+s5], $0x80, v4, vm1, $0xb8;
	[tilespmem:$0x1E600] =	vst v63  }
0x29b: {  	s12 =	simm.s32 $0x1D400  }
0x29c: {  	[tilespmem:s12], [sflag:$0x5] =	stream.indirect_vreg.gather [hbm4b:s2+s5], $0x80, v3, vm0, $0xb8;
	[tilespmem:$0x1E600] =	vst v63  }
0x29d: {  	s12 =	simm.s32 $0x1DC00  }
0x29e: {  	[tilespmem:s12], [sflag:$0x5] =	stream.indirect_vreg.gather [hbm4b:s8+s5], $0x80, v3, vm1, $0xb8;
	[tilespmem:$0x1E600] =	vst v63  }
0x29f: {  	_ =	swait.ge [sflag:s30], $0x6000  }
0x2a0: {  	[sflag:s30] =	ssyncset.done $0x0  }
0x2a1: {  	s0 =	rddreg [dreg:$0xd];
	[sflag:s30] =	ssyncadd.s32 $0xFFFFA000  }
0x2a2: {  	[hbm4b:s0+s13] =	stream.strided.scatter [tilespmem:s5], [sflag:$0x6], $0x6000, s17, s13, $0x38;
	[tilespmem:$0x1E600] =	vst v63  }
0x2a3: {  	_ =	swait.ge [sflag:s3], $0x6000  }
0x2a4: {  	[sflag:s3] =	ssyncset.done $0x0  }
0x2a5: {  	[sflag:s3] =	ssyncadd.s32 $0xFFFFA000  }
0x2a6: {  	v3 =	vld [tilespmem:$0x1E240];
	_ =	sdelay $0x4  }
0x2a7: {  	v60 =	vshrl.u32 v3, $0x3  }
0x2a8: {  	v4 =	vmul.u32 $0x18, v60  }
0x2a9: {  	v3 =	vand.u32 $0x7, v3  }
0x2aa: {  	v3 =	vor.u32 v3, v4  }
0x2ab: {  	v4 =	vperm.xlane v3, v0;
	_ =	sdelay $0x1  }
0x2ac: {  	v4 =	vadd.s32 v1, v4;
	_ =	sdelay $0x1  }
0x2ad: {  	v3 =	vperm.xlane v3, v2;
	_ =	sdelay $0x1  }
0x2ae: {  	v3 =	vadd.s32 v1, v3  }
0x2af: {  	[tilespmem:s5], [sflag:$0x1] =	stream.indirect_vreg.gather [hbm4b:s2+s5], $0x80, v4, vm0, $0xb8;
	[tilespmem:$0x1E600] =	vst v63  }
0x2b0: {  	s12 =	simm.s32 $0x800  }
0x2b1: {  	[tilespmem:s12], [sflag:$0x1] =	stream.indirect_vreg.gather [hbm4b:s8+s5], $0x80, v4, vm1, $0xb8;
	[tilespmem:$0x1E600] =	vst v63  }
0x2b2: {  	_ = 	snop  }
0x2b3: {  	[tilespmem:s13], [sflag:$0x1] =	stream.indirect_vreg.gather [hbm4b:s2+s5], $0x80, v3, vm0, $0xb8;
	[tilespmem:$0x1E600] =	vst v63  }
0x2b4: {  	s12 =	simm.s32 $0x1400  }
0x2b5: {  	[tilespmem:s12], [sflag:$0x1] =	stream.indirect_vreg.gather [hbm4b:s8+s5], $0x80, v3, vm1, $0xb8;
	[tilespmem:$0x1E600] =	vst v63  }
0x2b6: {  	v3 =	vld [tilespmem:$0x1E250];
	_ =	sdelay $0x4  }
0x2b7: {  	v61 =	vshrl.u32 v3, $0x3  }
0x2b8: {  	v4 =	vmul.u32 $0x18, v61  }
0x2b9: {  	v3 =	vand.u32 $0x7, v3  }
0x2ba: {  	v3 =	vor.u32 v3, v4  }
0x2bb: {  	v4 =	vperm.xlane v3, v0;
	_ =	sdelay $0x1  }
0x2bc: {  	v4 =	vadd.s32 v1, v4;
	_ =	sdelay $0x1  }
0x2bd: {  	v3 =	vperm.xlane v3, v2;
	_ =	sdelay $0x1  }
0x2be: {  	s12 =	simm.s32 $0x1800;
	v3 =	vadd.s32 v1, v3  }
0x2bf: {  	[tilespmem:s12], [sflag:$0x1] =	stream.indirect_vreg.gather [hbm4b:s2+s5], $0x80, v4, vm0, $0xb8;
	[tilespmem:$0x1E600] =	vst v63  }
0x2c0: {  	s12 =	simm.s32 $0x2000  }
0x2c1: {  	[tilespmem:s12], [sflag:$0x1] =	stream.indirect_vreg.gather [hbm4b:s8+s5], $0x80, v4, vm1, $0xb8;
	[tilespmem:$0x1E600] =	vst v63  }
0x2c2: {  	_ = 	snop  }
0x2c3: {  	[tilespmem:s17], [sflag:$0x1] =	stream.indirect_vreg.gather [hbm4b:s2+s5], $0x80, v3, vm0, $0xb8;
	[tilespmem:$0x1E600] =	vst v63  }
0x2c4: {  	s12 =	simm.s32 $0x2C00  }
0x2c5: {  	[tilespmem:s12], [sflag:$0x1] =	stream.indirect_vreg.gather [hbm4b:s8+s5], $0x80, v3, vm1, $0xb8;
	[tilespmem:$0x1E600] =	vst v63  }
0x2c6: {  	v3 =	vld [tilespmem:$0x1E260];
	_ =	sdelay $0x4  }
0x2c7: {  	v62 =	vshrl.u32 v3, $0x3  }
0x2c8: {  	v4 =	vmul.u32 $0x18, v62  }
0x2c9: {  	v3 =	vand.u32 $0x7, v3  }
0x2ca: {  	v3 =	vor.u32 v3, v4  }
0x2cb: {  	v4 =	vperm.xlane v3, v0;
	_ =	sdelay $0x1  }
0x2cc: {  	v4 =	vadd.s32 v1, v4;
	_ =	sdelay $0x1  }
0x2cd: {  	v3 =	vperm.xlane v3, v2;
	_ =	sdelay $0x1  }
0x2ce: {  	s12 =	simm.s32 $0x3000;
	v3 =	vadd.s32 v1, v3  }
0x2cf: {  	[tilespmem:s12], [sflag:$0x1] =	stream.indirect_vreg.gather [hbm4b:s2+s5], $0x80, v4, vm0, $0xb8;
	[tilespmem:$0x1E600] =	vst v63  }
0x2d0: {  	s12 =	simm.s32 $0x3800  }
0x2d1: {  	[tilespmem:s12], [sflag:$0x1] =	stream.indirect_vreg.gather [hbm4b:s8+s5], $0x80, v4, vm1, $0xb8;
	[tilespmem:$0x1E600] =	vst v63  }
0x2d2: {  	s12 =	simm.s32 $0x3C00  }
0x2d3: {  	[tilespmem:s12], [sflag:$0x1] =	stream.indirect_vreg.gather [hbm4b:s2+s5], $0x80, v3, vm0, $0xb8;
	[tilespmem:$0x1E600] =	vst v63  }
0x2d4: {  	s12 =	simm.s32 $0x4400  }
0x2d5: {  	[tilespmem:s12], [sflag:$0x1] =	stream.indirect_vreg.gather [hbm4b:s8+s5], $0x80, v3, vm1, $0xb8;
	[tilespmem:$0x1E600] =	vst v63  }
0x2d6: {  	v3 =	vld [tilespmem:$0x1E270];
	_ =	sdelay $0x4  }
0x2d7: {  	v63 =	vshrl.u32 v3, $0x3  }
0x2d8: {  	v4 =	vmul.u32 $0x18, v63  }
0x2d9: {  	v3 =	vand.u32 $0x7, v3  }
0x2da: {  	v3 =	vor.u32 v3, v4  }
0x2db: {  	v4 =	vperm.xlane v3, v0;
	_ =	sdelay $0x1  }
0x2dc: {  	v4 =	vadd.s32 v1, v4;
	_ =	sdelay $0x1  }
0x2dd: {  	v3 =	vperm.xlane v3, v2;
	_ =	sdelay $0x1  }
0x2de: {  	s12 =	simm.s32 $0x4800;
	v3 =	vadd.s32 v1, v3  }
0x2df: {  	[tilespmem:s12], [sflag:$0x1] =	stream.indirect_vreg.gather [hbm4b:s2+s5], $0x80, v4, vm0, $0xb8;
	[tilespmem:$0x1E600] =	vst v63  }
0x2e0: {  	s12 =	simm.s32 $0x5000  }
0x2e1: {  	[tilespmem:s12], [sflag:$0x1] =	stream.indirect_vreg.gather [hbm4b:s8+s5], $0x80, v4, vm1, $0xb8;
	[tilespmem:$0x1E600] =	vst v63  }
0x2e2: {  	s12 =	simm.s32 $0x5400  }
0x2e3: {  	[tilespmem:s12], [sflag:$0x1] =	stream.indirect_vreg.gather [hbm4b:s2+s5], $0x80, v3, vm0, $0xb8;
	[tilespmem:$0x1E600] =	vst v63  }
0x2e4: {  	s12 =	simm.s32 $0x5C00  }
0x2e5: {  	[tilespmem:s12], [sflag:$0x1] =	stream.indirect_vreg.gather [hbm4b:s8+s5], $0x80, v3, vm1, $0xb8;
	[tilespmem:$0x1E600] =	vst v63  }
0x2e6: {  	_ =	swait.ge [sflag:s15], $0x6000  }
0x2e7: {  	[sflag:s15] =	ssyncset.done $0x0  }
0x2e8: {  	s0 =	simm.s32 $0x6000;
	s12 =	rddreg [dreg:$0xe];
	[sflag:s15] =	ssyncadd.s32 $0xFFFFA000  }
0x2e9: {  	[hbm4b:s12+s13] =	stream.strided.scatter [tilespmem:s0], [sflag:$0x7], $0x6000, s17, s13, $0x38;
	[tilespmem:$0x1E600] =	vst v63  }
0x2ea: {  	_ =	swait.ge [sflag:s6], $0x6000  }
0x2eb: {  	[sflag:s6] =	ssyncset.done $0x0  }
0x2ec: {  	[sflag:s6] =	ssyncadd.s32 $0xFFFFA000  }
0x2ed: {  	v3 =	vld [tilespmem:$0x1E280];
	_ =	sdelay $0x4  }
0x2ee: {  	v8 =	vshrl.u32 v3, $0x3  }
0x2ef: {  	v4 =	vmul.u32 $0x18, v8  }
0x2f0: {  	v3 =	vand.u32 $0x7, v3  }
0x2f1: {  	v3 =	vor.u32 v3, v4  }
0x2f2: {  	v4 =	vperm.xlane v3, v0;
	_ =	sdelay $0x1  }
0x2f3: {  	v4 =	vadd.s32 v1, v4;
	_ =	sdelay $0x1  }
0x2f4: {  	v3 =	vperm.xlane v3, v2;
	_ =	sdelay $0x1  }
0x2f5: {  	v3 =	vadd.s32 v1, v3  }
0x2f6: {  	[tilespmem:s0], [sflag:$0x2] =	stream.indirect_vreg.gather [hbm4b:s2+s5], $0x80, v4, vm0, $0xb8;
	[tilespmem:$0x1E600] =	vst v63  }
0x2f7: {  	_ = 	snop  }
0x2f8: {  	[tilespmem:s14], [sflag:$0x2] =	stream.indirect_vreg.gather [hbm4b:s8+s5], $0x80, v4, vm1, $0xb8;
	[tilespmem:$0x1E600] =	vst v63  }
0x2f9: {  	s12 =	simm.s32 $0x6C00  }
0x2fa: {  	[tilespmem:s12], [sflag:$0x2] =	stream.indirect_vreg.gather [hbm4b:s2+s5], $0x80, v3, vm0, $0xb8;
	[tilespmem:$0x1E600] =	vst v63  }
0x2fb: {  	s14 =	simm.s32 $0x7400  }
0x2fc: {  	[tilespmem:s14], [sflag:$0x2] =	stream.indirect_vreg.gather [hbm4b:s8+s5], $0x80, v3, vm1, $0xb8;
	[tilespmem:$0x1E600] =	vst v63  }
0x2fd: {  	v3 =	vld [tilespmem:$0x1E290];
	_ =	sdelay $0x4  }
0x2fe: {  	v9 =	vshrl.u32 v3, $0x3  }
0x2ff: {  	v4 =	vmul.u32 $0x18, v9  }
0x300: {  	v3 =	vand.u32 $0x7, v3  }
0x301: {  	v3 =	vor.u32 v3, v4  }
0x302: {  	v4 =	vperm.xlane v3, v0;
	_ =	sdelay $0x1  }
0x303: {  	v4 =	vadd.s32 v1, v4;
	_ =	sdelay $0x1  }
0x304: {  	v3 =	vperm.xlane v3, v2;
	_ =	sdelay $0x1  }
0x305: {  	s12 =	simm.s32 $0x7800;
	v3 =	vadd.s32 v1, v3  }
0x306: {  	[tilespmem:s12], [sflag:$0x2] =	stream.indirect_vreg.gather [hbm4b:s2+s5], $0x80, v4, vm0, $0xb8;
	[tilespmem:$0x1E600] =	vst v63  }
0x307: {  	s14 =	simm.s32 $0x8000  }
0x308: {  	[tilespmem:s14], [sflag:$0x2] =	stream.indirect_vreg.gather [hbm4b:s8+s5], $0x80, v4, vm1, $0xb8;
	[tilespmem:$0x1E600] =	vst v63  }
0x309: {  	s12 =	simm.s32 $0x8400  }
0x30a: {  	[tilespmem:s12], [sflag:$0x2] =	stream.indirect_vreg.gather [hbm4b:s2+s5], $0x80, v3, vm0, $0xb8;
	[tilespmem:$0x1E600] =	vst v63  }
0x30b: {  	s14 =	simm.s32 $0x8C00  }
0x30c: {  	[tilespmem:s14], [sflag:$0x2] =	stream.indirect_vreg.gather [hbm4b:s8+s5], $0x80, v3, vm1, $0xb8;
	[tilespmem:$0x1E600] =	vst v63  }
0x30d: {  	v3 =	vld [tilespmem:$0x1E2A0];
	_ =	sdelay $0x4  }
0x30e: {  	v10 =	vshrl.u32 v3, $0x3  }
0x30f: {  	v4 =	vmul.u32 $0x18, v10  }
0x310: {  	v3 =	vand.u32 $0x7, v3  }
0x311: {  	v3 =	vor.u32 v3, v4  }
0x312: {  	v4 =	vperm.xlane v3, v0;
	_ =	sdelay $0x1  }
0x313: {  	v4 =	vadd.s32 v1, v4;
	_ =	sdelay $0x1  }
0x314: {  	v3 =	vperm.xlane v3, v2;
	_ =	sdelay $0x1  }
0x315: {  	s12 =	simm.s32 $0x9000;
	v3 =	vadd.s32 v1, v3  }
0x316: {  	[tilespmem:s12], [sflag:$0x2] =	stream.indirect_vreg.gather [hbm4b:s2+s5], $0x80, v4, vm0, $0xb8;
	[tilespmem:$0x1E600] =	vst v63  }
0x317: {  	s14 =	simm.s32 $0x9800  }
0x318: {  	[tilespmem:s14], [sflag:$0x2] =	stream.indirect_vreg.gather [hbm4b:s8+s5], $0x80, v4, vm1, $0xb8;
	[tilespmem:$0x1E600] =	vst v63  }
0x319: {  	s12 =	simm.s32 $0x9C00  }
0x31a: {  	[tilespmem:s12], [sflag:$0x2] =	stream.indirect_vreg.gather [hbm4b:s2+s5], $0x80, v3, vm0, $0xb8;
	[tilespmem:$0x1E600] =	vst v63  }
0x31b: {  	s14 =	simm.s32 $0xA400  }
0x31c: {  	[tilespmem:s14], [sflag:$0x2] =	stream.indirect_vreg.gather [hbm4b:s8+s5], $0x80, v3, vm1, $0xb8;
	[tilespmem:$0x1E600] =	vst v63  }
0x31d: {  	v3 =	vld [tilespmem:$0x1E2B0];
	_ =	sdelay $0x4  }
0x31e: {  	v11 =	vshrl.u32 v3, $0x3  }
0x31f: {  	v4 =	vmul.u32 $0x18, v11  }
0x320: {  	v3 =	vand.u32 $0x7, v3  }
0x321: {  	v3 =	vor.u32 v3, v4  }
0x322: {  	v4 =	vperm.xlane v3, v0;
	_ =	sdelay $0x1  }
0x323: {  	v4 =	vadd.s32 v1, v4;
	_ =	sdelay $0x1  }
0x324: {  	v3 =	vperm.xlane v3, v2;
	_ =	sdelay $0x1  }
0x325: {  	s12 =	simm.s32 $0xA800;
	v3 =	vadd.s32 v1, v3  }
0x326: {  	[tilespmem:s12], [sflag:$0x2] =	stream.indirect_vreg.gather [hbm4b:s2+s5], $0x80, v4, vm0, $0xb8;
	[tilespmem:$0x1E600] =	vst v63  }
0x327: {  	s14 =	simm.s32 $0xB000  }
0x328: {  	[tilespmem:s14], [sflag:$0x2] =	stream.indirect_vreg.gather [hbm4b:s8+s5], $0x80, v4, vm1, $0xb8;
	[tilespmem:$0x1E600] =	vst v63  }
0x329: {  	s12 =	simm.s32 $0xB400  }
0x32a: {  	[tilespmem:s12], [sflag:$0x2] =	stream.indirect_vreg.gather [hbm4b:s2+s5], $0x80, v3, vm0, $0xb8;
	[tilespmem:$0x1E600] =	vst v63  }
0x32b: {  	s14 =	simm.s32 $0xBC00  }
0x32c: {  	[tilespmem:s14], [sflag:$0x2] =	stream.indirect_vreg.gather [hbm4b:s8+s5], $0x80, v3, vm1, $0xb8;
	[tilespmem:$0x1E600] =	vst v63  }
0x32d: {  	_ =	swait.ge [sflag:s21], $0x6000  }
0x32e: {  	[sflag:s21] =	ssyncset.done $0x0  }
0x32f: {  	s14 =	simm.s32 $0xC000;
	s0 =	rddreg [dreg:$0xf];
	[sflag:s21] =	ssyncadd.s32 $0xFFFFA000  }
0x330: {  	[hbm4b:s0+s13] =	stream.strided.scatter [tilespmem:s14], [sflag:$0x8], $0x6000, s17, s13, $0x38;
	[tilespmem:$0x1E600] =	vst v63  }
0x331: {  	_ =	swait.ge [sflag:s22], $0x6000  }
0x332: {  	[sflag:s22] =	ssyncset.done $0x0  }
0x333: {  	[sflag:s22] =	ssyncadd.s32 $0xFFFFA000  }
0x334: {  	v3 =	vld [tilespmem:$0x1E2C0];
	_ =	sdelay $0x4  }
0x335: {  	v12 =	vshrl.u32 v3, $0x3  }
0x336: {  	v4 =	vmul.u32 $0x18, v12  }
0x337: {  	v3 =	vand.u32 $0x7, v3  }
0x338: {  	v3 =	vor.u32 v3, v4  }
0x339: {  	v4 =	vperm.xlane v3, v0;
	_ =	sdelay $0x1  }
0x33a: {  	v4 =	vadd.s32 v1, v4;
	_ =	sdelay $0x1  }
0x33b: {  	v3 =	vperm.xlane v3, v2;
	_ =	sdelay $0x1  }
0x33c: {  	v3 =	vadd.s32 v1, v3  }
0x33d: {  	[tilespmem:s14], [sflag:$0x3] =	stream.indirect_vreg.gather [hbm4b:s2+s5], $0x80, v4, vm0, $0xb8;
	[tilespmem:$0x1E600] =	vst v63  }
0x33e: {  	s14 =	simm.s32 $0xC800  }
0x33f: {  	[tilespmem:s14], [sflag:$0x3] =	stream.indirect_vreg.gather [hbm4b:s8+s5], $0x80, v4, vm1, $0xb8;
	[tilespmem:$0x1E600] =	vst v63  }
0x340: {  	_ = 	snop  }
0x341: {  	[tilespmem:s11], [sflag:$0x3] =	stream.indirect_vreg.gather [hbm4b:s2+s5], $0x80, v3, vm0, $0xb8;
	[tilespmem:$0x1E600] =	vst v63  }
0x342: {  	s12 =	simm.s32 $0xD400  }
0x343: {  	[tilespmem:s12], [sflag:$0x3] =	stream.indirect_vreg.gather [hbm4b:s8+s5], $0x80, v3, vm1, $0xb8;
	[tilespmem:$0x1E600] =	vst v63  }
0x344: {  	v3 =	vld [tilespmem:$0x1E2D0];
	_ =	sdelay $0x4  }
0x345: {  	v13 =	vshrl.u32 v3, $0x3  }
0x346: {  	v4 =	vmul.u32 $0x18, v13  }
0x347: {  	v3 =	vand.u32 $0x7, v3  }
0x348: {  	v3 =	vor.u32 v3, v4  }
0x349: {  	v4 =	vperm.xlane v3, v0;
	_ =	sdelay $0x1  }
0x34a: {  	v4 =	vadd.s32 v1, v4;
	_ =	sdelay $0x1  }
0x34b: {  	v3 =	vperm.xlane v3, v2;
	_ =	sdelay $0x1  }
0x34c: {  	s11 =	simm.s32 $0xD800;
	v3 =	vadd.s32 v1, v3  }
0x34d: {  	[tilespmem:s11], [sflag:$0x3] =	stream.indirect_vreg.gather [hbm4b:s2+s5], $0x80, v4, vm0, $0xb8;
	[tilespmem:$0x1E600] =	vst v63  }
0x34e: {  	s12 =	simm.s32 $0xE000  }
0x34f: {  	[tilespmem:s12], [sflag:$0x3] =	stream.indirect_vreg.gather [hbm4b:s8+s5], $0x80, v4, vm1, $0xb8;
	[tilespmem:$0x1E600] =	vst v63  }
0x350: {  	s11 =	simm.s32 $0xE400  }
0x351: {  	[tilespmem:s11], [sflag:$0x3] =	stream.indirect_vreg.gather [hbm4b:s2+s5], $0x80, v3, vm0, $0xb8;
	[tilespmem:$0x1E600] =	vst v63  }
0x352: {  	s12 =	simm.s32 $0xEC00  }
0x353: {  	[tilespmem:s12], [sflag:$0x3] =	stream.indirect_vreg.gather [hbm4b:s8+s5], $0x80, v3, vm1, $0xb8;
	[tilespmem:$0x1E600] =	vst v63  }
0x354: {  	v3 =	vld [tilespmem:$0x1E2E0];
	_ =	sdelay $0x4  }
0x355: {  	v14 =	vshrl.u32 v3, $0x3  }
0x356: {  	v4 =	vmul.u32 $0x18, v14  }
0x357: {  	v3 =	vand.u32 $0x7, v3  }
0x358: {  	v3 =	vor.u32 v3, v4  }
0x359: {  	v4 =	vperm.xlane v3, v0;
	_ =	sdelay $0x1  }
0x35a: {  	v4 =	vadd.s32 v1, v4;
	_ =	sdelay $0x1  }
0x35b: {  	v3 =	vperm.xlane v3, v2;
	_ =	sdelay $0x1  }
0x35c: {  	s11 =	simm.s32 $0xF000;
	v3 =	vadd.s32 v1, v3  }
0x35d: {  	[tilespmem:s11], [sflag:$0x3] =	stream.indirect_vreg.gather [hbm4b:s2+s5], $0x80, v4, vm0, $0xb8;
	[tilespmem:$0x1E600] =	vst v63  }
0x35e: {  	s12 =	simm.s32 $0xF800  }
0x35f: {  	[tilespmem:s12], [sflag:$0x3] =	stream.indirect_vreg.gather [hbm4b:s8+s5], $0x80, v4, vm1, $0xb8;
	[tilespmem:$0x1E600] =	vst v63  }
0x360: {  	s11 =	simm.s32 $0xFC00  }
0x361: {  	[tilespmem:s11], [sflag:$0x3] =	stream.indirect_vreg.gather [hbm4b:s2+s5], $0x80, v3, vm0, $0xb8;
	[tilespmem:$0x1E600] =	vst v63  }
0x362: {  	s12 =	simm.s32 $0x10400  }
0x363: {  	[tilespmem:s12], [sflag:$0x3] =	stream.indirect_vreg.gather [hbm4b:s8+s5], $0x80, v3, vm1, $0xb8;
	[tilespmem:$0x1E600] =	vst v63  }
0x364: {  	v3 =	vld [tilespmem:$0x1E2F0];
	_ =	sdelay $0x4  }
0x365: {  	v15 =	vshrl.u32 v3, $0x3  }
0x366: {  	v4 =	vmul.u32 $0x18, v15  }
0x367: {  	v3 =	vand.u32 $0x7, v3  }
0x368: {  	v3 =	vor.u32 v3, v4  }
0x369: {  	v4 =	vperm.xlane v3, v0;
	_ =	sdelay $0x1  }
0x36a: {  	v4 =	vadd.s32 v1, v4;
	_ =	sdelay $0x1  }
0x36b: {  	v3 =	vperm.xlane v3, v2;
	_ =	sdelay $0x1  }
0x36c: {  	s11 =	simm.s32 $0x10800;
	v3 =	vadd.s32 v1, v3  }
0x36d: {  	[tilespmem:s11], [sflag:$0x3] =	stream.indirect_vreg.gather [hbm4b:s2+s5], $0x80, v4, vm0, $0xb8;
	[tilespmem:$0x1E600] =	vst v63  }
0x36e: {  	s12 =	simm.s32 $0x11000  }
0x36f: {  	[tilespmem:s12], [sflag:$0x3] =	stream.indirect_vreg.gather [hbm4b:s8+s5], $0x80, v4, vm1, $0xb8;
	[tilespmem:$0x1E600] =	vst v63  }
0x370: {  	s11 =	simm.s32 $0x11400  }
0x371: {  	[tilespmem:s11], [sflag:$0x3] =	stream.indirect_vreg.gather [hbm4b:s2+s5], $0x80, v3, vm0, $0xb8;
	[tilespmem:$0x1E600] =	vst v63  }
0x372: {  	s12 =	simm.s32 $0x11C00  }
0x373: {  	[tilespmem:s12], [sflag:$0x3] =	stream.indirect_vreg.gather [hbm4b:s8+s5], $0x80, v3, vm1, $0xb8;
	[tilespmem:$0x1E600] =	vst v63  }
0x374: {  	_ =	swait.ge [sflag:s23], $0x6000  }
0x375: {  	[sflag:s23] =	ssyncset.done $0x0  }
0x376: {  	s11 =	simm.s32 $0x12000;
	s0 =	rddreg [dreg:$0x10];
	[sflag:s23] =	ssyncadd.s32 $0xFFFFA000  }
0x377: {  	[hbm4b:s0+s13] =	stream.strided.scatter [tilespmem:s11], [sflag:$0x9], $0x6000, s17, s13, $0x38;
	[tilespmem:$0x1E600] =	vst v63  }
0x378: {  	_ =	swait.ge [sflag:s24], $0x6000  }
0x379: {  	[sflag:s24] =	ssyncset.done $0x0  }
0x37a: {  	[sflag:s24] =	ssyncadd.s32 $0xFFFFA000  }
0x37b: {  	v3 =	vld [tilespmem:$0x1E300];
	_ =	sdelay $0x4  }
0x37c: {  	v16 =	vshrl.u32 v3, $0x3  }
0x37d: {  	v4 =	vmul.u32 $0x18, v16  }
0x37e: {  	v3 =	vand.u32 $0x7, v3  }
0x37f: {  	v3 =	vor.u32 v3, v4  }
0x380: {  	v4 =	vperm.xlane v3, v0;
	_ =	sdelay $0x1  }
0x381: {  	v4 =	vadd.s32 v1, v4;
	_ =	sdelay $0x1  }
0x382: {  	v3 =	vperm.xlane v3, v2;
	_ =	sdelay $0x1  }
0x383: {  	v3 =	vadd.s32 v1, v3  }
0x384: {  	[tilespmem:s11], [sflag:$0x4] =	stream.indirect_vreg.gather [hbm4b:s2+s5], $0x80, v4, vm0, $0xb8;
	[tilespmem:$0x1E600] =	vst v63  }
0x385: {  	s12 =	simm.s32 $0x12800  }
0x386: {  	[tilespmem:s12], [sflag:$0x4] =	stream.indirect_vreg.gather [hbm4b:s8+s5], $0x80, v4, vm1, $0xb8;
	[tilespmem:$0x1E600] =	vst v63  }
0x387: {  	s11 =	simm.s32 $0x12C00  }
0x388: {  	[tilespmem:s11], [sflag:$0x4] =	stream.indirect_vreg.gather [hbm4b:s2+s5], $0x80, v3, vm0, $0xb8;
	[tilespmem:$0x1E600] =	vst v63  }
0x389: {  	s12 =	simm.s32 $0x13400  }
0x38a: {  	[tilespmem:s12], [sflag:$0x4] =	stream.indirect_vreg.gather [hbm4b:s8+s5], $0x80, v3, vm1, $0xb8;
	[tilespmem:$0x1E600] =	vst v63  }
0x38b: {  	v3 =	vld [tilespmem:$0x1E310];
	_ =	sdelay $0x4  }
0x38c: {  	v17 =	vshrl.u32 v3, $0x3  }
0x38d: {  	v4 =	vmul.u32 $0x18, v17  }
0x38e: {  	v3 =	vand.u32 $0x7, v3  }
0x38f: {  	v3 =	vor.u32 v3, v4  }
0x390: {  	v4 =	vperm.xlane v3, v0;
	_ =	sdelay $0x1  }
0x391: {  	v4 =	vadd.s32 v1, v4;
	_ =	sdelay $0x1  }
0x392: {  	v3 =	vperm.xlane v3, v2;
	_ =	sdelay $0x1  }
0x393: {  	v3 =	vadd.s32 v1, v3  }
0x394: {  	[tilespmem:s28], [sflag:$0x4] =	stream.indirect_vreg.gather [hbm4b:s2+s5], $0x80, v4, vm0, $0xb8;
	[tilespmem:$0x1E600] =	vst v63  }
0x395: {  	_ = 	snop  }
0x396: {  	[tilespmem:s29], [sflag:$0x4] =	stream.indirect_vreg.gather [hbm4b:s8+s5], $0x80, v4, vm1, $0xb8;
	[tilespmem:$0x1E600] =	vst v63  }
0x397: {  	_ = 	snop  }
0x398: {  	[tilespmem:s31], [sflag:$0x4] =	stream.indirect_vreg.gather [hbm4b:s2+s5], $0x80, v3, vm0, $0xb8;
	[tilespmem:$0x1E600] =	vst v63  }
0x399: {  	s31 =	simm.s32 $0x14C00  }
0x39a: {  	[tilespmem:s31], [sflag:$0x4] =	stream.indirect_vreg.gather [hbm4b:s8+s5], $0x80, v3, vm1, $0xb8;
	[tilespmem:$0x1E600] =	vst v63  }
0x39b: {  	v3 =	vld [tilespmem:$0x1E320];
	_ =	sdelay $0x4  }
0x39c: {  	v18 =	vshrl.u32 v3, $0x3  }
0x39d: {  	v4 =	vmul.u32 $0x18, v18  }
0x39e: {  	v3 =	vand.u32 $0x7, v3  }
0x39f: {  	v3 =	vor.u32 v3, v4  }
0x3a0: {  	v4 =	vperm.xlane v3, v0;
	_ =	sdelay $0x1  }
0x3a1: {  	v4 =	vadd.s32 v1, v4;
	_ =	sdelay $0x1  }
0x3a2: {  	v3 =	vperm.xlane v3, v2;
	_ =	sdelay $0x1  }
0x3a3: {  	s11 =	simm.s32 $0x15000;
	v3 =	vadd.s32 v1, v3  }
0x3a4: {  	[tilespmem:s11], [sflag:$0x4] =	stream.indirect_vreg.gather [hbm4b:s2+s5], $0x80, v4, vm0, $0xb8;
	[tilespmem:$0x1E600] =	vst v63  }
0x3a5: {  	s12 =	simm.s32 $0x15800  }
0x3a6: {  	[tilespmem:s12], [sflag:$0x4] =	stream.indirect_vreg.gather [hbm4b:s8+s5], $0x80, v4, vm1, $0xb8;
	[tilespmem:$0x1E600] =	vst v63  }
0x3a7: {  	s28 =	simm.s32 $0x15C00  }
0x3a8: {  	[tilespmem:s28], [sflag:$0x4] =	stream.indirect_vreg.gather [hbm4b:s2+s5], $0x80, v3, vm0, $0xb8;
	[tilespmem:$0x1E600] =	vst v63  }
0x3a9: {  	s29 =	simm.s32 $0x16400  }
0x3aa: {  	[tilespmem:s29], [sflag:$0x4] =	stream.indirect_vreg.gather [hbm4b:s8+s5], $0x80, v3, vm1, $0xb8;
	[tilespmem:$0x1E600] =	vst v63  }
0x3ab: {  	v3 =	vld [tilespmem:$0x1E330];
	_ =	sdelay $0x4  }
0x3ac: {  	v19 =	vshrl.u32 v3, $0x3  }
0x3ad: {  	v4 =	vmul.u32 $0x18, v19  }
0x3ae: {  	v3 =	vand.u32 $0x7, v3  }
0x3af: {  	v3 =	vor.u32 v3, v4  }
0x3b0: {  	v4 =	vperm.xlane v3, v0;
	_ =	sdelay $0x1  }
0x3b1: {  	v4 =	vadd.s32 v1, v4;
	_ =	sdelay $0x1  }
0x3b2: {  	v3 =	vperm.xlane v3, v2;
	_ =	sdelay $0x1  }
0x3b3: {  	s31 =	simm.s32 $0x16800;
	v3 =	vadd.s32 v1, v3  }
0x3b4: {  	[tilespmem:s31], [sflag:$0x4] =	stream.indirect_vreg.gather [hbm4b:s2+s5], $0x80, v4, vm0, $0xb8;
	[tilespmem:$0x1E600] =	vst v63  }
0x3b5: {  	s11 =	simm.s32 $0x17000  }
0x3b6: {  	[tilespmem:s11], [sflag:$0x4] =	stream.indirect_vreg.gather [hbm4b:s8+s5], $0x80, v4, vm1, $0xb8;
	[tilespmem:$0x1E600] =	vst v63  }
0x3b7: {  	s12 =	simm.s32 $0x17400  }
0x3b8: {  	[tilespmem:s12], [sflag:$0x4] =	stream.indirect_vreg.gather [hbm4b:s2+s5], $0x80, v3, vm0, $0xb8;
	[tilespmem:$0x1E600] =	vst v63  }
0x3b9: {  	s28 =	simm.s32 $0x17C00  }
0x3ba: {  	[tilespmem:s28], [sflag:$0x4] =	stream.indirect_vreg.gather [hbm4b:s8+s5], $0x80, v3, vm1, $0xb8;
	[tilespmem:$0x1E600] =	vst v63  }
0x3bb: {  	_ =	swait.ge [sflag:s25], $0x6000  }
0x3bc: {  	[sflag:s25] =	ssyncset.done $0x0  }
0x3bd: {  	s31 =	simm.s32 $0x18000;
	s29 =	rddreg [dreg:$0x11];
	[sflag:s25] =	ssyncadd.s32 $0xFFFFA000  }
0x3be: {  	[hbm4b:s29+s13] =	stream.strided.scatter [tilespmem:s31], [sflag:$0xA], $0x6000, s17, s13, $0x38;
	[tilespmem:$0x1E600] =	vst v63  }
0x3bf: {  	_ =	swait.ge [sflag:s26], $0x6000  }
0x3c0: {  	[sflag:s26] =	ssyncset.done $0x0  }
0x3c1: {  	[sflag:s26] =	ssyncadd.s32 $0xFFFFA000  }
0x3c2: {  	v3 =	vld [tilespmem:$0x1E340];
	_ =	sdelay $0x4  }
0x3c3: {  	v20 =	vshrl.u32 v3, $0x3  }
0x3c4: {  	v4 =	vmul.u32 $0x18, v20  }
0x3c5: {  	v3 =	vand.u32 $0x7, v3  }
0x3c6: {  	v3 =	vor.u32 v3, v4  }
0x3c7: {  	v4 =	vperm.xlane v3, v0;
	_ =	sdelay $0x1  }
0x3c8: {  	v4 =	vadd.s32 v1, v4;
	_ =	sdelay $0x1  }
0x3c9: {  	v3 =	vperm.xlane v3, v2;
	_ =	sdelay $0x1  }
0x3ca: {  	v3 =	vadd.s32 v1, v3  }
0x3cb: {  	[tilespmem:s31], [sflag:$0x5] =	stream.indirect_vreg.gather [hbm4b:s2+s5], $0x80, v4, vm0, $0xb8;
	[tilespmem:$0x1E600] =	vst v63  }
0x3cc: {  	_ = 	snop  }
0x3cd: {  	[tilespmem:s19], [sflag:$0x5] =	stream.indirect_vreg.gather [hbm4b:s8+s5], $0x80, v4, vm1, $0xb8;
	[tilespmem:$0x1E600] =	vst v63  }
0x3ce: {  	_ = 	snop  }
0x3cf: {  	[tilespmem:s10], [sflag:$0x5] =	stream.indirect_vreg.gather [hbm4b:s2+s5], $0x80, v3, vm0, $0xb8;
	[tilespmem:$0x1E600] =	vst v63  }
0x3d0: {  	_ = 	snop  }
0x3d1: {  	[tilespmem:s18], [sflag:$0x5] =	stream.indirect_vreg.gather [hbm4b:s8+s5], $0x80, v3, vm1, $0xb8;
	[tilespmem:$0x1E600] =	vst v63  }
0x3d2: {  	v3 =	vld [tilespmem:$0x1E350];
	_ =	sdelay $0x4  }
0x3d3: {  	v21 =	vshrl.u32 v3, $0x3  }
0x3d4: {  	v4 =	vmul.u32 $0x18, v21  }
0x3d5: {  	v3 =	vand.u32 $0x7, v3  }
0x3d6: {  	v3 =	vor.u32 v3, v4  }
0x3d7: {  	v4 =	vperm.xlane v3, v0;
	_ =	sdelay $0x1  }
0x3d8: {  	v4 =	vadd.s32 v1, v4;
	_ =	sdelay $0x1  }
0x3d9: {  	v3 =	vperm.xlane v3, v2;
	_ =	sdelay $0x1  }
0x3da: {  	s10 =	simm.s32 $0x19800;
	v3 =	vadd.s32 v1, v3  }
0x3db: {  	[tilespmem:s10], [sflag:$0x5] =	stream.indirect_vreg.gather [hbm4b:s2+s5], $0x80, v4, vm0, $0xb8;
	[tilespmem:$0x1E600] =	vst v63  }
0x3dc: {  	s11 =	simm.s32 $0x1A000  }
0x3dd: {  	[tilespmem:s11], [sflag:$0x5] =	stream.indirect_vreg.gather [hbm4b:s8+s5], $0x80, v4, vm1, $0xb8;
	[tilespmem:$0x1E600] =	vst v63  }
0x3de: {  	_ = 	snop  }
0x3df: {  	[tilespmem:s16], [sflag:$0x5] =	stream.indirect_vreg.gather [hbm4b:s2+s5], $0x80, v3, vm0, $0xb8;
	[tilespmem:$0x1E600] =	vst v63  }
0x3e0: {  	_ = 	snop  }
0x3e1: {  	[tilespmem:s20], [sflag:$0x5] =	stream.indirect_vreg.gather [hbm4b:s8+s5], $0x80, v3, vm1, $0xb8;
	[tilespmem:$0x1E600] =	vst v63  }
0x3e2: {  	v3 =	vld [tilespmem:$0x1E360];
	_ =	sdelay $0x4  }
0x3e3: {  	v22 =	vshrl.u32 v3, $0x3  }
0x3e4: {  	v4 =	vmul.u32 $0x18, v22  }
0x3e5: {  	v3 =	vand.u32 $0x7, v3  }
0x3e6: {  	v3 =	vor.u32 v3, v4  }
0x3e7: {  	v4 =	vperm.xlane v3, v0;
	_ =	sdelay $0x1  }
0x3e8: {  	v4 =	vadd.s32 v1, v4;
	_ =	sdelay $0x1  }
0x3e9: {  	v3 =	vperm.xlane v3, v2;
	_ =	sdelay $0x1  }
0x3ea: {  	s12 =	simm.s32 $0x1B000;
	v3 =	vadd.s32 v1, v3  }
0x3eb: {  	[tilespmem:s12], [sflag:$0x5] =	stream.indirect_vreg.gather [hbm4b:s2+s5], $0x80, v4, vm0, $0xb8;
	[tilespmem:$0x1E600] =	vst v63  }
0x3ec: {  	s16 =	simm.s32 $0x1B800  }
0x3ed: {  	[tilespmem:s16], [sflag:$0x5] =	stream.indirect_vreg.gather [hbm4b:s8+s5], $0x80, v4, vm1, $0xb8;
	[tilespmem:$0x1E600] =	vst v63  }
0x3ee: {  	s18 =	simm.s32 $0x1BC00  }
0x3ef: {  	[tilespmem:s18], [sflag:$0x5] =	stream.indirect_vreg.gather [hbm4b:s2+s5], $0x80, v3, vm0, $0xb8;
	[tilespmem:$0x1E600] =	vst v63  }
0x3f0: {  	s19 =	simm.s32 $0x1C400  }
0x3f1: {  	[tilespmem:s19], [sflag:$0x5] =	stream.indirect_vreg.gather [hbm4b:s8+s5], $0x80, v3, vm1, $0xb8;
	[tilespmem:$0x1E600] =	vst v63  }
0x3f2: {  	v3 =	vld [tilespmem:$0x1E370];
	_ =	sdelay $0x4  }
0x3f3: {  	v23 =	vshrl.u32 v3, $0x3  }
0x3f4: {  	v4 =	vmul.u32 $0x18, v23  }
0x3f5: {  	v3 =	vand.u32 $0x7, v3  }
0x3f6: {  	v3 =	vor.u32 v3, v4  }
0x3f7: {  	v4 =	vperm.xlane v3, v0;
	_ =	sdelay $0x1  }
0x3f8: {  	v4 =	vadd.s32 v1, v4;
	_ =	sdelay $0x1  }
0x3f9: {  	v3 =	vperm.xlane v3, v2;
	_ =	sdelay $0x1  }
0x3fa: {  	s20 =	simm.s32 $0x1C800;
	v3 =	vadd.s32 v1, v3  }
0x3fb: {  	[tilespmem:s20], [sflag:$0x5] =	stream.indirect_vreg.gather [hbm4b:s2+s5], $0x80, v4, vm0, $0xb8;
	[tilespmem:$0x1E600] =	vst v63  }
0x3fc: {  	s29 =	simm.s32 $0x1D000  }
0x3fd: {  	[tilespmem:s29], [sflag:$0x5] =	stream.indirect_vreg.gather [hbm4b:s8+s5], $0x80, v4, vm1, $0xb8;
	[tilespmem:$0x1E600] =	vst v63  }
0x3fe: {  	s31 =	simm.s32 $0x1D400  }
0x3ff: {  	[tilespmem:s31], [sflag:$0x5] =	stream.indirect_vreg.gather [hbm4b:s2+s5], $0x80, v3, vm0, $0xb8;
	[tilespmem:$0x1E600] =	vst v63  }
0x400: {  	s0 =	simm.s32 $0x1DC00  }
0x401: {  	[tilespmem:s0], [sflag:$0x5] =	stream.indirect_vreg.gather [hbm4b:s8+s5], $0x80, v3, vm1, $0xb8;
	[tilespmem:$0x1E600] =	vst v63  }
0x402: {  	_ =	swait.ge [sflag:s30], $0x6000  }
0x403: {  	[sflag:s30] =	ssyncset.done $0x0  }
0x404: {  	s10 =	rddreg [dreg:$0x12];
	[sflag:s30] =	ssyncadd.s32 $0xFFFFA000  }
0x405: {  	[hbm4b:s10+s13] =	stream.strided.scatter [tilespmem:s5], [sflag:$0x6], $0x6000, s17, s13, $0x38;
	[tilespmem:$0x1E600] =	vst v63  }
0x406: {  	_ =	swait.ge [sflag:s3], $0x6000  }
0x407: {  	[sflag:s3] =	ssyncset.done $0x0  }
0x408: {  	[sflag:s3] =	ssyncadd.s32 $0xFFFFA000  }
0x409: {  	v3 =	vld [tilespmem:$0x1E380];
	_ =	sdelay $0x4  }
0x40a: {  	v24 =	vshrl.u32 v3, $0x3  }
0x40b: {  	v4 =	vmul.u32 $0x18, v24  }
0x40c: {  	v3 =	vand.u32 $0x7, v3  }
0x40d: {  	v3 =	vor.u32 v3, v4  }
0x40e: {  	v4 =	vperm.xlane v3, v0;
	_ =	sdelay $0x1  }
0x40f: {  	v4 =	vadd.s32 v1, v4;
	_ =	sdelay $0x1  }
0x410: {  	v3 =	vperm.xlane v3, v2;
	_ =	sdelay $0x1  }
0x411: {  	v3 =	vadd.s32 v1, v3  }
0x412: {  	[tilespmem:s5], [sflag:$0x1] =	stream.indirect_vreg.gather [hbm4b:s2+s5], $0x80, v4, vm0, $0xb8;
	[tilespmem:$0x1E600] =	vst v63  }
0x413: {  	s11 =	simm.s32 $0x800  }
0x414: {  	[tilespmem:s11], [sflag:$0x1] =	stream.indirect_vreg.gather [hbm4b:s8+s5], $0x80, v4, vm1, $0xb8;
	[tilespmem:$0x1E600] =	vst v63  }
0x415: {  	_ = 	snop  }
0x416: {  	[tilespmem:s13], [sflag:$0x1] =	stream.indirect_vreg.gather [hbm4b:s2+s5], $0x80, v3, vm0, $0xb8;
	[tilespmem:$0x1E600] =	vst v63  }
0x417: {  	s12 =	simm.s32 $0x1400  }
0x418: {  	[tilespmem:s12], [sflag:$0x1] =	stream.indirect_vreg.gather [hbm4b:s8+s5], $0x80, v3, vm1, $0xb8;
	[tilespmem:$0x1E600] =	vst v63  }
0x419: {  	v3 =	vld [tilespmem:$0x1E390];
	_ =	sdelay $0x4  }
0x41a: {  	v25 =	vshrl.u32 v3, $0x3  }
0x41b: {  	v4 =	vmul.u32 $0x18, v25  }
0x41c: {  	v3 =	vand.u32 $0x7, v3  }
0x41d: {  	v3 =	vor.u32 v3, v4  }
0x41e: {  	v4 =	vperm.xlane v3, v0;
	_ =	sdelay $0x1  }
0x41f: {  	v4 =	vadd.s32 v1, v4;
	_ =	sdelay $0x1  }
0x420: {  	v3 =	vperm.xlane v3, v2;
	_ =	sdelay $0x1  }
0x421: {  	s16 =	simm.s32 $0x1800;
	v3 =	vadd.s32 v1, v3  }
0x422: {  	[tilespmem:s16], [sflag:$0x1] =	stream.indirect_vreg.gather [hbm4b:s2+s5], $0x80, v4, vm0, $0xb8;
	[tilespmem:$0x1E600] =	vst v63  }
0x423: {  	s18 =	simm.s32 $0x2000  }
0x424: {  	[tilespmem:s18], [sflag:$0x1] =	stream.indirect_vreg.gather [hbm4b:s8+s5], $0x80, v4, vm1, $0xb8;
	[tilespmem:$0x1E600] =	vst v63  }
0x425: {  	_ = 	snop  }
0x426: {  	[tilespmem:s17], [sflag:$0x1] =	stream.indirect_vreg.gather [hbm4b:s2+s5], $0x80, v3, vm0, $0xb8;
	[tilespmem:$0x1E600] =	vst v63  }
0x427: {  	s11 =	simm.s32 $0x2C00  }
0x428: {  	[tilespmem:s11], [sflag:$0x1] =	stream.indirect_vreg.gather [hbm4b:s8+s5], $0x80, v3, vm1, $0xb8;
	[tilespmem:$0x1E600] =	vst v63  }
0x429: {  	v3 =	vld [tilespmem:$0x1E3A0];
	_ =	sdelay $0x4  }
0x42a: {  	v26 =	vshrl.u32 v3, $0x3  }
0x42b: {  	v4 =	vmul.u32 $0x18, v26  }
0x42c: {  	v3 =	vand.u32 $0x7, v3  }
0x42d: {  	v3 =	vor.u32 v3, v4  }
0x42e: {  	v4 =	vperm.xlane v3, v0;
	_ =	sdelay $0x1  }
0x42f: {  	v4 =	vadd.s32 v1, v4;
	_ =	sdelay $0x1  }
0x430: {  	v3 =	vperm.xlane v3, v2;
	_ =	sdelay $0x1  }
0x431: {  	s18 =	simm.s32 $0x3000;
	v3 =	vadd.s32 v1, v3  }
0x432: {  	[tilespmem:s18], [sflag:$0x1] =	stream.indirect_vreg.gather [hbm4b:s2+s5], $0x80, v4, vm0, $0xb8;
	[tilespmem:$0x1E600] =	vst v63  }
0x433: {  	s10 =	simm.s32 $0x3800  }
0x434: {  	[tilespmem:s10], [sflag:$0x1] =	stream.indirect_vreg.gather [hbm4b:s8+s5], $0x80, v4, vm1, $0xb8;
	[tilespmem:$0x1E600] =	vst v63  }
0x435: {  	s19 =	simm.s32 $0x3C00  }
0x436: {  	[tilespmem:s19], [sflag:$0x1] =	stream.indirect_vreg.gather [hbm4b:s2+s5], $0x80, v3, vm0, $0xb8;
	[tilespmem:$0x1E600] =	vst v63  }
0x437: {  	s20 =	simm.s32 $0x4400  }
0x438: {  	[tilespmem:s20], [sflag:$0x1] =	stream.indirect_vreg.gather [hbm4b:s8+s5], $0x80, v3, vm1, $0xb8;
	[tilespmem:$0x1E600] =	vst v63  }
0x439: {  	v3 =	vld [tilespmem:$0x1E3B0];
	_ =	sdelay $0x4  }
0x43a: {  	v27 =	vshrl.u32 v3, $0x3  }
0x43b: {  	v4 =	vmul.u32 $0x18, v27  }
0x43c: {  	v3 =	vand.u32 $0x7, v3  }
0x43d: {  	v3 =	vor.u32 v3, v4  }
0x43e: {  	v4 =	vperm.xlane v3, v0;
	_ =	sdelay $0x1  }
0x43f: {  	v4 =	vadd.s32 v1, v4;
	_ =	sdelay $0x1  }
0x440: {  	v3 =	vperm.xlane v3, v2;
	_ =	sdelay $0x1  }
0x441: {  	s29 =	simm.s32 $0x4800;
	v3 =	vadd.s32 v1, v3  }
0x442: {  	[tilespmem:s29], [sflag:$0x1] =	stream.indirect_vreg.gather [hbm4b:s2+s5], $0x80, v4, vm0, $0xb8;
	[tilespmem:$0x1E600] =	vst v63  }
0x443: {  	s0 =	simm.s32 $0x5000  }
0x444: {  	[tilespmem:s0], [sflag:$0x1] =	stream.indirect_vreg.gather [hbm4b:s8+s5], $0x80, v4, vm1, $0xb8;
	[tilespmem:$0x1E600] =	vst v63  }
0x445: {  	s16 =	simm.s32 $0x5400  }
0x446: {  	[tilespmem:s16], [sflag:$0x1] =	stream.indirect_vreg.gather [hbm4b:s2+s5], $0x80, v3, vm0, $0xb8;
	[tilespmem:$0x1E600] =	vst v63  }
0x447: {  	s19 =	simm.s32 $0x5C00  }
0x448: {  	[tilespmem:s19], [sflag:$0x1] =	stream.indirect_vreg.gather [hbm4b:s8+s5], $0x80, v3, vm1, $0xb8;
	[tilespmem:$0x1E600] =	vst v63  }
0x449: {  	_ =	swait.ge [sflag:s15], $0x6000  }
0x44a: {  	[sflag:s15] =	ssyncset.done $0x0  }
0x44b: {  	s29 =	simm.s32 $0x6000;
	s20 =	rddreg [dreg:$0x13];
	[sflag:s15] =	ssyncadd.s32 $0xFFFFA000  }
0x44c: {  	[hbm4b:s20+s13] =	stream.strided.scatter [tilespmem:s29], [sflag:$0x7], $0x6000, s17, s13, $0x38;
	[tilespmem:$0x1E600] =	vst v63  }
0x44d: {  	_ =	swait.ge [sflag:s6], $0x6000  }
0x44e: {  	[sflag:s6] =	ssyncset.done $0x0  }
0x44f: {  	[sflag:s6] =	ssyncadd.s32 $0xFFFFA000  }
0x450: {  	v3 =	vld [tilespmem:$0x1E3C0];
	_ =	sdelay $0x4  }
0x451: {  	v28 =	vshrl.u32 v3, $0x3  }
0x452: {  	v4 =	vmul.u32 $0x18, v28  }
0x453: {  	v3 =	vand.u32 $0x7, v3  }
0x454: {  	v3 =	vor.u32 v3, v4  }
0x455: {  	v4 =	vperm.xlane v3, v0;
	_ =	sdelay $0x1  }
0x456: {  	v4 =	vadd.s32 v1, v4;
	_ =	sdelay $0x1  }
0x457: {  	v3 =	vperm.xlane v3, v2;
	_ =	sdelay $0x1  }
0x458: {  	v3 =	vadd.s32 v1, v3  }
0x459: {  	[tilespmem:s29], [sflag:$0x2] =	stream.indirect_vreg.gather [hbm4b:s2+s5], $0x80, v4, vm0, $0xb8;
	[tilespmem:$0x1E600] =	vst v63  }
0x45a: {  	s0 =	simm.s32 $0x6800  }
0x45b: {  	[tilespmem:s0], [sflag:$0x2] =	stream.indirect_vreg.gather [hbm4b:s8+s5], $0x80, v4, vm1, $0xb8;
	[tilespmem:$0x1E600] =	vst v63  }
0x45c: {  	s16 =	simm.s32 $0x6C00  }
0x45d: {  	[tilespmem:s16], [sflag:$0x2] =	stream.indirect_vreg.gather [hbm4b:s2+s5], $0x80, v3, vm0, $0xb8;
	[tilespmem:$0x1E600] =	vst v63  }
0x45e: {  	s19 =	simm.s32 $0x7400  }
0x45f: {  	[tilespmem:s19], [sflag:$0x2] =	stream.indirect_vreg.gather [hbm4b:s8+s5], $0x80, v3, vm1, $0xb8;
	[tilespmem:$0x1E600] =	vst v63  }
0x460: {  	v3 =	vld [tilespmem:$0x1E3D0];
	_ =	sdelay $0x4  }
0x461: {  	v29 =	vshrl.u32 v3, $0x3  }
0x462: {  	v4 =	vmul.u32 $0x18, v29  }
0x463: {  	v3 =	vand.u32 $0x7, v3  }
0x464: {  	v3 =	vor.u32 v3, v4  }
0x465: {  	v4 =	vperm.xlane v3, v0;
	_ =	sdelay $0x1  }
0x466: {  	v4 =	vadd.s32 v1, v4;
	_ =	sdelay $0x1  }
0x467: {  	v3 =	vperm.xlane v3, v2;
	_ =	sdelay $0x1  }
0x468: {  	s20 =	simm.s32 $0x7800;
	v3 =	vadd.s32 v1, v3  }
0x469: {  	[tilespmem:s20], [sflag:$0x2] =	stream.indirect_vreg.gather [hbm4b:s2+s5], $0x80, v4, vm0, $0xb8;
	[tilespmem:$0x1E600] =	vst v63  }
0x46a: {  	s0 =	simm.s32 $0x8000  }
0x46b: {  	[tilespmem:s0], [sflag:$0x2] =	stream.indirect_vreg.gather [hbm4b:s8+s5], $0x80, v4, vm1, $0xb8;
	[tilespmem:$0x1E600] =	vst v63  }
0x46c: {  	s16 =	simm.s32 $0x8400  }
0x46d: {  	[tilespmem:s16], [sflag:$0x2] =	stream.indirect_vreg.gather [hbm4b:s2+s5], $0x80, v3, vm0, $0xb8;
	[tilespmem:$0x1E600] =	vst v63  }
0x46e: {  	s19 =	simm.s32 $0x8C00  }
0x46f: {  	[tilespmem:s19], [sflag:$0x2] =	stream.indirect_vreg.gather [hbm4b:s8+s5], $0x80, v3, vm1, $0xb8;
	[tilespmem:$0x1E600] =	vst v63  }
0x470: {  	v3 =	vld [tilespmem:$0x1E3E0];
	_ =	sdelay $0x4  }
0x471: {  	v30 =	vshrl.u32 v3, $0x3  }
0x472: {  	v4 =	vmul.u32 $0x18, v30  }
0x473: {  	v3 =	vand.u32 $0x7, v3  }
0x474: {  	v3 =	vor.u32 v3, v4  }
0x475: {  	v4 =	vperm.xlane v3, v0;
	_ =	sdelay $0x1  }
0x476: {  	v4 =	vadd.s32 v1, v4;
	_ =	sdelay $0x1  }
0x477: {  	v3 =	vperm.xlane v3, v2;
	_ =	sdelay $0x1  }
0x478: {  	s20 =	simm.s32 $0x9000;
	v3 =	vadd.s32 v1, v3  }
0x479: {  	[tilespmem:s20], [sflag:$0x2] =	stream.indirect_vreg.gather [hbm4b:s2+s5], $0x80, v4, vm0, $0xb8;
	[tilespmem:$0x1E600] =	vst v63  }
0x47a: {  	s0 =	simm.s32 $0x9800  }
0x47b: {  	[tilespmem:s0], [sflag:$0x2] =	stream.indirect_vreg.gather [hbm4b:s8+s5], $0x80, v4, vm1, $0xb8;
	[tilespmem:$0x1E600] =	vst v63  }
0x47c: {  	s16 =	simm.s32 $0x9C00  }
0x47d: {  	[tilespmem:s16], [sflag:$0x2] =	stream.indirect_vreg.gather [hbm4b:s2+s5], $0x80, v3, vm0, $0xb8;
	[tilespmem:$0x1E600] =	vst v63  }
0x47e: {  	s19 =	simm.s32 $0xA400  }
0x47f: {  	[tilespmem:s19], [sflag:$0x2] =	stream.indirect_vreg.gather [hbm4b:s8+s5], $0x80, v3, vm1, $0xb8;
	[tilespmem:$0x1E600] =	vst v63  }
0x480: {  	v3 =	vld [tilespmem:$0x1E3F0];
	_ =	sdelay $0x4  }
0x481: {  	v31 =	vshrl.u32 v3, $0x3  }
0x482: {  	v4 =	vmul.u32 $0x18, v31  }
0x483: {  	v3 =	vand.u32 $0x7, v3  }
0x484: {  	v3 =	vor.u32 v3, v4  }
0x485: {  	v4 =	vperm.xlane v3, v0;
	_ =	sdelay $0x1  }
0x486: {  	v4 =	vadd.s32 v1, v4;
	_ =	sdelay $0x1  }
0x487: {  	v3 =	vperm.xlane v3, v2;
	_ =	sdelay $0x1  }
0x488: {  	s20 =	simm.s32 $0xA800;
	v3 =	vadd.s32 v1, v3  }
0x489: {  	[tilespmem:s20], [sflag:$0x2] =	stream.indirect_vreg.gather [hbm4b:s2+s5], $0x80, v4, vm0, $0xb8;
	[tilespmem:$0x1E600] =	vst v63  }
0x48a: {  	s0 =	simm.s32 $0xB000  }
0x48b: {  	[tilespmem:s0], [sflag:$0x2] =	stream.indirect_vreg.gather [hbm4b:s8+s5], $0x80, v4, vm1, $0xb8;
	[tilespmem:$0x1E600] =	vst v63  }
0x48c: {  	s16 =	simm.s32 $0xB400  }
0x48d: {  	[tilespmem:s16], [sflag:$0x2] =	stream.indirect_vreg.gather [hbm4b:s2+s5], $0x80, v3, vm0, $0xb8;
	[tilespmem:$0x1E600] =	vst v63  }
0x48e: {  	s19 =	simm.s32 $0xBC00  }
0x48f: {  	[tilespmem:s19], [sflag:$0x2] =	stream.indirect_vreg.gather [hbm4b:s8+s5], $0x80, v3, vm1, $0xb8;
	[tilespmem:$0x1E600] =	vst v63  }
0x490: {  	_ =	swait.ge [sflag:s21], $0x6000  }
0x491: {  	[sflag:s21] =	ssyncset.done $0x0  }
0x492: {  	s0 =	simm.s32 $0xC000;
	s20 =	rddreg [dreg:$0x14];
	[sflag:s21] =	ssyncadd.s32 $0xFFFFA000  }
0x493: {  	[hbm4b:s20+s13] =	stream.strided.scatter [tilespmem:s0], [sflag:$0x8], $0x6000, s17, s13, $0x38;
	[tilespmem:$0x1E600] =	vst v63  }
0x494: {  	_ =	swait.ge [sflag:s22], $0x6000  }
0x495: {  	[sflag:s22] =	ssyncset.done $0x0  }
0x496: {  	[sflag:s22] =	ssyncadd.s32 $0xFFFFA000  }
0x497: {  	v3 =	vld [tilespmem:$0x1E400];
	_ =	sdelay $0x4  }
0x498: {  	v32 =	vshrl.u32 v3, $0x3  }
0x499: {  	v4 =	vmul.u32 $0x18, v32  }
0x49a: {  	v3 =	vand.u32 $0x7, v3  }
0x49b: {  	v3 =	vor.u32 v3, v4  }
0x49c: {  	v4 =	vperm.xlane v3, v0;
	_ =	sdelay $0x1  }
0x49d: {  	v4 =	vadd.s32 v1, v4;
	_ =	sdelay $0x1  }
0x49e: {  	v3 =	vperm.xlane v3, v2;
	_ =	sdelay $0x1  }
0x49f: {  	v3 =	vadd.s32 v1, v3  }
0x4a0: {  	[tilespmem:s0], [sflag:$0x3] =	stream.indirect_vreg.gather [hbm4b:s4+s5], $0x80, v4, vm0, $0xb8;
	[tilespmem:$0x1E600] =	vst v63  }
0x4a1: {  	s12 =	simm.s32 $0xC800  }
0x4a2: {  	[tilespmem:s12], [sflag:$0x3] =	stream.indirect_vreg.gather [hbm4b:s9+s5], $0x80, v4, vm1, $0xb8;
	[tilespmem:$0x1E600] =	vst v63  }
0x4a3: {  	s14 =	simm.s32 $0xCC00  }
0x4a4: {  	[tilespmem:s14], [sflag:$0x3] =	stream.indirect_vreg.gather [hbm4b:s4+s5], $0x80, v3, vm0, $0xb8;
	[tilespmem:$0x1E600] =	vst v63  }
0x4a5: {  	s16 =	simm.s32 $0xD400  }
0x4a6: {  	[tilespmem:s16], [sflag:$0x3] =	stream.indirect_vreg.gather [hbm4b:s9+s5], $0x80, v3, vm1, $0xb8;
	[tilespmem:$0x1E600] =	vst v63  }
0x4a7: {  	v3 =	vld [tilespmem:$0x1E410];
	_ =	sdelay $0x4  }
0x4a8: {  	v33 =	vshrl.u32 v3, $0x3  }
0x4a9: {  	v4 =	vmul.u32 $0x18, v33  }
0x4aa: {  	v3 =	vand.u32 $0x7, v3  }
0x4ab: {  	v3 =	vor.u32 v3, v4  }
0x4ac: {  	v4 =	vperm.xlane v3, v0;
	_ =	sdelay $0x1  }
0x4ad: {  	v4 =	vadd.s32 v1, v4;
	_ =	sdelay $0x1  }
0x4ae: {  	v3 =	vperm.xlane v3, v2;
	_ =	sdelay $0x1  }
0x4af: {  	s19 =	simm.s32 $0xD800;
	v3 =	vadd.s32 v1, v3  }
0x4b0: {  	[tilespmem:s19], [sflag:$0x3] =	stream.indirect_vreg.gather [hbm4b:s4+s5], $0x80, v4, vm0, $0xb8;
	[tilespmem:$0x1E600] =	vst v63  }
0x4b1: {  	s0 =	simm.s32 $0xE000  }
0x4b2: {  	[tilespmem:s0], [sflag:$0x3] =	stream.indirect_vreg.gather [hbm4b:s9+s5], $0x80, v4, vm1, $0xb8;
	[tilespmem:$0x1E600] =	vst v63  }
0x4b3: {  	s14 =	simm.s32 $0xE400  }
0x4b4: {  	[tilespmem:s14], [sflag:$0x3] =	stream.indirect_vreg.gather [hbm4b:s4+s5], $0x80, v3, vm0, $0xb8;
	[tilespmem:$0x1E600] =	vst v63  }
0x4b5: {  	s16 =	simm.s32 $0xEC00  }
0x4b6: {  	[tilespmem:s16], [sflag:$0x3] =	stream.indirect_vreg.gather [hbm4b:s9+s5], $0x80, v3, vm1, $0xb8;
	[tilespmem:$0x1E600] =	vst v63  }
0x4b7: {  	v3 =	vld [tilespmem:$0x1E420];
	_ =	sdelay $0x4  }
0x4b8: {  	v34 =	vshrl.u32 v3, $0x3  }
0x4b9: {  	v4 =	vmul.u32 $0x18, v34  }
0x4ba: {  	v3 =	vand.u32 $0x7, v3  }
0x4bb: {  	v3 =	vor.u32 v3, v4  }
0x4bc: {  	v4 =	vperm.xlane v3, v0;
	_ =	sdelay $0x1  }
0x4bd: {  	v4 =	vadd.s32 v1, v4;
	_ =	sdelay $0x1  }
0x4be: {  	v3 =	vperm.xlane v3, v2;
	_ =	sdelay $0x1  }
0x4bf: {  	s19 =	simm.s32 $0xF000;
	v3 =	vadd.s32 v1, v3  }
0x4c0: {  	[tilespmem:s19], [sflag:$0x3] =	stream.indirect_vreg.gather [hbm4b:s4+s5], $0x80, v4, vm0, $0xb8;
	[tilespmem:$0x1E600] =	vst v63  }
0x4c1: {  	s0 =	simm.s32 $0xF800  }
0x4c2: {  	[tilespmem:s0], [sflag:$0x3] =	stream.indirect_vreg.gather [hbm4b:s9+s5], $0x80, v4, vm1, $0xb8;
	[tilespmem:$0x1E600] =	vst v63  }
0x4c3: {  	s14 =	simm.s32 $0xFC00  }
0x4c4: {  	[tilespmem:s14], [sflag:$0x3] =	stream.indirect_vreg.gather [hbm4b:s4+s5], $0x80, v3, vm0, $0xb8;
	[tilespmem:$0x1E600] =	vst v63  }
0x4c5: {  	s16 =	simm.s32 $0x10400  }
0x4c6: {  	[tilespmem:s16], [sflag:$0x3] =	stream.indirect_vreg.gather [hbm4b:s9+s5], $0x80, v3, vm1, $0xb8;
	[tilespmem:$0x1E600] =	vst v63  }
0x4c7: {  	v3 =	vld [tilespmem:$0x1E430];
	_ =	sdelay $0x4  }
0x4c8: {  	v35 =	vshrl.u32 v3, $0x3  }
0x4c9: {  	v4 =	vmul.u32 $0x18, v35  }
0x4ca: {  	v3 =	vand.u32 $0x7, v3  }
0x4cb: {  	v3 =	vor.u32 v3, v4  }
0x4cc: {  	v4 =	vperm.xlane v3, v0;
	_ =	sdelay $0x1  }
0x4cd: {  	v4 =	vadd.s32 v1, v4;
	_ =	sdelay $0x1  }
0x4ce: {  	v3 =	vperm.xlane v3, v2;
	_ =	sdelay $0x1  }
0x4cf: {  	s19 =	simm.s32 $0x10800;
	v3 =	vadd.s32 v1, v3  }
0x4d0: {  	[tilespmem:s19], [sflag:$0x3] =	stream.indirect_vreg.gather [hbm4b:s4+s5], $0x80, v4, vm0, $0xb8;
	[tilespmem:$0x1E600] =	vst v63  }
0x4d1: {  	s0 =	simm.s32 $0x11000  }
0x4d2: {  	[tilespmem:s0], [sflag:$0x3] =	stream.indirect_vreg.gather [hbm4b:s9+s5], $0x80, v4, vm1, $0xb8;
	[tilespmem:$0x1E600] =	vst v63  }
0x4d3: {  	s14 =	simm.s32 $0x11400  }
0x4d4: {  	[tilespmem:s14], [sflag:$0x3] =	stream.indirect_vreg.gather [hbm4b:s4+s5], $0x80, v3, vm0, $0xb8;
	[tilespmem:$0x1E600] =	vst v63  }
0x4d5: {  	s16 =	simm.s32 $0x11C00  }
0x4d6: {  	[tilespmem:s16], [sflag:$0x3] =	stream.indirect_vreg.gather [hbm4b:s9+s5], $0x80, v3, vm1, $0xb8;
	[tilespmem:$0x1E600] =	vst v63  }
0x4d7: {  	_ =	swait.ge [sflag:s23], $0x6000  }
0x4d8: {  	[sflag:s23] =	ssyncset.done $0x0  }
0x4d9: {  	s0 =	simm.s32 $0x12000;
	s19 =	rddreg [dreg:$0x15];
	[sflag:s23] =	ssyncadd.s32 $0xFFFFA000  }
0x4da: {  	[hbm4b:s19+s13] =	stream.strided.scatter [tilespmem:s0], [sflag:$0x9], $0x6000, s17, s13, $0x38;
	[tilespmem:$0x1E600] =	vst v63  }
0x4db: {  	_ =	swait.ge [sflag:s24], $0x6000  }
0x4dc: {  	[sflag:s24] =	ssyncset.done $0x0  }
0x4dd: {  	[sflag:s24] =	ssyncadd.s32 $0xFFFFA000  }
0x4de: {  	v3 =	vld [tilespmem:$0x1E440];
	_ =	sdelay $0x4  }
0x4df: {  	v36 =	vshrl.u32 v3, $0x3  }
0x4e0: {  	v4 =	vmul.u32 $0x18, v36  }
0x4e1: {  	v3 =	vand.u32 $0x7, v3  }
0x4e2: {  	v3 =	vor.u32 v3, v4  }
0x4e3: {  	v4 =	vperm.xlane v3, v0;
	_ =	sdelay $0x1  }
0x4e4: {  	v4 =	vadd.s32 v1, v4;
	_ =	sdelay $0x1  }
0x4e5: {  	v3 =	vperm.xlane v3, v2;
	_ =	sdelay $0x1  }
0x4e6: {  	v3 =	vadd.s32 v1, v3  }
0x4e7: {  	[tilespmem:s0], [sflag:$0x4] =	stream.indirect_vreg.gather [hbm4b:s4+s5], $0x80, v4, vm0, $0xb8;
	[tilespmem:$0x1E600] =	vst v63  }
0x4e8: {  	s0 =	simm.s32 $0x12800  }
0x4e9: {  	[tilespmem:s0], [sflag:$0x4] =	stream.indirect_vreg.gather [hbm4b:s9+s5], $0x80, v4, vm1, $0xb8;
	[tilespmem:$0x1E600] =	vst v63  }
0x4ea: {  	s16 =	simm.s32 $0x12C00  }
0x4eb: {  	[tilespmem:s16], [sflag:$0x4] =	stream.indirect_vreg.gather [hbm4b:s4+s5], $0x80, v3, vm0, $0xb8;
	[tilespmem:$0x1E600] =	vst v63  }
0x4ec: {  	s14 =	simm.s32 $0x13400  }
0x4ed: {  	[tilespmem:s14], [sflag:$0x4] =	stream.indirect_vreg.gather [hbm4b:s9+s5], $0x80, v3, vm1, $0xb8;
	[tilespmem:$0x1E600] =	vst v63  }
0x4ee: {  	v3 =	vld [tilespmem:$0x1E450];
	_ =	sdelay $0x4  }
0x4ef: {  	v37 =	vshrl.u32 v3, $0x3  }
0x4f0: {  	v4 =	vmul.u32 $0x18, v37  }
0x4f1: {  	v3 =	vand.u32 $0x7, v3  }
0x4f2: {  	v3 =	vor.u32 v3, v4  }
0x4f3: {  	v4 =	vperm.xlane v3, v0;
	_ =	sdelay $0x1  }
0x4f4: {  	v4 =	vadd.s32 v1, v4;
	_ =	sdelay $0x1  }
0x4f5: {  	v3 =	vperm.xlane v3, v2;
	_ =	sdelay $0x1  }
0x4f6: {  	s14 =	simm.s32 $0x13800;
	v3 =	vadd.s32 v1, v3  }
0x4f7: {  	[tilespmem:s14], [sflag:$0x4] =	stream.indirect_vreg.gather [hbm4b:s4+s5], $0x80, v4, vm0, $0xb8;
	[tilespmem:$0x1E600] =	vst v63  }
0x4f8: {  	s12 =	simm.s32 $0x14000  }
0x4f9: {  	[tilespmem:s12], [sflag:$0x4] =	stream.indirect_vreg.gather [hbm4b:s9+s5], $0x80, v4, vm1, $0xb8;
	[tilespmem:$0x1E600] =	vst v63  }
0x4fa: {  	s12 =	simm.s32 $0x14400  }
0x4fb: {  	[tilespmem:s12], [sflag:$0x4] =	stream.indirect_vreg.gather [hbm4b:s4+s5], $0x80, v3, vm0, $0xb8;
	[tilespmem:$0x1E600] =	vst v63  }
0x4fc: {  	s12 =	simm.s32 $0x14C00  }
0x4fd: {  	[tilespmem:s12], [sflag:$0x4] =	stream.indirect_vreg.gather [hbm4b:s9+s5], $0x80, v3, vm1, $0xb8;
	[tilespmem:$0x1E600] =	vst v63  }
0x4fe: {  	v3 =	vld [tilespmem:$0x1E460];
	_ =	sdelay $0x4  }
0x4ff: {  	v38 =	vshrl.u32 v3, $0x3  }
0x500: {  	v4 =	vmul.u32 $0x18, v38  }
0x501: {  	v3 =	vand.u32 $0x7, v3  }
0x502: {  	v3 =	vor.u32 v3, v4  }
0x503: {  	v4 =	vperm.xlane v3, v0;
	_ =	sdelay $0x1  }
0x504: {  	v4 =	vadd.s32 v1, v4;
	_ =	sdelay $0x1  }
0x505: {  	v3 =	vperm.xlane v3, v2;
	_ =	sdelay $0x1  }
0x506: {  	s12 =	simm.s32 $0x15000;
	v3 =	vadd.s32 v1, v3  }
0x507: {  	[tilespmem:s12], [sflag:$0x4] =	stream.indirect_vreg.gather [hbm4b:s4+s5], $0x80, v4, vm0, $0xb8;
	[tilespmem:$0x1E600] =	vst v63  }
0x508: {  	s12 =	simm.s32 $0x15800  }
0x509: {  	[tilespmem:s12], [sflag:$0x4] =	stream.indirect_vreg.gather [hbm4b:s9+s5], $0x80, v4, vm1, $0xb8;
	[tilespmem:$0x1E600] =	vst v63  }
0x50a: {  	s12 =	simm.s32 $0x15C00  }
0x50b: {  	[tilespmem:s12], [sflag:$0x4] =	stream.indirect_vreg.gather [hbm4b:s4+s5], $0x80, v3, vm0, $0xb8;
	[tilespmem:$0x1E600] =	vst v63  }
0x50c: {  	s12 =	simm.s32 $0x16400  }
0x50d: {  	[tilespmem:s12], [sflag:$0x4] =	stream.indirect_vreg.gather [hbm4b:s9+s5], $0x80, v3, vm1, $0xb8;
	[tilespmem:$0x1E600] =	vst v63  }
0x50e: {  	v3 =	vld [tilespmem:$0x1E470];
	_ =	sdelay $0x4  }
0x50f: {  	v39 =	vshrl.u32 v3, $0x3  }
0x510: {  	v4 =	vmul.u32 $0x18, v39  }
0x511: {  	v3 =	vand.u32 $0x7, v3  }
0x512: {  	v3 =	vor.u32 v3, v4  }
0x513: {  	v4 =	vperm.xlane v3, v0;
	_ =	sdelay $0x1  }
0x514: {  	v4 =	vadd.s32 v1, v4;
	_ =	sdelay $0x1  }
0x515: {  	v3 =	vperm.xlane v3, v2;
	_ =	sdelay $0x1  }
0x516: {  	s12 =	simm.s32 $0x16800;
	v3 =	vadd.s32 v1, v3  }
0x517: {  	[tilespmem:s12], [sflag:$0x4] =	stream.indirect_vreg.gather [hbm4b:s4+s5], $0x80, v4, vm0, $0xb8;
	[tilespmem:$0x1E600] =	vst v63  }
0x518: {  	s12 =	simm.s32 $0x17000  }
0x519: {  	[tilespmem:s12], [sflag:$0x4] =	stream.indirect_vreg.gather [hbm4b:s9+s5], $0x80, v4, vm1, $0xb8;
	[tilespmem:$0x1E600] =	vst v63  }
0x51a: {  	s12 =	simm.s32 $0x17400  }
0x51b: {  	[tilespmem:s12], [sflag:$0x4] =	stream.indirect_vreg.gather [hbm4b:s4+s5], $0x80, v3, vm0, $0xb8;
	[tilespmem:$0x1E600] =	vst v63  }
0x51c: {  	s12 =	simm.s32 $0x17C00  }
0x51d: {  	[tilespmem:s12], [sflag:$0x4] =	stream.indirect_vreg.gather [hbm4b:s9+s5], $0x80, v3, vm1, $0xb8;
	[tilespmem:$0x1E600] =	vst v63  }
0x51e: {  	_ =	swait.ge [sflag:s25], $0x6000  }
0x51f: {  	[sflag:s25] =	ssyncset.done $0x0  }
0x520: {  	s28 =	simm.s32 $0x18000;
	s12 =	rddreg [dreg:$0x16];
	[sflag:s25] =	ssyncadd.s32 $0xFFFFA000  }
0x521: {  	[hbm4b:s12+s13] =	stream.strided.scatter [tilespmem:s28], [sflag:$0xA], $0x6000, s17, s13, $0x38;
	[tilespmem:$0x1E600] =	vst v63  }
0x522: {  	_ =	swait.ge [sflag:s26], $0x6000  }
0x523: {  	[sflag:s26] =	ssyncset.done $0x0  }
0x524: {  	[sflag:s26] =	ssyncadd.s32 $0xFFFFA000  }
0x525: {  	v3 =	vld [tilespmem:$0x1E480];
	_ =	sdelay $0x4  }
0x526: {  	v40 =	vshrl.u32 v3, $0x3  }
0x527: {  	v4 =	vmul.u32 $0x18, v40  }
0x528: {  	v3 =	vand.u32 $0x7, v3  }
0x529: {  	v3 =	vor.u32 v3, v4  }
0x52a: {  	v4 =	vperm.xlane v3, v0;
	_ =	sdelay $0x1  }
0x52b: {  	v4 =	vadd.s32 v1, v4;
	_ =	sdelay $0x1  }
0x52c: {  	v3 =	vperm.xlane v3, v2;
	_ =	sdelay $0x1  }
0x52d: {  	v3 =	vadd.s32 v1, v3  }
0x52e: {  	[tilespmem:s28], [sflag:$0x5] =	stream.indirect_vreg.gather [hbm4b:s4+s5], $0x80, v4, vm0, $0xb8;
	[tilespmem:$0x1E600] =	vst v63  }
0x52f: {  	s12 =	simm.s32 $0x18800  }
0x530: {  	[tilespmem:s12], [sflag:$0x5] =	stream.indirect_vreg.gather [hbm4b:s9+s5], $0x80, v4, vm1, $0xb8;
	[tilespmem:$0x1E600] =	vst v63  }
0x531: {  	s12 =	simm.s32 $0x18C00  }
0x532: {  	[tilespmem:s12], [sflag:$0x5] =	stream.indirect_vreg.gather [hbm4b:s4+s5], $0x80, v3, vm0, $0xb8;
	[tilespmem:$0x1E600] =	vst v63  }
0x533: {  	s12 =	simm.s32 $0x19400  }
0x534: {  	[tilespmem:s12], [sflag:$0x5] =	stream.indirect_vreg.gather [hbm4b:s9+s5], $0x80, v3, vm1, $0xb8;
	[tilespmem:$0x1E600] =	vst v63  }
0x535: {  	v3 =	vld [tilespmem:$0x1E490];
	_ =	sdelay $0x4  }
0x536: {  	v41 =	vshrl.u32 v3, $0x3  }
0x537: {  	v4 =	vmul.u32 $0x18, v41  }
0x538: {  	v3 =	vand.u32 $0x7, v3  }
0x539: {  	v3 =	vor.u32 v3, v4  }
0x53a: {  	v4 =	vperm.xlane v3, v0;
	_ =	sdelay $0x1  }
0x53b: {  	v4 =	vadd.s32 v1, v4;
	_ =	sdelay $0x1  }
0x53c: {  	v3 =	vperm.xlane v3, v2;
	_ =	sdelay $0x1  }
0x53d: {  	s12 =	simm.s32 $0x19800;
	v3 =	vadd.s32 v1, v3  }
0x53e: {  	[tilespmem:s12], [sflag:$0x5] =	stream.indirect_vreg.gather [hbm4b:s4+s5], $0x80, v4, vm0, $0xb8;
	[tilespmem:$0x1E600] =	vst v63  }
0x53f: {  	s12 =	simm.s32 $0x1A000  }
0x540: {  	[tilespmem:s12], [sflag:$0x5] =	stream.indirect_vreg.gather [hbm4b:s9+s5], $0x80, v4, vm1, $0xb8;
	[tilespmem:$0x1E600] =	vst v63  }
0x541: {  	s12 =	simm.s32 $0x1A400  }
0x542: {  	[tilespmem:s12], [sflag:$0x5] =	stream.indirect_vreg.gather [hbm4b:s4+s5], $0x80, v3, vm0, $0xb8;
	[tilespmem:$0x1E600] =	vst v63  }
0x543: {  	s12 =	simm.s32 $0x1AC00  }
0x544: {  	[tilespmem:s12], [sflag:$0x5] =	stream.indirect_vreg.gather [hbm4b:s9+s5], $0x80, v3, vm1, $0xb8;
	[tilespmem:$0x1E600] =	vst v63  }
0x545: {  	v3 =	vld [tilespmem:$0x1E4A0];
	_ =	sdelay $0x4  }
0x546: {  	v42 =	vshrl.u32 v3, $0x3  }
0x547: {  	v4 =	vmul.u32 $0x18, v42  }
0x548: {  	v3 =	vand.u32 $0x7, v3  }
0x549: {  	v3 =	vor.u32 v3, v4  }
0x54a: {  	v4 =	vperm.xlane v3, v0;
	_ =	sdelay $0x1  }
0x54b: {  	v4 =	vadd.s32 v1, v4;
	_ =	sdelay $0x1  }
0x54c: {  	v3 =	vperm.xlane v3, v2;
	_ =	sdelay $0x1  }
0x54d: {  	s12 =	simm.s32 $0x1B000;
	v3 =	vadd.s32 v1, v3  }
0x54e: {  	[tilespmem:s12], [sflag:$0x5] =	stream.indirect_vreg.gather [hbm4b:s4+s5], $0x80, v4, vm0, $0xb8;
	[tilespmem:$0x1E600] =	vst v63  }
0x54f: {  	s12 =	simm.s32 $0x1B800  }
0x550: {  	[tilespmem:s12], [sflag:$0x5] =	stream.indirect_vreg.gather [hbm4b:s9+s5], $0x80, v4, vm1, $0xb8;
	[tilespmem:$0x1E600] =	vst v63  }
0x551: {  	s12 =	simm.s32 $0x1BC00  }
0x552: {  	[tilespmem:s12], [sflag:$0x5] =	stream.indirect_vreg.gather [hbm4b:s4+s5], $0x80, v3, vm0, $0xb8;
	[tilespmem:$0x1E600] =	vst v63  }
0x553: {  	s12 =	simm.s32 $0x1C400  }
0x554: {  	[tilespmem:s12], [sflag:$0x5] =	stream.indirect_vreg.gather [hbm4b:s9+s5], $0x80, v3, vm1, $0xb8;
	[tilespmem:$0x1E600] =	vst v63  }
0x555: {  	v3 =	vld [tilespmem:$0x1E4B0];
	_ =	sdelay $0x4  }
0x556: {  	v43 =	vshrl.u32 v3, $0x3  }
0x557: {  	v4 =	vmul.u32 $0x18, v43  }
0x558: {  	v3 =	vand.u32 $0x7, v3  }
0x559: {  	v3 =	vor.u32 v3, v4  }
0x55a: {  	v4 =	vperm.xlane v3, v0;
	_ =	sdelay $0x1  }
0x55b: {  	v4 =	vadd.s32 v1, v4;
	_ =	sdelay $0x1  }
0x55c: {  	v3 =	vperm.xlane v3, v2;
	_ =	sdelay $0x1  }
0x55d: {  	s12 =	simm.s32 $0x1C800;
	v3 =	vadd.s32 v1, v3  }
0x55e: {  	[tilespmem:s12], [sflag:$0x5] =	stream.indirect_vreg.gather [hbm4b:s4+s5], $0x80, v4, vm0, $0xb8;
	[tilespmem:$0x1E600] =	vst v63  }
0x55f: {  	s12 =	simm.s32 $0x1D000  }
0x560: {  	[tilespmem:s12], [sflag:$0x5] =	stream.indirect_vreg.gather [hbm4b:s9+s5], $0x80, v4, vm1, $0xb8;
	[tilespmem:$0x1E600] =	vst v63  }
0x561: {  	s12 =	simm.s32 $0x1D400  }
0x562: {  	[tilespmem:s12], [sflag:$0x5] =	stream.indirect_vreg.gather [hbm4b:s4+s5], $0x80, v3, vm0, $0xb8;
	[tilespmem:$0x1E600] =	vst v63  }
0x563: {  	s31 =	simm.s32 $0x1DC00  }
0x564: {  	[tilespmem:s31], [sflag:$0x5] =	stream.indirect_vreg.gather [hbm4b:s9+s5], $0x80, v3, vm1, $0xb8;
	[tilespmem:$0x1E600] =	vst v63  }
0x565: {  	_ =	swait.ge [sflag:s30], $0x6000  }
0x566: {  	[sflag:s30] =	ssyncset.done $0x0  }
0x567: {  	s31 =	rddreg [dreg:$0x17];
	[sflag:s30] =	ssyncadd.s32 $0xFFFFA000  }
0x568: {  	[hbm4b:s31+s13] =	stream.strided.scatter [tilespmem:s5], [sflag:$0x6], $0x6000, s17, s13, $0x38;
	[tilespmem:$0x1E600] =	vst v63  }
0x569: {  	_ =	swait.ge [sflag:s3], $0x6000  }
0x56a: {  	[sflag:s3] =	ssyncset.done $0x0  }
0x56b: {  	[sflag:s3] =	ssyncadd.s32 $0xFFFFA000  }
0x56c: {  	v3 =	vld [tilespmem:$0x1E4C0];
	_ =	sdelay $0x4  }
0x56d: {  	v44 =	vshrl.u32 v3, $0x3  }
0x56e: {  	v4 =	vmul.u32 $0x18, v44  }
0x56f: {  	v3 =	vand.u32 $0x7, v3  }
0x570: {  	v3 =	vor.u32 v3, v4  }
0x571: {  	v4 =	vperm.xlane v3, v0;
	_ =	sdelay $0x1  }
0x572: {  	v4 =	vadd.s32 v1, v4;
	_ =	sdelay $0x1  }
0x573: {  	v3 =	vperm.xlane v3, v2;
	_ =	sdelay $0x1  }
0x574: {  	v3 =	vadd.s32 v1, v3  }
0x575: {  	[tilespmem:s5], [sflag:$0x1] =	stream.indirect_vreg.gather [hbm4b:s4+s5], $0x80, v4, vm0, $0xb8;
	[tilespmem:$0x1E600] =	vst v63  }
0x576: {  	s31 =	simm.s32 $0x800  }
0x577: {  	[tilespmem:s31], [sflag:$0x1] =	stream.indirect_vreg.gather [hbm4b:s9+s5], $0x80, v4, vm1, $0xb8;
	[tilespmem:$0x1E600] =	vst v63  }
0x578: {  	_ = 	snop  }
0x579: {  	[tilespmem:s13], [sflag:$0x1] =	stream.indirect_vreg.gather [hbm4b:s4+s5], $0x80, v3, vm0, $0xb8;
	[tilespmem:$0x1E600] =	vst v63  }
0x57a: {  	s31 =	simm.s32 $0x1400  }
0x57b: {  	[tilespmem:s31], [sflag:$0x1] =	stream.indirect_vreg.gather [hbm4b:s9+s5], $0x80, v3, vm1, $0xb8;
	[tilespmem:$0x1E600] =	vst v63  }
0x57c: {  	v3 =	vld [tilespmem:$0x1E4D0];
	_ =	sdelay $0x4  }
0x57d: {  	v45 =	vshrl.u32 v3, $0x3  }
0x57e: {  	v4 =	vmul.u32 $0x18, v45  }
0x57f: {  	v3 =	vand.u32 $0x7, v3  }
0x580: {  	v3 =	vor.u32 v3, v4  }
0x581: {  	v4 =	vperm.xlane v3, v0;
	_ =	sdelay $0x1  }
0x582: {  	v4 =	vadd.s32 v1, v4;
	_ =	sdelay $0x1  }
0x583: {  	v3 =	vperm.xlane v3, v2;
	_ =	sdelay $0x1  }
0x584: {  	s31 =	simm.s32 $0x1800;
	v3 =	vadd.s32 v1, v3  }
0x585: {  	[tilespmem:s31], [sflag:$0x1] =	stream.indirect_vreg.gather [hbm4b:s4+s5], $0x80, v4, vm0, $0xb8;
	[tilespmem:$0x1E600] =	vst v63  }
0x586: {  	s12 =	simm.s32 $0x2000  }
0x587: {  	[tilespmem:s12], [sflag:$0x1] =	stream.indirect_vreg.gather [hbm4b:s9+s5], $0x80, v4, vm1, $0xb8;
	[tilespmem:$0x1E600] =	vst v63  }
0x588: {  	_ = 	snop  }
0x589: {  	[tilespmem:s17], [sflag:$0x1] =	stream.indirect_vreg.gather [hbm4b:s4+s5], $0x80, v3, vm0, $0xb8;
	[tilespmem:$0x1E600] =	vst v63  }
0x58a: {  	_ = 	snop  }
0x58b: {  	[tilespmem:s11], [sflag:$0x1] =	stream.indirect_vreg.gather [hbm4b:s9+s5], $0x80, v3, vm1, $0xb8;
	[tilespmem:$0x1E600] =	vst v63  }
0x58c: {  	v3 =	vld [tilespmem:$0x1E4E0];
	_ =	sdelay $0x4  }
0x58d: {  	v46 =	vshrl.u32 v3, $0x3  }
0x58e: {  	v4 =	vmul.u32 $0x18, v46  }
0x58f: {  	v3 =	vand.u32 $0x7, v3  }
0x590: {  	v3 =	vor.u32 v3, v4  }
0x591: {  	v4 =	vperm.xlane v3, v0;
	_ =	sdelay $0x1  }
0x592: {  	v4 =	vadd.s32 v1, v4;
	_ =	sdelay $0x1  }
0x593: {  	v3 =	vperm.xlane v3, v2;
	_ =	sdelay $0x1  }
0x594: {  	v3 =	vadd.s32 v1, v3  }
0x595: {  	[tilespmem:s18], [sflag:$0x1] =	stream.indirect_vreg.gather [hbm4b:s4+s5], $0x80, v4, vm0, $0xb8;
	[tilespmem:$0x1E600] =	vst v63  }
0x596: {  	_ = 	snop  }
0x597: {  	[tilespmem:s10], [sflag:$0x1] =	stream.indirect_vreg.gather [hbm4b:s9+s5], $0x80, v4, vm1, $0xb8;
	[tilespmem:$0x1E600] =	vst v63  }
0x598: {  	s12 =	simm.s32 $0x3C00  }
0x599: {  	[tilespmem:s12], [sflag:$0x1] =	stream.indirect_vreg.gather [hbm4b:s4+s5], $0x80, v3, vm0, $0xb8;
	[tilespmem:$0x1E600] =	vst v63  }
0x59a: {  	s18 =	simm.s32 $0x4400  }
0x59b: {  	[tilespmem:s18], [sflag:$0x1] =	stream.indirect_vreg.gather [hbm4b:s9+s5], $0x80, v3, vm1, $0xb8;
	[tilespmem:$0x1E600] =	vst v63  }
0x59c: {  	v3 =	vld [tilespmem:$0x1E4F0];
	_ =	sdelay $0x4  }
0x59d: {  	v47 =	vshrl.u32 v3, $0x3  }
0x59e: {  	v4 =	vmul.u32 $0x18, v47  }
0x59f: {  	v3 =	vand.u32 $0x7, v3  }
0x5a0: {  	v3 =	vor.u32 v3, v4  }
0x5a1: {  	v4 =	vperm.xlane v3, v0;
	_ =	sdelay $0x1  }
0x5a2: {  	v4 =	vadd.s32 v1, v4;
	_ =	sdelay $0x1  }
0x5a3: {  	v3 =	vperm.xlane v3, v2;
	_ =	sdelay $0x1  }
0x5a4: {  	s12 =	simm.s32 $0x4800;
	v3 =	vadd.s32 v1, v3  }
0x5a5: {  	[tilespmem:s12], [sflag:$0x1] =	stream.indirect_vreg.gather [hbm4b:s4+s5], $0x80, v4, vm0, $0xb8;
	[tilespmem:$0x1E600] =	vst v63  }
0x5a6: {  	s18 =	simm.s32 $0x5000  }
0x5a7: {  	[tilespmem:s18], [sflag:$0x1] =	stream.indirect_vreg.gather [hbm4b:s9+s5], $0x80, v4, vm1, $0xb8;
	[tilespmem:$0x1E600] =	vst v63  }
0x5a8: {  	s12 =	simm.s32 $0x5400  }
0x5a9: {  	[tilespmem:s12], [sflag:$0x1] =	stream.indirect_vreg.gather [hbm4b:s4+s5], $0x80, v3, vm0, $0xb8;
	[tilespmem:$0x1E600] =	vst v63  }
0x5aa: {  	s18 =	simm.s32 $0x5C00  }
0x5ab: {  	[tilespmem:s18], [sflag:$0x1] =	stream.indirect_vreg.gather [hbm4b:s9+s5], $0x80, v3, vm1, $0xb8;
	[tilespmem:$0x1E600] =	vst v63  }
0x5ac: {  	_ =	swait.ge [sflag:s15], $0x6000  }
0x5ad: {  	[sflag:s15] =	ssyncset.done $0x0  }
0x5ae: {  	s29 =	simm.s32 $0x6000;
	s10 =	rddreg [dreg:$0x18];
	[sflag:s15] =	ssyncadd.s32 $0xFFFFA000  }
0x5af: {  	[hbm4b:s10+s13] =	stream.strided.scatter [tilespmem:s29], [sflag:$0x7], $0x6000, s17, s13, $0x38;
	[tilespmem:$0x1E600] =	vst v63  }
0x5b0: {  	_ =	swait.ge [sflag:s6], $0x6000  }
0x5b1: {  	[sflag:s6] =	ssyncset.done $0x0  }
0x5b2: {  	[sflag:s6] =	ssyncadd.s32 $0xFFFFA000  }
0x5b3: {  	v3 =	vld [tilespmem:$0x1E500];
	_ =	sdelay $0x4  }
0x5b4: {  	v48 =	vshrl.u32 v3, $0x3  }
0x5b5: {  	v4 =	vmul.u32 $0x18, v48  }
0x5b6: {  	v3 =	vand.u32 $0x7, v3  }
0x5b7: {  	v3 =	vor.u32 v3, v4  }
0x5b8: {  	v4 =	vperm.xlane v3, v0;
	_ =	sdelay $0x1  }
0x5b9: {  	v4 =	vadd.s32 v1, v4;
	_ =	sdelay $0x1  }
0x5ba: {  	v3 =	vperm.xlane v3, v2;
	_ =	sdelay $0x1  }
0x5bb: {  	v3 =	vadd.s32 v1, v3  }
0x5bc: {  	[tilespmem:s29], [sflag:$0x2] =	stream.indirect_vreg.gather [hbm4b:s4+s5], $0x80, v4, vm0, $0xb8;
	[tilespmem:$0x1E600] =	vst v63  }
0x5bd: {  	s18 =	simm.s32 $0x6800  }
0x5be: {  	[tilespmem:s18], [sflag:$0x2] =	stream.indirect_vreg.gather [hbm4b:s9+s5], $0x80, v4, vm1, $0xb8;
	[tilespmem:$0x1E600] =	vst v63  }
0x5bf: {  	s12 =	simm.s32 $0x6C00  }
0x5c0: {  	[tilespmem:s12], [sflag:$0x2] =	stream.indirect_vreg.gather [hbm4b:s4+s5], $0x80, v3, vm0, $0xb8;
	[tilespmem:$0x1E600] =	vst v63  }
0x5c1: {  	s18 =	simm.s32 $0x7400  }
0x5c2: {  	[tilespmem:s18], [sflag:$0x2] =	stream.indirect_vreg.gather [hbm4b:s9+s5], $0x80, v3, vm1, $0xb8;
	[tilespmem:$0x1E600] =	vst v63  }
0x5c3: {  	v3 =	vld [tilespmem:$0x1E510];
	_ =	sdelay $0x4  }
0x5c4: {  	v49 =	vshrl.u32 v3, $0x3  }
0x5c5: {  	v4 =	vmul.u32 $0x18, v49  }
0x5c6: {  	v3 =	vand.u32 $0x7, v3  }
0x5c7: {  	v3 =	vor.u32 v3, v4  }
0x5c8: {  	v4 =	vperm.xlane v3, v0;
	_ =	sdelay $0x1  }
0x5c9: {  	v4 =	vadd.s32 v1, v4;
	_ =	sdelay $0x1  }
0x5ca: {  	v3 =	vperm.xlane v3, v2;
	_ =	sdelay $0x1  }
0x5cb: {  	s12 =	simm.s32 $0x7800;
	v3 =	vadd.s32 v1, v3  }
0x5cc: {  	[tilespmem:s12], [sflag:$0x2] =	stream.indirect_vreg.gather [hbm4b:s4+s5], $0x80, v4, vm0, $0xb8;
	[tilespmem:$0x1E600] =	vst v63  }
0x5cd: {  	s18 =	simm.s32 $0x8000  }
0x5ce: {  	[tilespmem:s18], [sflag:$0x2] =	stream.indirect_vreg.gather [hbm4b:s9+s5], $0x80, v4, vm1, $0xb8;
	[tilespmem:$0x1E600] =	vst v63  }
0x5cf: {  	s12 =	simm.s32 $0x8400  }
0x5d0: {  	[tilespmem:s12], [sflag:$0x2] =	stream.indirect_vreg.gather [hbm4b:s4+s5], $0x80, v3, vm0, $0xb8;
	[tilespmem:$0x1E600] =	vst v63  }
0x5d1: {  	s18 =	simm.s32 $0x8C00  }
0x5d2: {  	[tilespmem:s18], [sflag:$0x2] =	stream.indirect_vreg.gather [hbm4b:s9+s5], $0x80, v3, vm1, $0xb8;
	[tilespmem:$0x1E600] =	vst v63  }
0x5d3: {  	v3 =	vld [tilespmem:$0x1E520];
	_ =	sdelay $0x4  }
0x5d4: {  	v50 =	vshrl.u32 v3, $0x3  }
0x5d5: {  	v4 =	vmul.u32 $0x18, v50  }
0x5d6: {  	v3 =	vand.u32 $0x7, v3  }
0x5d7: {  	v3 =	vor.u32 v3, v4  }
0x5d8: {  	v4 =	vperm.xlane v3, v0;
	_ =	sdelay $0x1  }
0x5d9: {  	v4 =	vadd.s32 v1, v4;
	_ =	sdelay $0x1  }
0x5da: {  	v3 =	vperm.xlane v3, v2;
	_ =	sdelay $0x1  }
0x5db: {  	s12 =	simm.s32 $0x9000;
	v3 =	vadd.s32 v1, v3  }
0x5dc: {  	[tilespmem:s12], [sflag:$0x2] =	stream.indirect_vreg.gather [hbm4b:s4+s5], $0x80, v4, vm0, $0xb8;
	[tilespmem:$0x1E600] =	vst v63  }
0x5dd: {  	s18 =	simm.s32 $0x9800  }
0x5de: {  	[tilespmem:s18], [sflag:$0x2] =	stream.indirect_vreg.gather [hbm4b:s9+s5], $0x80, v4, vm1, $0xb8;
	[tilespmem:$0x1E600] =	vst v63  }
0x5df: {  	s12 =	simm.s32 $0x9C00  }
0x5e0: {  	[tilespmem:s12], [sflag:$0x2] =	stream.indirect_vreg.gather [hbm4b:s4+s5], $0x80, v3, vm0, $0xb8;
	[tilespmem:$0x1E600] =	vst v63  }
0x5e1: {  	s18 =	simm.s32 $0xA400  }
0x5e2: {  	[tilespmem:s18], [sflag:$0x2] =	stream.indirect_vreg.gather [hbm4b:s9+s5], $0x80, v3, vm1, $0xb8;
	[tilespmem:$0x1E600] =	vst v63  }
0x5e3: {  	v3 =	vld [tilespmem:$0x1E530];
	_ =	sdelay $0x4  }
0x5e4: {  	v51 =	vshrl.u32 v3, $0x3  }
0x5e5: {  	v4 =	vmul.u32 $0x18, v51  }
0x5e6: {  	v3 =	vand.u32 $0x7, v3  }
0x5e7: {  	v3 =	vor.u32 v3, v4  }
0x5e8: {  	v4 =	vperm.xlane v3, v0;
	_ =	sdelay $0x1  }
0x5e9: {  	v4 =	vadd.s32 v1, v4;
	_ =	sdelay $0x1  }
0x5ea: {  	v3 =	vperm.xlane v3, v2;
	_ =	sdelay $0x1  }
0x5eb: {  	s12 =	simm.s32 $0xA800;
	v3 =	vadd.s32 v1, v3  }
0x5ec: {  	[tilespmem:s12], [sflag:$0x2] =	stream.indirect_vreg.gather [hbm4b:s4+s5], $0x80, v4, vm0, $0xb8;
	[tilespmem:$0x1E600] =	vst v63  }
0x5ed: {  	s18 =	simm.s32 $0xB000  }
0x5ee: {  	[tilespmem:s18], [sflag:$0x2] =	stream.indirect_vreg.gather [hbm4b:s9+s5], $0x80, v4, vm1, $0xb8;
	[tilespmem:$0x1E600] =	vst v63  }
0x5ef: {  	s12 =	simm.s32 $0xB400  }
0x5f0: {  	[tilespmem:s12], [sflag:$0x2] =	stream.indirect_vreg.gather [hbm4b:s4+s5], $0x80, v3, vm0, $0xb8;
	[tilespmem:$0x1E600] =	vst v63  }
0x5f1: {  	s18 =	simm.s32 $0xBC00  }
0x5f2: {  	[tilespmem:s18], [sflag:$0x2] =	stream.indirect_vreg.gather [hbm4b:s9+s5], $0x80, v3, vm1, $0xb8;
	[tilespmem:$0x1E600] =	vst v63  }
0x5f3: {  	_ =	swait.ge [sflag:s21], $0x6000  }
0x5f4: {  	[sflag:s21] =	ssyncset.done $0x0  }
0x5f5: {  	s20 =	simm.s32 $0xC000;
	s10 =	rddreg [dreg:$0x19];
	[sflag:s21] =	ssyncadd.s32 $0xFFFFA000  }
0x5f6: {  	[hbm4b:s10+s13] =	stream.strided.scatter [tilespmem:s20], [sflag:$0x8], $0x6000, s17, s13, $0x38;
	[tilespmem:$0x1E600] =	vst v63  }
0x5f7: {  	_ =	swait.ge [sflag:s22], $0x6000  }
0x5f8: {  	[sflag:s22] =	ssyncset.done $0x0  }
0x5f9: {  	[sflag:s22] =	ssyncadd.s32 $0xFFFFA000  }
0x5fa: {  	v3 =	vld [tilespmem:$0x1E540];
	_ =	sdelay $0x4  }
0x5fb: {  	v52 =	vshrl.u32 v3, $0x3  }
0x5fc: {  	v4 =	vmul.u32 $0x18, v52  }
0x5fd: {  	v3 =	vand.u32 $0x7, v3  }
0x5fe: {  	v3 =	vor.u32 v3, v4  }
0x5ff: {  	v4 =	vperm.xlane v3, v0;
	_ =	sdelay $0x1  }
0x600: {  	v4 =	vadd.s32 v1, v4;
	_ =	sdelay $0x1  }
0x601: {  	v3 =	vperm.xlane v3, v2;
	_ =	sdelay $0x1  }
0x602: {  	v3 =	vadd.s32 v1, v3  }
0x603: {  	[tilespmem:s20], [sflag:$0x3] =	stream.indirect_vreg.gather [hbm4b:s4+s5], $0x80, v4, vm0, $0xb8;
	[tilespmem:$0x1E600] =	vst v63  }
0x604: {  	s18 =	simm.s32 $0xC800  }
0x605: {  	[tilespmem:s18], [sflag:$0x3] =	stream.indirect_vreg.gather [hbm4b:s9+s5], $0x80, v4, vm1, $0xb8;
	[tilespmem:$0x1E600] =	vst v63  }
0x606: {  	s12 =	simm.s32 $0xCC00  }
0x607: {  	[tilespmem:s12], [sflag:$0x3] =	stream.indirect_vreg.gather [hbm4b:s4+s5], $0x80, v3, vm0, $0xb8;
	[tilespmem:$0x1E600] =	vst v63  }
0x608: {  	s18 =	simm.s32 $0xD400  }
0x609: {  	[tilespmem:s18], [sflag:$0x3] =	stream.indirect_vreg.gather [hbm4b:s9+s5], $0x80, v3, vm1, $0xb8;
	[tilespmem:$0x1E600] =	vst v63  }
0x60a: {  	v3 =	vld [tilespmem:$0x1E550];
	_ =	sdelay $0x4  }
0x60b: {  	v53 =	vshrl.u32 v3, $0x3  }
0x60c: {  	v4 =	vmul.u32 $0x18, v53  }
0x60d: {  	v3 =	vand.u32 $0x7, v3  }
0x60e: {  	v3 =	vor.u32 v3, v4  }
0x60f: {  	v4 =	vperm.xlane v3, v0;
	_ =	sdelay $0x1  }
0x610: {  	v4 =	vadd.s32 v1, v4;
	_ =	sdelay $0x1  }
0x611: {  	v3 =	vperm.xlane v3, v2;
	_ =	sdelay $0x1  }
0x612: {  	s12 =	simm.s32 $0xD800;
	v3 =	vadd.s32 v1, v3  }
0x613: {  	[tilespmem:s12], [sflag:$0x3] =	stream.indirect_vreg.gather [hbm4b:s4+s5], $0x80, v4, vm0, $0xb8;
	[tilespmem:$0x1E600] =	vst v63  }
0x614: {  	s18 =	simm.s32 $0xE000  }
0x615: {  	[tilespmem:s18], [sflag:$0x3] =	stream.indirect_vreg.gather [hbm4b:s9+s5], $0x80, v4, vm1, $0xb8;
	[tilespmem:$0x1E600] =	vst v63  }
0x616: {  	s12 =	simm.s32 $0xE400  }
0x617: {  	[tilespmem:s12], [sflag:$0x3] =	stream.indirect_vreg.gather [hbm4b:s4+s5], $0x80, v3, vm0, $0xb8;
	[tilespmem:$0x1E600] =	vst v63  }
0x618: {  	s18 =	simm.s32 $0xEC00  }
0x619: {  	[tilespmem:s18], [sflag:$0x3] =	stream.indirect_vreg.gather [hbm4b:s9+s5], $0x80, v3, vm1, $0xb8;
	[tilespmem:$0x1E600] =	vst v63  }
0x61a: {  	v3 =	vld [tilespmem:$0x1E560];
	_ =	sdelay $0x4  }
0x61b: {  	v54 =	vshrl.u32 v3, $0x3  }
0x61c: {  	v4 =	vmul.u32 $0x18, v54  }
0x61d: {  	v3 =	vand.u32 $0x7, v3  }
0x61e: {  	v3 =	vor.u32 v3, v4  }
0x61f: {  	v4 =	vperm.xlane v3, v0;
	_ =	sdelay $0x1  }
0x620: {  	v4 =	vadd.s32 v1, v4;
	_ =	sdelay $0x1  }
0x621: {  	v3 =	vperm.xlane v3, v2;
	_ =	sdelay $0x1  }
0x622: {  	s12 =	simm.s32 $0xF000;
	v3 =	vadd.s32 v1, v3  }
0x623: {  	[tilespmem:s12], [sflag:$0x3] =	stream.indirect_vreg.gather [hbm4b:s4+s5], $0x80, v4, vm0, $0xb8;
	[tilespmem:$0x1E600] =	vst v63  }
0x624: {  	s18 =	simm.s32 $0xF800  }
0x625: {  	[tilespmem:s18], [sflag:$0x3] =	stream.indirect_vreg.gather [hbm4b:s9+s5], $0x80, v4, vm1, $0xb8;
	[tilespmem:$0x1E600] =	vst v63  }
0x626: {  	s12 =	simm.s32 $0xFC00  }
0x627: {  	[tilespmem:s12], [sflag:$0x3] =	stream.indirect_vreg.gather [hbm4b:s4+s5], $0x80, v3, vm0, $0xb8;
	[tilespmem:$0x1E600] =	vst v63  }
0x628: {  	s18 =	simm.s32 $0x10400  }
0x629: {  	[tilespmem:s18], [sflag:$0x3] =	stream.indirect_vreg.gather [hbm4b:s9+s5], $0x80, v3, vm1, $0xb8;
	[tilespmem:$0x1E600] =	vst v63  }
0x62a: {  	v3 =	vld [tilespmem:$0x1E570];
	_ =	sdelay $0x4  }
0x62b: {  	v55 =	vshrl.u32 v3, $0x3  }
0x62c: {  	v4 =	vmul.u32 $0x18, v55  }
0x62d: {  	v3 =	vand.u32 $0x7, v3  }
0x62e: {  	v3 =	vor.u32 v3, v4  }
0x62f: {  	v4 =	vperm.xlane v3, v0;
	_ =	sdelay $0x1  }
0x630: {  	v4 =	vadd.s32 v1, v4;
	_ =	sdelay $0x1  }
0x631: {  	v3 =	vperm.xlane v3, v2;
	_ =	sdelay $0x1  }
0x632: {  	s12 =	simm.s32 $0x10800;
	v3 =	vadd.s32 v1, v3  }
0x633: {  	[tilespmem:s12], [sflag:$0x3] =	stream.indirect_vreg.gather [hbm4b:s4+s5], $0x80, v4, vm0, $0xb8;
	[tilespmem:$0x1E600] =	vst v63  }
0x634: {  	s18 =	simm.s32 $0x11000  }
0x635: {  	[tilespmem:s18], [sflag:$0x3] =	stream.indirect_vreg.gather [hbm4b:s9+s5], $0x80, v4, vm1, $0xb8;
	[tilespmem:$0x1E600] =	vst v63  }
0x636: {  	s12 =	simm.s32 $0x11400  }
0x637: {  	[tilespmem:s12], [sflag:$0x3] =	stream.indirect_vreg.gather [hbm4b:s4+s5], $0x80, v3, vm0, $0xb8;
	[tilespmem:$0x1E600] =	vst v63  }
0x638: {  	s18 =	simm.s32 $0x11C00  }
0x639: {  	[tilespmem:s18], [sflag:$0x3] =	stream.indirect_vreg.gather [hbm4b:s9+s5], $0x80, v3, vm1, $0xb8;
	[tilespmem:$0x1E600] =	vst v63  }
0x63a: {  	_ =	swait.ge [sflag:s23], $0x6000  }
0x63b: {  	[sflag:s23] =	ssyncset.done $0x0  }
0x63c: {  	s19 =	simm.s32 $0x12000;
	s10 =	rddreg [dreg:$0x1a];
	[sflag:s23] =	ssyncadd.s32 $0xFFFFA000  }
0x63d: {  	[hbm4b:s10+s13] =	stream.strided.scatter [tilespmem:s19], [sflag:$0x9], $0x6000, s17, s13, $0x38;
	[tilespmem:$0x1E600] =	vst v63  }
0x63e: {  	_ =	swait.ge [sflag:s24], $0x6000  }
0x63f: {  	[sflag:s24] =	ssyncset.done $0x0  }
0x640: {  	[sflag:s24] =	ssyncadd.s32 $0xFFFFA000  }
0x641: {  	v3 =	vld [tilespmem:$0x1E580];
	_ =	sdelay $0x4  }
0x642: {  	v56 =	vshrl.u32 v3, $0x3  }
0x643: {  	v4 =	vmul.u32 $0x18, v56  }
0x644: {  	v3 =	vand.u32 $0x7, v3  }
0x645: {  	v3 =	vor.u32 v3, v4  }
0x646: {  	v4 =	vperm.xlane v3, v0;
	_ =	sdelay $0x1  }
0x647: {  	v4 =	vadd.s32 v1, v4;
	_ =	sdelay $0x1  }
0x648: {  	v3 =	vperm.xlane v3, v2;
	_ =	sdelay $0x1  }
0x649: {  	v3 =	vadd.s32 v1, v3  }
0x64a: {  	[tilespmem:s19], [sflag:$0x4] =	stream.indirect_vreg.gather [hbm4b:s4+s5], $0x80, v4, vm0, $0xb8;
	[tilespmem:$0x1E600] =	vst v63  }
0x64b: {  	_ = 	snop  }
0x64c: {  	[tilespmem:s0], [sflag:$0x4] =	stream.indirect_vreg.gather [hbm4b:s9+s5], $0x80, v4, vm1, $0xb8;
	[tilespmem:$0x1E600] =	vst v63  }
0x64d: {  	_ = 	snop  }
0x64e: {  	[tilespmem:s16], [sflag:$0x4] =	stream.indirect_vreg.gather [hbm4b:s4+s5], $0x80, v3, vm0, $0xb8;
	[tilespmem:$0x1E600] =	vst v63  }
0x64f: {  	s16 =	simm.s32 $0x13400  }
0x650: {  	[tilespmem:s16], [sflag:$0x4] =	stream.indirect_vreg.gather [hbm4b:s9+s5], $0x80, v3, vm1, $0xb8;
	[tilespmem:$0x1E600] =	vst v63  }
0x651: {  	v3 =	vld [tilespmem:$0x1E590];
	_ =	sdelay $0x4  }
0x652: {  	v57 =	vshrl.u32 v3, $0x3  }
0x653: {  	v4 =	vmul.u32 $0x18, v57  }
0x654: {  	v3 =	vand.u32 $0x7, v3  }
0x655: {  	v3 =	vor.u32 v3, v4  }
0x656: {  	v4 =	vperm.xlane v3, v0;
	_ =	sdelay $0x1  }
0x657: {  	v4 =	vadd.s32 v1, v4;
	_ =	sdelay $0x1  }
0x658: {  	v3 =	vperm.xlane v3, v2;
	_ =	sdelay $0x1  }
0x659: {  	v3 =	vadd.s32 v1, v3  }
0x65a: {  	[tilespmem:s14], [sflag:$0x4] =	stream.indirect_vreg.gather [hbm4b:s4+s5], $0x80, v4, vm0, $0xb8;
	[tilespmem:$0x1E600] =	vst v63  }
0x65b: {  	s18 =	simm.s32 $0x14000  }
0x65c: {  	[tilespmem:s18], [sflag:$0x4] =	stream.indirect_vreg.gather [hbm4b:s9+s5], $0x80, v4, vm1, $0xb8;
	[tilespmem:$0x1E600] =	vst v63  }
0x65d: {  	s10 =	simm.s32 $0x14400  }
0x65e: {  	[tilespmem:s10], [sflag:$0x4] =	stream.indirect_vreg.gather [hbm4b:s4+s5], $0x80, v3, vm0, $0xb8;
	[tilespmem:$0x1E600] =	vst v63  }
0x65f: {  	s12 =	simm.s32 $0x14C00  }
0x660: {  	[tilespmem:s12], [sflag:$0x4] =	stream.indirect_vreg.gather [hbm4b:s9+s5], $0x80, v3, vm1, $0xb8;
	[tilespmem:$0x1E600] =	vst v63  }
0x661: {  	v3 =	vld [tilespmem:$0x1E5A0];
	_ =	sdelay $0x4  }
0x662: {  	v58 =	vshrl.u32 v3, $0x3  }
0x663: {  	v4 =	vmul.u32 $0x18, v58  }
0x664: {  	v3 =	vand.u32 $0x7, v3  }
0x665: {  	v3 =	vor.u32 v3, v4  }
0x666: {  	v4 =	vperm.xlane v3, v0;
	_ =	sdelay $0x1  }
0x667: {  	v4 =	vadd.s32 v1, v4;
	_ =	sdelay $0x1  }
0x668: {  	v3 =	vperm.xlane v3, v2;
	_ =	sdelay $0x1  }
0x669: {  	s14 =	simm.s32 $0x15000;
	v3 =	vadd.s32 v1, v3  }
0x66a: {  	[tilespmem:s14], [sflag:$0x4] =	stream.indirect_vreg.gather [hbm4b:s4+s5], $0x80, v4, vm0, $0xb8;
	[tilespmem:$0x1E600] =	vst v63  }
0x66b: {  	s16 =	simm.s32 $0x15800  }
0x66c: {  	[tilespmem:s16], [sflag:$0x4] =	stream.indirect_vreg.gather [hbm4b:s9+s5], $0x80, v4, vm1, $0xb8;
	[tilespmem:$0x1E600] =	vst v63  }
0x66d: {  	s18 =	simm.s32 $0x15C00  }
0x66e: {  	[tilespmem:s18], [sflag:$0x4] =	stream.indirect_vreg.gather [hbm4b:s4+s5], $0x80, v3, vm0, $0xb8;
	[tilespmem:$0x1E600] =	vst v63  }
0x66f: {  	s10 =	simm.s32 $0x16400  }
0x670: {  	[tilespmem:s10], [sflag:$0x4] =	stream.indirect_vreg.gather [hbm4b:s9+s5], $0x80, v3, vm1, $0xb8;
	[tilespmem:$0x1E600] =	vst v63  }
0x671: {  	v3 =	vld [tilespmem:$0x1E5B0];
	_ =	sdelay $0x4  }
0x672: {  	v59 =	vshrl.u32 v3, $0x3  }
0x673: {  	v4 =	vmul.u32 $0x18, v59  }
0x674: {  	v3 =	vand.u32 $0x7, v3  }
0x675: {  	v3 =	vor.u32 v3, v4  }
0x676: {  	v4 =	vperm.xlane v3, v0;
	_ =	sdelay $0x1  }
0x677: {  	v4 =	vadd.s32 v1, v4;
	_ =	sdelay $0x1  }
0x678: {  	v3 =	vperm.xlane v3, v2;
	_ =	sdelay $0x1  }
0x679: {  	s12 =	simm.s32 $0x16800;
	v3 =	vadd.s32 v1, v3  }
0x67a: {  	[tilespmem:s12], [sflag:$0x4] =	stream.indirect_vreg.gather [hbm4b:s4+s5], $0x80, v4, vm0, $0xb8;
	[tilespmem:$0x1E600] =	vst v63  }
0x67b: {  	s14 =	simm.s32 $0x17000  }
0x67c: {  	[tilespmem:s14], [sflag:$0x4] =	stream.indirect_vreg.gather [hbm4b:s9+s5], $0x80, v4, vm1, $0xb8;
	[tilespmem:$0x1E600] =	vst v63  }
0x67d: {  	s16 =	simm.s32 $0x17400  }
0x67e: {  	[tilespmem:s16], [sflag:$0x4] =	stream.indirect_vreg.gather [hbm4b:s4+s5], $0x80, v3, vm0, $0xb8;
	[tilespmem:$0x1E600] =	vst v63  }
0x67f: {  	s18 =	simm.s32 $0x17C00  }
0x680: {  	[tilespmem:s18], [sflag:$0x4] =	stream.indirect_vreg.gather [hbm4b:s9+s5], $0x80, v3, vm1, $0xb8;
	[tilespmem:$0x1E600] =	vst v63  }
0x681: {  	_ =	swait.ge [sflag:s25], $0x6000  }
0x682: {  	[sflag:s25] =	ssyncset.done $0x0  }
0x683: {  	s0 =	rddreg [dreg:$0x1b];
	[sflag:s25] =	ssyncadd.s32 $0xFFFFA000  }
0x684: {  	[hbm4b:s0+s13] =	stream.strided.scatter [tilespmem:s28], [sflag:$0xA], $0x6000, s17, s13, $0x38;
	[tilespmem:$0x1E600] =	vst v63  }
0x685: {  	_ =	swait.ge [sflag:s26], $0x6000  }
0x686: {  	[sflag:s26] =	ssyncset.done $0x0  }
0x687: {  	[sflag:s26] =	ssyncadd.s32 $0xFFFFA000  }
0x688: {  	v3 =	vld [tilespmem:$0x1E5C0];
	_ =	sdelay $0x4  }
0x689: {  	v60 =	vshrl.u32 v3, $0x3  }
0x68a: {  	v4 =	vmul.u32 $0x18, v60  }
0x68b: {  	v3 =	vand.u32 $0x7, v3  }
0x68c: {  	v3 =	vor.u32 v3, v4  }
0x68d: {  	v4 =	vperm.xlane v3, v0;
	_ =	sdelay $0x1  }
0x68e: {  	v4 =	vadd.s32 v1, v4;
	_ =	sdelay $0x1  }
0x68f: {  	v3 =	vperm.xlane v3, v2;
	_ =	sdelay $0x1  }
0x690: {  	v3 =	vadd.s32 v1, v3  }
0x691: {  	[tilespmem:s28], [sflag:$0x5] =	stream.indirect_vreg.gather [hbm4b:s4+s5], $0x80, v4, vm0, $0xb8;
	[tilespmem:$0x1E600] =	vst v63  }
0x692: {  	s10 =	simm.s32 $0x18800  }
0x693: {  	[tilespmem:s10], [sflag:$0x5] =	stream.indirect_vreg.gather [hbm4b:s9+s5], $0x80, v4, vm1, $0xb8;
	[tilespmem:$0x1E600] =	vst v63  }
0x694: {  	s12 =	simm.s32 $0x18C00  }
0x695: {  	[tilespmem:s12], [sflag:$0x5] =	stream.indirect_vreg.gather [hbm4b:s4+s5], $0x80, v3, vm0, $0xb8;
	[tilespmem:$0x1E600] =	vst v63  }
0x696: {  	s14 =	simm.s32 $0x19400  }
0x697: {  	[tilespmem:s14], [sflag:$0x5] =	stream.indirect_vreg.gather [hbm4b:s9+s5], $0x80, v3, vm1, $0xb8;
	[tilespmem:$0x1E600] =	vst v63  }
0x698: {  	v3 =	vld [tilespmem:$0x1E5D0];
	_ =	sdelay $0x4  }
0x699: {  	v61 =	vshrl.u32 v3, $0x3  }
0x69a: {  	v4 =	vmul.u32 $0x18, v61  }
0x69b: {  	v3 =	vand.u32 $0x7, v3  }
0x69c: {  	v3 =	vor.u32 v3, v4  }
0x69d: {  	v4 =	vperm.xlane v3, v0;
	_ =	sdelay $0x1  }
0x69e: {  	v4 =	vadd.s32 v1, v4;
	_ =	sdelay $0x1  }
0x69f: {  	v3 =	vperm.xlane v3, v2;
	_ =	sdelay $0x1  }
0x6a0: {  	s16 =	simm.s32 $0x19800;
	v3 =	vadd.s32 v1, v3  }
0x6a1: {  	[tilespmem:s16], [sflag:$0x5] =	stream.indirect_vreg.gather [hbm4b:s4+s5], $0x80, v4, vm0, $0xb8;
	[tilespmem:$0x1E600] =	vst v63  }
0x6a2: {  	s18 =	simm.s32 $0x1A000  }
0x6a3: {  	[tilespmem:s18], [sflag:$0x5] =	stream.indirect_vreg.gather [hbm4b:s9+s5], $0x80, v4, vm1, $0xb8;
	[tilespmem:$0x1E600] =	vst v63  }
0x6a4: {  	s12 =	simm.s32 $0x1A400  }
0x6a5: {  	[tilespmem:s12], [sflag:$0x5] =	stream.indirect_vreg.gather [hbm4b:s4+s5], $0x80, v3, vm0, $0xb8;
	[tilespmem:$0x1E600] =	vst v63  }
0x6a6: {  	s14 =	simm.s32 $0x1AC00  }
0x6a7: {  	[tilespmem:s14], [sflag:$0x5] =	stream.indirect_vreg.gather [hbm4b:s9+s5], $0x80, v3, vm1, $0xb8;
	[tilespmem:$0x1E600] =	vst v63  }
0x6a8: {  	s10 =	sld [smem:$0x7F7];
	_ =	swait.ge [sflag:s30], $0x6000  }
0x6a9: {  	[sflag:s30] =	ssyncset.done $0x0  }
0x6aa: {  	s16 =	rddreg [dreg:$0x1c];
	[sflag:s30] =	ssyncadd.s32 $0xFFFFA000  }
0x6ab: {  	[hbm4b:s16+s13] =	stream.strided.scatter [tilespmem:s5], [sflag:$0x6], $0x6000, s17, s13, $0x38;
	[tilespmem:$0x1E600] =	vst v63  }
0x6ac: {  	_ =	swait.ge [sflag:s3], $0x6000  }
0x6ad: {  	[sflag:s3] =	ssyncset.done $0x0  }
0x6ae: {  	[sflag:s3] =	ssyncadd.s32 $0xFFFFA000  }
0x6af: {  	v3 =	vld [tilespmem:$0x1E5E0];
	_ =	sdelay $0x4  }
0x6b0: {  	v62 =	vshrl.u32 v3, $0x3  }
0x6b1: {  	v4 =	vmul.u32 $0x18, v62  }
0x6b2: {  	v3 =	vand.u32 $0x7, v3  }
0x6b3: {  	v3 =	vor.u32 v3, v4  }
0x6b4: {  	v4 =	vperm.xlane v3, v0;
	_ =	sdelay $0x1  }
0x6b5: {  	v4 =	vadd.s32 v1, v4;
	_ =	sdelay $0x1  }
0x6b6: {  	v3 =	vperm.xlane v3, v2;
	_ =	sdelay $0x1  }
0x6b7: {  	v3 =	vadd.s32 v1, v3  }
0x6b8: {  	[tilespmem:s5], [sflag:$0x1] =	stream.indirect_vreg.gather [hbm4b:s4+s5], $0x80, v4, vm0, $0xb8;
	[tilespmem:$0x1E600] =	vst v63  }
0x6b9: {  	s18 =	simm.s32 $0x800  }
0x6ba: {  	[tilespmem:s18], [sflag:$0x1] =	stream.indirect_vreg.gather [hbm4b:s9+s5], $0x80, v4, vm1, $0xb8;
	[tilespmem:$0x1E600] =	vst v63  }
0x6bb: {  	_ = 	snop  }
0x6bc: {  	[tilespmem:s13], [sflag:$0x1] =	stream.indirect_vreg.gather [hbm4b:s4+s5], $0x80, v3, vm0, $0xb8;
	[tilespmem:$0x1E600] =	vst v63  }
0x6bd: {  	s12 =	simm.s32 $0x1400  }
0x6be: {  	[tilespmem:s12], [sflag:$0x1] =	stream.indirect_vreg.gather [hbm4b:s9+s5], $0x80, v3, vm1, $0xb8;
	[tilespmem:$0x1E600] =	vst v63  }
0x6bf: {  	v3 =	vld [tilespmem:$0x1E5F0];
	_ =	sdelay $0x4  }
0x6c0: {  	v63 =	vshrl.u32 v3, $0x3  }
0x6c1: {  	v4 =	vmul.u32 $0x18, v63  }
0x6c2: {  	v3 =	vand.u32 $0x7, v3  }
0x6c3: {  	v3 =	vor.u32 v3, v4  }
0x6c4: {  	v4 =	vperm.xlane v3, v0;
	_ =	sdelay $0x1  }
0x6c5: {  	v4 =	vadd.s32 v1, v4;
	_ =	sdelay $0x1  }
0x6c6: {  	v3 =	vperm.xlane v3, v2;
	_ =	sdelay $0x1  }
0x6c7: {  	s31 =	simm.s32 $0x1800;
	v3 =	vadd.s32 v1, v3  }
0x6c8: {  	[tilespmem:s31], [sflag:$0x1] =	stream.indirect_vreg.gather [hbm4b:s4+s5], $0x80, v4, vm0, $0xb8;
	[tilespmem:$0x1E600] =	vst v63  }
0x6c9: {  	s14 =	simm.s32 $0x2000  }
0x6ca: {  	[tilespmem:s14], [sflag:$0x1] =	stream.indirect_vreg.gather [hbm4b:s9+s5], $0x80, v4, vm1, $0xb8;
	[tilespmem:$0x1E600] =	vst v63  }
0x6cb: {  	_ = 	snop  }
0x6cc: {  	[tilespmem:s17], [sflag:$0x1] =	stream.indirect_vreg.gather [hbm4b:s4+s5], $0x80, v3, vm0, $0xb8;
	[tilespmem:$0x1E600] =	vst v63  }
0x6cd: {  	s11 =	simm.s32 $0x2C00  }
0x6ce: {  	[tilespmem:s11], [sflag:$0x1] =	stream.indirect_vreg.gather [hbm4b:s9+s5], $0x80, v3, vm1, $0xb8;
	[tilespmem:$0x1E600] =	vst v63  }
0x6cf: {  	_ =	swait.ge [sflag:s15], $0x6000  }
0x6d0: {  	[sflag:s15] =	ssyncset.done $0x0  }
0x6d1: {  	s16 =	rddreg [dreg:$0x1d];
	[sflag:s15] =	ssyncadd.s32 $0xFFFFA000  }
0x6d2: {  	[hbm4b:s16+s13] =	stream.strided.scatter [tilespmem:s29], [sflag:$0x7], $0x6000, s17, s13, $0x38;
	[tilespmem:$0x1E600] =	vst v63  }
0x6d3: {  	_ =	swait.ge [sflag:s21], $0x6000  }
0x6d4: {  	[sflag:s21] =	ssyncset.done $0x0  }
0x6d5: {  	s18 =	rddreg [dreg:$0x1e];
	[sflag:s21] =	ssyncadd.s32 $0xFFFFA000  }
0x6d6: {  	[hbm4b:s18+s13] =	stream.strided.scatter [tilespmem:s20], [sflag:$0x8], $0x6000, s17, s13, $0x38;
	[tilespmem:$0x1E600] =	vst v63  }
0x6d7: {  	_ =	swait.ge [sflag:s23], $0x6000  }
0x6d8: {  	[sflag:s23] =	ssyncset.done $0x0  }
0x6d9: {  	s20 =	rddreg [dreg:$0x1f];
	[sflag:s23] =	ssyncadd.s32 $0xFFFFA000  }
0x6da: {  	[hbm4b:s20+s13] =	stream.strided.scatter [tilespmem:s19], [sflag:$0x9], $0x6000, s17, s13, $0x38;
	[tilespmem:$0x1E600] =	vst v63  }
0x6db: {  	_ =	swait.ge [sflag:s25], $0x3000  }
0x6dc: {  	s29 =	sld [smem:$0x7F8]  }
0x6dd: {  	[sflag:s25] =	ssyncset.done $0x0  }
0x6de: {  	[sflag:s25] =	ssyncadd.s32 $0xFFFFD000  }
0x6df: {  	[hbm4b:s29+s13] =	stream.strided.scatter [tilespmem:s28], [sflag:$0xA], $0x3000, s17, s13, $0x38;
	[tilespmem:$0x1E600] =	vst v63  }
0x6e0: {  	_ =	swait.ge [sflag:s30], $0x3000  }
0x6e1: {  	s31 =	sld [smem:$0x7FA]  }
0x6e2: {  	[sflag:s30] =	ssyncset.done $0x0  }
0x6e3: {  	[sflag:s30] =	ssyncadd.s32 $0xFFFFD000  }
0x6e4: {  	[hbm4b:s31+s13] =	stream.strided.scatter [tilespmem:s5], [sflag:$0x6], $0x3000, s17, s13, $0x38;
	[tilespmem:$0x1E600] =	vst v63  }
0x6e5: {  	_ =	swait.ge [sflag:s6], $0x6000  }
0x6e6: {  	[sflag:s6] =	ssyncset.done $0x0  }
0x6e7: {  	[sflag:s6] =	ssyncadd.s32 $0xFFFFA000  }
0x6e8: {  	_ =	swait.ge [sflag:s22], $0x6000  }
0x6e9: {  	[sflag:s22] =	ssyncset.done $0x0  }
0x6ea: {  	[sflag:s22] =	ssyncadd.s32 $0xFFFFA000  }
0x6eb: {  	_ =	swait.ge [sflag:s24], $0x6000  }
0x6ec: {  	[sflag:s24] =	ssyncset.done $0x0  }
0x6ed: {  	[sflag:s24] =	ssyncadd.s32 $0xFFFFA000  }
0x6ee: {  	p0 =	sne.s32 s10, $0x1;
	_ =	swait.ge [sflag:s26], $0x3000  }
.Ltmp0:
0x6ef: {  	[sflag:s26] =	ssyncset.done $0x0;
	(pc) =	sbr.rel @p0 .LBB2_1-.Ltmp0, $4  }
0x6f0: {  	[sflag:s26] =	ssyncadd.s32 $0xFFFFD000  }
0x6f1: {  	_ =	swait.ge [sflag:s3], $0x3000  }
0x6f2: {  	[sflag:s3] =	ssyncset.done $0x0  }
0x6f3: {  	s10 =	sadd.s32 $0xFFFFFFFF, s10;
	[sflag:s3] =	ssyncadd.s32 $0xFFFFD000  }
0x6f4: {  	_ =	sfence.sel $0x180000  }
0x6f5: {  	[bflag:$0x0] =	sbarrier.arrive $0xFFFF  }
0x6f6: {  	_ =	strace $0x90000047  }
0x6f7: {  	s0 =	stileid.u32;
	[bflag:$0x2] =	sbarrier.arrive $0xFFFF  }
0x6f8: {  	p0 =	sne.s32 s0, $0x0;
	s0 =	rddreg [dreg:$0x5]  }
0x6f9: {  	s0 =	sadd.s32 @!p0 $0x100000, s0  }
0x6fa: {  	[sflag:s0] =	ssyncadd.tile.s32 @!p0 $0x1;
	_ =	shalt  }
.Lfunc_end2:
_tile_overlayer_lowered:
.L_overlay_start_2:
0x6fb: {  	(tag) =	ssettag $0x2  }
0x6fc: {  	s0 =	rddreg [dreg:$0x0];
	s2 =	stileid.u32  }
0x6fd: {  	s1 =	rddreg [dreg:$0x1];
	p0 =	sne.s32 s2, $0x0  }
0x6fe: {  	s3 =	rddreg [dreg:$0x2];
	[bflag:$0x3] =	sbarrier.arrive $0xFFFF;
	s2 =	simm.s32 @!p0 $0x1C0B  }
0x6ff: {  	[timem:s3], [sflag:s2] =	dma.local @!p0 [hbm:s0], s1  }
0x700: {  	s0 =	simm.s32 @!p0 $0xB  }
0x701: {  	_ =	swait.ge @!p0 [sflag:s0], s1  }
0x702: {  	s1 =	ssub.s32 @!p0 $0x0, s1;
	[sflag:s0] =	ssyncset.done @!p0 $0x0  }
0x703: {  	[sflag:s0] =	ssyncadd.s32 @!p0 s1  }
0x704: {  	[bflag:$0x3] =	sbarrier.arrive $0xFFFF  }
0x705: {  	_ =	shalt  }

</sc_bundles>
